<compile_context>
chip_gen: v7x
topology: tpu7x:2x2x1
jax: 0.10.2.dev20260603
libtpu: 0.0.44.dev20260713+nightly
codegen_flags: <defaults>
</compile_context>

<pallas_src>
import functools

import jax
import jax.numpy as jnp
from jax import lax
from jax.experimental import pallas as pl
from jax.experimental.pallas import tpu as pltpu
from jax.experimental.pallas import tpu_sc as plsc

N = 24
F = 512
H = 8
E = 576
G = E // 16
NS = 16


def _rsqrt_nr(x):
    i = plsc.bitcast(x, jnp.int32)
    y = plsc.bitcast(jnp.full((16,), 0x5F3759DF, jnp.int32)
                     - lax.shift_right_logical(i, 1), jnp.float32)
    for _ in range(3):
        y = y * (1.5 - 0.5 * x * y * y)
    return y


def _sc_gcn_body(ei_hbm, x_hbm, w1_hbm, b1_hbm, fc1w_hbm, fc1b_hbm,
                 fc2w_hbm, fc2b_hbm, out_hbm,
                 ei_v, w1_v, x0_v, x1_v, xw_v, xwbuf_v, dinv_v, dega_v,
                 amat_v, h_v, fc1w_v, f1_v, fc2w_v, b1_v, fc1b_v, fc2b_v,
                 pub_v, tmp_v, sh_xw, sh_h, sh_fc1,
                 sem1, sem2, sem3, sem4):
    t = lax.axis_index("s")
    iota = lax.iota(jnp.int32, 16)
    lane_lo = iota < H
    half = lax.shift_right_logical(iota, 3)
    z16 = jnp.zeros((16,), jnp.float32)

    row2 = NS + lax.shift_right_logical(t, 1)
    hsel = t & 1
    c_x0 = pltpu.async_copy(x_hbm.at[t], x0_v, sem1)
    c_w1 = pltpu.async_copy(w1_hbm, w1_v, sem1)
    c_x1 = pltpu.async_copy(x_hbm.at[row2, pl.ds(hsel * (F // 2), F // 2)],
                            x1_v, sem2)
    c_ei = pltpu.async_copy(ei_hbm, ei_v, sem3)
    c_b1 = pltpu.async_copy(b1_hbm, b1_v.at[pl.ds(0, H)], sem4)
    c_f1w = pltpu.async_copy(fc1w_hbm.at[pl.ds(t * 8, 8)], fc1w_v, sem4)
    c_f1b = pltpu.async_copy(fc1b_hbm.at[pl.ds(t * 8, 8)],
                             fc1b_v.at[pl.ds(0, 8)], sem4)

    @pl.when(t == NS - 1)
    def _():
        pltpu.async_copy(fc2w_hbm, fc2w_v, sem4).wait()
        pltpu.async_copy(fc2b_hbm, fc2b_v.at[pl.ds(0, 2)], sem4).wait()

    c_x0.wait()
    c_w1.wait()
    def _matmul(x_ref, chunk0, nchunks):
        def body(j, accs):
            new = list(accs)
            xv = x_ref[pl.ds(16 * j, 16)]
            for u in range(8):
                jj = 8 * j + u
                xs = jnp.where(lane_lo, xv[2 * u], xv[2 * u + 1])
                new[u % 4] = new[u % 4] + xs * w1_v[pl.ds((chunk0 + jj) * 16, 16)]
            return tuple(new)
        accs = lax.fori_loop(0, nchunks // 8, body, (z16, z16, z16, z16))
        tmp_v[...] = (accs[0] + accs[1]) + (accs[2] + accs[3])
        lo = plsc.load_gather(tmp_v, [iota & (H - 1)])
        hi = plsc.load_gather(tmp_v, [(iota & (H - 1)) + H])
        return lo + hi

    rowA = _matmul(x0_v, 0, F // 2)
    c_x1.wait()
    rowB = _matmul(x1_v, hsel * (F // 4), F // 4)
    pub_v[...] = jnp.where(lane_lo, rowA, rowB)
    pltpu.sync_copy(pub_v, sh_xw.at[pl.ds(t * 16, 16)])
    c_ei.wait()

    dega_v[pl.ds(0, 16)] = z16
    dega_v[pl.ds(16, 16)] = z16
    ones16 = jnp.full((16,), 1.0, jnp.float32)

    def degbody(g, carry):
        for u in range(4):
            gg = 4 * g + u
            plsc.addupdate_scatter(dega_v, [ei_v[1, pl.ds(gg * 16, 16)]],
                                   ones16)
            amat_v[pl.ds(gg * 16, 16)] = z16
        return carry

    lax.fori_loop(0, G // 4, degbody, 0)
    dinv_v[pl.ds(0, 16)] = _rsqrt_nr(dega_v[pl.ds(0, 16)] + 1.0)
    dinv_v[pl.ds(16, 16)] = _rsqrt_nr(dega_v[pl.ds(16, 16)] + 1.0)

    def abody(g, carry):
        for u in range(4):
            gg = 4 * g + u
            s16 = ei_v[0, pl.ds(gg * 16, 16)]
            d16 = ei_v[1, pl.ds(gg * 16, 16)]
            w = (plsc.load_gather(dinv_v, [s16])
                 * plsc.load_gather(dinv_v, [d16]))
            plsc.addupdate_scatter(amat_v, [d16 * N + s16], w)
        return carry

    lax.fori_loop(0, G // 4, abody, 0)

    c_b1.wait()
    c_f1w.wait()
    c_f1b.wait()

    plsc.subcore_barrier()

    pltpu.sync_copy(sh_xw, xwbuf_v)
    h8 = iota & (H - 1)
    for i in range(8):
        n = lax.shift_right_logical(16 * i + iota, 3)
        xw_v[pl.ds(16 * i, 16)] = plsc.load_gather(xwbuf_v, [n * 16 + h8])
    for c in range(4):
        j = 16 * c + iota
        m = lax.shift_right_logical(j, 3)
        ga = plsc.load_gather(xwbuf_v, [(2 * m) * 16 + 8 + h8])
        gb = plsc.load_gather(xwbuf_v, [(2 * m + 1) * 16 + 8 + h8])
        xw_v[pl.ds(128 + 16 * c, 16)] = ga + gb

    def _node_row(n_scalar):
        nvec = jnp.full((16,), n_scalar, jnp.int32)
        abase = n_scalar * N
        av0 = amat_v[pl.ds(abase, 16)]
        av1 = amat_v[pl.ds(abase + 8, 16)]
        acc = z16
        for s2 in range(N // 2):
            if s2 < 8:
                a0, a1 = av0[2 * s2], av0[2 * s2 + 1]
            else:
                a0, a1 = av1[2 * s2 - 8], av1[2 * s2 - 7]
            a2 = jnp.where(lane_lo, a0, a1)
            acc = acc + a2 * xw_v[pl.ds(16 * s2, 16)]
        tmp_v[...] = acc
        lo = plsc.load_gather(tmp_v, [iota & (H - 1)])
        hi = plsc.load_gather(tmp_v, [(iota & (H - 1)) + H])
        row = lo + hi
        dn = plsc.load_gather(dinv_v, [nvec])
        xwn = plsc.load_gather(xw_v, [nvec * H + (iota & (H - 1))])
        bv = plsc.load_gather(b1_v, [iota & (H - 1)])
        return jnp.maximum(row + dn * dn * xwn + bv, 0.0)

    rA = _node_row(t)
    rB = _node_row(NS + t)
    pub_v[...] = jnp.where(lane_lo, rA, rB)
    pltpu.sync_copy(pub_v, sh_h.at[pl.ds(t * 16, 16)])

    plsc.subcore_barrier()

    pltpu.sync_copy(sh_h, h_v)
    hc = []
    for i in range(12):
        n = lax.shift_right_logical(16 * i + iota, 3)
        if i < 8:
            hc.append(plsc.load_gather(h_v, [n * 16 + h8]))
        else:
            hc.append(plsc.load_gather(h_v, [(n - 16) * 16 + 8 + h8]))
    o8 = z16
    for j in range(8):
        acc = hc[0] * fc1w_v[j, pl.ds(0, 16)]
        for i in range(1, 12):
            acc = acc + hc[i] * fc1w_v[j, pl.ds(16 * i, 16)]
        o8 = jnp.where(iota == j, jnp.sum(acc), o8)
    pub_v[...] = o8 + fc1b_v[...]
    pltpu.sync_copy(pub_v.at[pl.ds(0, 8)], sh_fc1.at[pl.ds(t * 8, 8)])

    plsc.subcore_barrier()

    @pl.when(t == NS - 1)
    def _():
        pltpu.sync_copy(sh_fc1, f1_v)
        fc = [f1_v[pl.ds(16 * i, 16)] for i in range(8)]
        logits = []
        for c in range(2):
            acc = fc[0] * fc2w_v[c, pl.ds(0, 16)]
            for i in range(1, 8):
                acc = acc + fc[i] * fc2w_v[c, pl.ds(16 * i, 16)]
            bc = jnp.sum(jnp.where(iota == c, fc2b_v[...], 0.0))
            logits.append(jnp.sum(acc) + bc)
        a, b = logits
        m = jnp.maximum(a, b)
        d = -jnp.abs(a - b)
        e = jnp.exp(jnp.full((16,), d, jnp.float32))
        z = e / (2.0 + e)
        z2 = z * z
        p = 1.0 + z2 * (1.0 / 3.0 + z2 * (1.0 / 5.0 + z2 * (
            1.0 / 7.0 + z2 * (1.0 / 9.0 + z2 * (1.0 / 11.0)))))
        lse = m + 2.0 * z * p
        tmp_v[...] = jnp.where(iota == 0, a, b) - lse
        pltpu.sync_copy(tmp_v.at[pl.ds(0, 2)], out_hbm)


def _sc_gcn(ei, x, w1_flat, b1, fc1_w, fc1_b, fc2_w, fc2_b):
    mesh = plsc.VectorSubcoreMesh(core_axis_name="c", subcore_axis_name="s",
                                  num_cores=1, num_subcores=NS)
    return pl.kernel(
        _sc_gcn_body,
        out_type=jax.ShapeDtypeStruct((2,), jnp.float32),
        mesh=mesh,
        compiler_params=pltpu.CompilerParams(needs_layout_passes=False),
        scratch_types=[
            pltpu.VMEM((2, E), jnp.int32),
            pltpu.VMEM((F * H,), jnp.float32),
            pltpu.VMEM((F,), jnp.float32),
            pltpu.VMEM((F // 2,), jnp.float32),
            pltpu.VMEM((256,), jnp.float32),
            pltpu.VMEM((256,), jnp.float32),
            pltpu.VMEM((32,), jnp.float32),
            pltpu.VMEM((32,), jnp.float32),
            pltpu.VMEM((768,), jnp.float32),
            pltpu.VMEM((256,), jnp.float32),
            pltpu.VMEM((8, N * H), jnp.float32),
            pltpu.VMEM((128,), jnp.float32),
            pltpu.VMEM((2, 128), jnp.float32),
            pltpu.VMEM((16,), jnp.float32),
            pltpu.VMEM((16,), jnp.float32),
            pltpu.VMEM((16,), jnp.float32),
            pltpu.VMEM((16,), jnp.float32),
            pltpu.VMEM((16,), jnp.float32),
            pltpu.VMEM_SHARED((256,), jnp.float32),
            pltpu.VMEM_SHARED((256,), jnp.float32),
            pltpu.VMEM_SHARED((128,), jnp.float32),
            pltpu.SemaphoreType.DMA,
            pltpu.SemaphoreType.DMA,
            pltpu.SemaphoreType.DMA,
            pltpu.SemaphoreType.DMA,
        ],
    )(ei, x, w1_flat, b1, fc1_w, fc1_b, fc2_w, fc2_b)


def kernel(x, edge_index, W1, b1, fc1_W, fc1_b, fc2_W, fc2_b):
    out = _sc_gcn(edge_index, x, W1.reshape(F * H), b1,
                  fc1_W, fc1_b, fc2_W, fc2_b)
    return out.reshape(1, 2)

# --- scband reference (transcript-rebuilt; emitter-appended) ---
"""Pipeline reference for scband-gcn-8-72782515798116 (READ-ONLY COPY).

The authoritative reference and input builder live on the scoring server;
editing this copy changes nothing except your own understanding.
"""

import jax, jax.numpy as jnp
import numpy as np

N_NODES = 24
F_IN = 512
HIDDEN = 8
N_EDGES = 576
NUM_CLASSES = 2


def setup_inputs(seed: int = 0) -> dict:
    key = jax.random.key(seed)
    ks = jax.random.split(key, 8)
    x = jax.random.normal(ks[0], (N_NODES, F_IN), dtype=jnp.float32)
    edge_index = jax.random.randint(ks[1], (2, N_EDGES), 0, N_NODES, dtype=jnp.int32)
    # GCNConv weight: [in_channels, out_channels] so that x @ W matches PyG's lin(x)
    W1 = jax.random.normal(ks[2], (F_IN, HIDDEN), dtype=jnp.float32) * 0.05
    b1 = jnp.zeros((HIDDEN,), dtype=jnp.float32)
    # torch.nn.Linear stores weight as [out, in]; y = x @ W.T + b
    fc1_W = jax.random.normal(ks[3], (128, N_NODES * HIDDEN), dtype=jnp.float32) * 0.05
    fc1_b = jnp.zeros((128,), dtype=jnp.float32)
    fc2_W = jax.random.normal(ks[4], (NUM_CLASSES, 128), dtype=jnp.float32) * 0.05
    fc2_b = jnp.zeros((NUM_CLASSES,), dtype=jnp.float32)
    return {"x": x, "edge_index": edge_index, "W1": W1, "b1": b1,
            "fc1_W": fc1_W, "fc1_b": fc1_b, "fc2_W": fc2_W, "fc2_b": fc2_b}


def gcn_conv(x, edge_index, W, b):
    # Faithful PyG GCNConv: add self-loops, symmetric normalization,
    # message = norm * (x @ W)[src], scatter-add into dst, plus bias.
    N = x.shape[0]
    src = edge_index[0]
    dst = edge_index[1]
    loop = jnp.arange(N, dtype=src.dtype)
    src = jnp.concatenate([src, loop])
    dst = jnp.concatenate([dst, loop])
    xw = x @ W
    ones = jnp.ones(src.shape[0], dtype=x.dtype)
    deg = jnp.zeros((N,), dtype=x.dtype).at[dst].add(ones)
    dinv = jnp.where(deg > 0, 1.0 / jnp.sqrt(deg), 0.0)
    norm = dinv[src] * dinv[dst]
    msg = xw[src] * norm[:, None]
    out = jnp.zeros((N, xw.shape[1]), dtype=x.dtype).at[dst].add(msg)
    return out + b


def reference(x, edge_index, W1, b1, fc1_W, fc1_b, fc2_W, fc2_b):
    h = jax.nn.relu(gcn_conv(x, edge_index, W1, b1))
    v = h.reshape(-1)  # [24*8] = [192]
    v = v @ fc1_W.T + fc1_b
    v = v @ fc2_W.T + fc2_b
    out = jax.nn.log_softmax(v.reshape(1, 2), axis=1)
    return out

if __name__ == "__main__":
    import jax
    _d = setup_inputs()
    print(jax.jit(kernel)(*tuple(_d.values())))

</pallas_src>

<mosaic_0001>
#map = affine_map<(d0, d1) -> (0, 0)>
#map1 = affine_map<(d0, d1) -> (0)>
module attributes {stable_mosaic.version = 14 : i64} {
  func.func @_sc_gcn_body(%arg0: i32, %arg1: i32, %arg2: memref<2x576xi32, #tpu.memory_space<hbm>>, %arg3: memref<24x512xf32, #tpu.memory_space<hbm>>, %arg4: memref<4096xf32, #tpu.memory_space<hbm>>, %arg5: memref<8xf32, #tpu.memory_space<hbm>>, %arg6: memref<128x192xf32, #tpu.memory_space<hbm>>, %arg7: memref<128xf32, #tpu.memory_space<hbm>>, %arg8: memref<2x128xf32, #tpu.memory_space<hbm>>, %arg9: memref<2xf32, #tpu.memory_space<hbm>>, %arg10: memref<2xf32, #tpu.memory_space<hbm>>, %arg11: memref<2x576xi32, #tpu.memory_space<vmem>>, %arg12: memref<4096xf32, #tpu.memory_space<vmem>>, %arg13: memref<512xf32, #tpu.memory_space<vmem>>, %arg14: memref<256xf32, #tpu.memory_space<vmem>>, %arg15: memref<256xf32, #tpu.memory_space<vmem>>, %arg16: memref<256xf32, #tpu.memory_space<vmem>>, %arg17: memref<32xf32, #tpu.memory_space<vmem>>, %arg18: memref<32xf32, #tpu.memory_space<vmem>>, %arg19: memref<768xf32, #tpu.memory_space<vmem>>, %arg20: memref<256xf32, #tpu.memory_space<vmem>>, %arg21: memref<8x192xf32, #tpu.memory_space<vmem>>, %arg22: memref<128xf32, #tpu.memory_space<vmem>>, %arg23: memref<2x128xf32, #tpu.memory_space<vmem>>, %arg24: memref<16xf32, #tpu.memory_space<vmem>>, %arg25: memref<16xf32, #tpu.memory_space<vmem>>, %arg26: memref<16xf32, #tpu.memory_space<vmem>>, %arg27: memref<16xf32, #tpu.memory_space<vmem>>, %arg28: memref<16xf32, #tpu.memory_space<vmem>>, %arg29: memref<256xf32, #tpu.memory_space<vmem_shared>>, %arg30: memref<256xf32, #tpu.memory_space<vmem_shared>>, %arg31: memref<128xf32, #tpu.memory_space<vmem_shared>>, %arg32: memref<!tpu.dma_semaphore, #tpu.memory_space<semaphore_mem>>, %arg33: memref<!tpu.dma_semaphore, #tpu.memory_space<semaphore_mem>>, %arg34: memref<!tpu.dma_semaphore, #tpu.memory_space<semaphore_mem>>, %arg35: memref<!tpu.dma_semaphore, #tpu.memory_space<semaphore_mem>>) attributes {dimension_semantics = [#tpu.dimension_semantics<core_parallel>, #tpu.dimension_semantics<subcore_parallel>], iteration_bounds = array<i64: 1, 16>, scalar_prefetch = 0 : i64, scratch_operands = 25 : i64, tpu.core_type = #tpu.core_type<sc_vector_subcore>, window_params = [{transform_indices = #map}, {transform_indices = #map}, {transform_indices = #map1}, {transform_indices = #map1}, {transform_indices = #map}, {transform_indices = #map1}, {transform_indices = #map}, {transform_indices = #map1}, {transform_indices = #map1}]} {
    %iota3A = tpu.iota {dimensions = array<i32: 0>} : vector<16xi32>
    %lt3A = arith.constant 8 : i32
    %lt3A_0 = vector.broadcast %lt3A : i32 to vector<16xi32>
    %lt3A_1 = arith.cmpi slt, %iota3A, %lt3A_0 : vector<16xi32>
    %shift_right_logical3A = arith.constant 3 : i32
    %shift_right_logical3A_2 = vector.broadcast %shift_right_logical3A : i32 to vector<16xi32>
    %shift_right_logical3A_3 = arith.shrui %iota3A, %shift_right_logical3A_2 : vector<16xi32>
    %broadcast_in_dim3A = arith.constant 0.000000e+00 : f32
    %broadcast_in_dim3A_4 = vector.broadcast %broadcast_in_dim3A : f32 to vector<16xf32>
    %shift_right_logical3A_5 = arith.constant 1 : i32
    %shift_right_logical3A_6 = arith.shrui %arg1, %shift_right_logical3A_5 : i32
    %add3A = arith.constant 16 : i32
    %add3A_7 = arith.addi %add3A, %shift_right_logical3A_6 : i32
    %and3A = arith.constant 1 : i32
    %and3A_8 = arith.andi %arg1, %and3A : i32
    %dma_start3A = arith.constant 0 : i32
    %dma_start3A_9 = tpu.memref_slice %arg3[%arg1, %dma_start3A] : memref<24x512xf32, #tpu.memory_space<hbm>> -> memref<1x512xf32, #tpu.memory_space<hbm>>
    %dma_start3A_10 = tpu.memref_squeeze %dma_start3A_9 : memref<1x512xf32, #tpu.memory_space<hbm>> -> memref<512xf32, #tpu.memory_space<hbm>>
    %dma_start3A_11 = arith.constant 0 : i32
    %dma_start3A_12 = tpu.memref_slice %arg3[%arg1, %dma_start3A_11] : memref<24x512xf32, #tpu.memory_space<hbm>> -> memref<1x512xf32, #tpu.memory_space<hbm>>
    %dma_start3A_13 = tpu.memref_squeeze %dma_start3A_12 : memref<1x512xf32, #tpu.memory_space<hbm>> -> memref<512xf32, #tpu.memory_space<hbm>>
    tpu.enqueue_dma source(%dma_start3A_13 : memref<512xf32, #tpu.memory_space<hbm>>) target(%arg13 : memref<512xf32, #tpu.memory_space<vmem>>) target_semaphore(%arg32 : memref<!tpu.dma_semaphore, #tpu.memory_space<semaphore_mem>>)
    tpu.enqueue_dma source(%arg4 : memref<4096xf32, #tpu.memory_space<hbm>>) target(%arg12 : memref<4096xf32, #tpu.memory_space<vmem>>) target_semaphore(%arg32 : memref<!tpu.dma_semaphore, #tpu.memory_space<semaphore_mem>>)
    %mul3A = arith.constant 256 : i32
    %mul3A_14 = arith.muli %and3A_8, %mul3A : i32
    %dma_start3A_15 = tpu.memref_slice %arg3[%add3A_7, %mul3A_14] : memref<24x512xf32, #tpu.memory_space<hbm>> -> memref<1x256xf32, #tpu.memory_space<hbm>>
    %dma_start3A_16 = tpu.memref_squeeze %dma_start3A_15 : memref<1x256xf32, #tpu.memory_space<hbm>> -> memref<256xf32, #tpu.memory_space<hbm>>
    %dma_start3A_17 = tpu.memref_slice %arg3[%add3A_7, %mul3A_14] : memref<24x512xf32, #tpu.memory_space<hbm>> -> memref<1x256xf32, #tpu.memory_space<hbm>>
    %dma_start3A_18 = tpu.memref_squeeze %dma_start3A_17 : memref<1x256xf32, #tpu.memory_space<hbm>> -> memref<256xf32, #tpu.memory_space<hbm>>
    tpu.enqueue_dma source(%dma_start3A_18 : memref<256xf32, #tpu.memory_space<hbm>>) target(%arg14 : memref<256xf32, #tpu.memory_space<vmem>>) target_semaphore(%arg33 : memref<!tpu.dma_semaphore, #tpu.memory_space<semaphore_mem>>)
    tpu.enqueue_dma source(%arg2 : memref<2x576xi32, #tpu.memory_space<hbm>>) target(%arg11 : memref<2x576xi32, #tpu.memory_space<vmem>>) target_semaphore(%arg34 : memref<!tpu.dma_semaphore, #tpu.memory_space<semaphore_mem>>)
    %dma_start3A_19 = arith.constant 0 : i32
    %dma_start3A_20 = tpu.memref_slice %arg24[%dma_start3A_19] : memref<16xf32, #tpu.memory_space<vmem>> -> memref<8xf32, #tpu.memory_space<vmem>>
    %dma_start3A_21 = arith.constant 0 : i32
    %dma_start3A_22 = tpu.memref_slice %arg24[%dma_start3A_21] : memref<16xf32, #tpu.memory_space<vmem>> -> memref<8xf32, #tpu.memory_space<vmem>>
    tpu.enqueue_dma source(%arg5 : memref<8xf32, #tpu.memory_space<hbm>>) target(%dma_start3A_22 : memref<8xf32, #tpu.memory_space<vmem>>) target_semaphore(%arg35 : memref<!tpu.dma_semaphore, #tpu.memory_space<semaphore_mem>>)
    %mul3A_23 = arith.constant 8 : i32
    %mul3A_24 = arith.muli %arg1, %mul3A_23 : i32
    %dma_start3A_25 = arith.constant 0 : i32
    %dma_start3A_26 = tpu.memref_slice %arg6[%mul3A_24, %dma_start3A_25] : memref<128x192xf32, #tpu.memory_space<hbm>> -> memref<8x192xf32, #tpu.memory_space<hbm>>
    %dma_start3A_27 = arith.constant 0 : i32
    %dma_start3A_28 = tpu.memref_slice %arg6[%mul3A_24, %dma_start3A_27] : memref<128x192xf32, #tpu.memory_space<hbm>> -> memref<8x192xf32, #tpu.memory_space<hbm>>
    tpu.enqueue_dma source(%dma_start3A_28 : memref<8x192xf32, #tpu.memory_space<hbm>>) target(%arg21 : memref<8x192xf32, #tpu.memory_space<vmem>>) target_semaphore(%arg35 : memref<!tpu.dma_semaphore, #tpu.memory_space<semaphore_mem>>)
    %mul3A_29 = arith.constant 8 : i32
    %mul3A_30 = arith.muli %arg1, %mul3A_29 : i32
    %dma_start3A_31 = arith.constant 0 : i32
    %dma_start3A_32 = tpu.memref_slice %arg25[%dma_start3A_31] : memref<16xf32, #tpu.memory_space<vmem>> -> memref<8xf32, #tpu.memory_space<vmem>>
    %dma_start3A_33 = tpu.memref_slice %arg7[%mul3A_30] : memref<128xf32, #tpu.memory_space<hbm>> -> memref<8xf32, #tpu.memory_space<hbm>>
    %dma_start3A_34 = arith.constant 0 : i32
    %dma_start3A_35 = tpu.memref_slice %arg25[%dma_start3A_34] : memref<16xf32, #tpu.memory_space<vmem>> -> memref<8xf32, #tpu.memory_space<vmem>>
    %dma_start3A_36 = tpu.memref_slice %arg7[%mul3A_30] : memref<128xf32, #tpu.memory_space<hbm>> -> memref<8xf32, #tpu.memory_space<hbm>>
    tpu.enqueue_dma source(%dma_start3A_36 : memref<8xf32, #tpu.memory_space<hbm>>) target(%dma_start3A_35 : memref<8xf32, #tpu.memory_space<vmem>>) target_semaphore(%arg35 : memref<!tpu.dma_semaphore, #tpu.memory_space<semaphore_mem>>)
    %eq3A = arith.constant 15 : i32
    %eq3A_37 = arith.cmpi eq, %arg1, %eq3A : i32
    %convert_element_type3A = arith.extui %eq3A_37 : i1 to i32
    %cond3A = arith.constant 0 : i32
    %cond3A_38 = arith.cmpi ne, %convert_element_type3A, %cond3A : i32
    scf.if %cond3A_38 {
      tpu.enqueue_dma source(%arg8 : memref<2x128xf32, #tpu.memory_space<hbm>>) target(%arg23 : memref<2x128xf32, #tpu.memory_space<vmem>>) target_semaphore(%arg35 : memref<!tpu.dma_semaphore, #tpu.memory_space<semaphore_mem>>)
      tpu.wait_dma2 semaphore(%arg35 : memref<!tpu.dma_semaphore, #tpu.memory_space<semaphore_mem>>) src(%arg8 : memref<2x128xf32, #tpu.memory_space<hbm>>) dst(%arg23 : memref<2x128xf32, #tpu.memory_space<vmem>>)
      %dma_start3A_1616 = arith.constant 0 : i32
      %dma_start3A_1617 = tpu.memref_slice %arg26[%dma_start3A_1616] : memref<16xf32, #tpu.memory_space<vmem>> -> memref<2xf32, #tpu.memory_space<vmem>>
      %dma_start3A_1618 = arith.constant 0 : i32
      %dma_start3A_1619 = tpu.memref_slice %arg26[%dma_start3A_1618] : memref<16xf32, #tpu.memory_space<vmem>> -> memref<2xf32, #tpu.memory_space<vmem>>
      tpu.enqueue_dma source(%arg9 : memref<2xf32, #tpu.memory_space<hbm>>) target(%dma_start3A_1619 : memref<2xf32, #tpu.memory_space<vmem>>) target_semaphore(%arg35 : memref<!tpu.dma_semaphore, #tpu.memory_space<semaphore_mem>>)
      %dma_wait3A_1620 = arith.constant 0 : i32
      %dma_wait3A_1621 = tpu.memref_slice %arg26[%dma_wait3A_1620] : memref<16xf32, #tpu.memory_space<vmem>> -> memref<2xf32, #tpu.memory_space<vmem>>
      %dma_wait3A_1622 = arith.constant 0 : i32
      %dma_wait3A_1623 = tpu.memref_slice %arg26[%dma_wait3A_1622] : memref<16xf32, #tpu.memory_space<vmem>> -> memref<2xf32, #tpu.memory_space<vmem>>
      tpu.wait_dma2 semaphore(%arg35 : memref<!tpu.dma_semaphore, #tpu.memory_space<semaphore_mem>>) src(%arg9 : memref<2xf32, #tpu.memory_space<hbm>>) dst(%dma_wait3A_1623 : memref<2xf32, #tpu.memory_space<vmem>>)
    } else {
    }
    %dma_wait3A = arith.constant 0 : i32
    %dma_wait3A_39 = tpu.memref_slice %arg3[%arg1, %dma_wait3A] : memref<24x512xf32, #tpu.memory_space<hbm>> -> memref<1x512xf32, #tpu.memory_space<hbm>>
    %dma_wait3A_40 = tpu.memref_squeeze %dma_wait3A_39 : memref<1x512xf32, #tpu.memory_space<hbm>> -> memref<512xf32, #tpu.memory_space<hbm>>
    %dma_wait3A_41 = arith.constant 0 : i32
    %dma_wait3A_42 = tpu.memref_slice %arg3[%arg1, %dma_wait3A_41] : memref<24x512xf32, #tpu.memory_space<hbm>> -> memref<1x512xf32, #tpu.memory_space<hbm>>
    %dma_wait3A_43 = tpu.memref_squeeze %dma_wait3A_42 : memref<1x512xf32, #tpu.memory_space<hbm>> -> memref<512xf32, #tpu.memory_space<hbm>>
    tpu.wait_dma2 semaphore(%arg32 : memref<!tpu.dma_semaphore, #tpu.memory_space<semaphore_mem>>) src(%dma_wait3A_43 : memref<512xf32, #tpu.memory_space<hbm>>) dst(%arg13 : memref<512xf32, #tpu.memory_space<vmem>>)
    tpu.wait_dma2 semaphore(%arg32 : memref<!tpu.dma_semaphore, #tpu.memory_space<semaphore_mem>>) src(%arg4 : memref<4096xf32, #tpu.memory_space<hbm>>) dst(%arg12 : memref<4096xf32, #tpu.memory_space<vmem>>)
    %scan3A = arith.constant 0 : i32
    %scan3A_44 = arith.constant 32 : i32
    %scan3A_45 = arith.addi %scan3A, %scan3A_44 : i32
    %scan3A_46 = arith.constant 1 : i32
    %scan3A_47:4 = scf.for %scan3A_1616 = %scan3A to %scan3A_45 step %scan3A_46 iter_args(%scan3A_1617 = %broadcast_in_dim3A_4, %scan3A_1618 = %broadcast_in_dim3A_4, %scan3A_1619 = %broadcast_in_dim3A_4, %scan3A_1620 = %broadcast_in_dim3A_4) -> (vector<16xf32>, vector<16xf32>, vector<16xf32>, vector<16xf32>)  : i32 {
      %mul3A_1621 = arith.constant 16 : i32
      %mul3A_1622 = arith.muli %mul3A_1621, %scan3A_1616 : i32
      %get3A_1623 = arith.index_cast %mul3A_1622 : i32 to index
      %get3A_1624 = tpu.vector_load %arg13[%get3A_1623] {strides = array<i32>} : memref<512xf32, #tpu.memory_space<vmem>>, vector<16xf32>,
      %mul3A_1625 = arith.constant 8 : i32
      %mul3A_1626 = arith.muli %mul3A_1625, %scan3A_1616 : i32
      %add3A_1627 = arith.constant 0 : i32
      %add3A_1628 = arith.addi %mul3A_1626, %add3A_1627 : i32
      %slice3A_1629 = vector.extract_strided_slice %get3A_1624 {offsets = [0], sizes = [1], strides = [1]} : vector<16xf32> to vector<1xf32>
      %squeeze3A_1630 = vector.extract %slice3A_1629[0] : f32 from vector<1xf32>
      %slice3A_1631 = vector.extract_strided_slice %get3A_1624 {offsets = [1], sizes = [1], strides = [1]} : vector<16xf32> to vector<1xf32>
      %squeeze3A_1632 = vector.extract %slice3A_1631[0] : f32 from vector<1xf32>
      %broadcast_in_dim3A_1633 = vector.broadcast %squeeze3A_1630 : f32 to vector<16xf32>
      %broadcast_in_dim3A_1634 = vector.broadcast %squeeze3A_1632 : f32 to vector<16xf32>
      %select_n3A_1635 = arith.select %lt3A_1, %broadcast_in_dim3A_1633, %broadcast_in_dim3A_1634 : vector<16xi1>, vector<16xf32>
      %add3A_1636 = arith.constant 0 : i32
      %add3A_1637 = arith.addi %add3A_1636, %add3A_1628 : i32
      %mul3A_1638 = arith.constant 16 : i32
      %mul3A_1639 = arith.muli %add3A_1637, %mul3A_1638 : i32
      %get3A_1640 = arith.index_cast %mul3A_1639 : i32 to index
      %get3A_1641 = tpu.vector_load %arg12[%get3A_1640] {strides = array<i32>} : memref<4096xf32, #tpu.memory_space<vmem>>, vector<16xf32>,
      %mul3A_1642 = arith.mulf %select_n3A_1635, %get3A_1641 : vector<16xf32>
      %add3A_1643 = arith.addf %scan3A_1617, %mul3A_1642 : vector<16xf32>
      %mul3A_1644 = arith.constant 8 : i32
      %mul3A_1645 = arith.muli %mul3A_1644, %scan3A_1616 : i32
      %add3A_1646 = arith.constant 1 : i32
      %add3A_1647 = arith.addi %mul3A_1645, %add3A_1646 : i32
      %slice3A_1648 = vector.extract_strided_slice %get3A_1624 {offsets = [2], sizes = [1], strides = [1]} : vector<16xf32> to vector<1xf32>
      %squeeze3A_1649 = vector.extract %slice3A_1648[0] : f32 from vector<1xf32>
      %slice3A_1650 = vector.extract_strided_slice %get3A_1624 {offsets = [3], sizes = [1], strides = [1]} : vector<16xf32> to vector<1xf32>
      %squeeze3A_1651 = vector.extract %slice3A_1650[0] : f32 from vector<1xf32>
      %broadcast_in_dim3A_1652 = vector.broadcast %squeeze3A_1649 : f32 to vector<16xf32>
      %broadcast_in_dim3A_1653 = vector.broadcast %squeeze3A_1651 : f32 to vector<16xf32>
      %select_n3A_1654 = arith.select %lt3A_1, %broadcast_in_dim3A_1652, %broadcast_in_dim3A_1653 : vector<16xi1>, vector<16xf32>
      %add3A_1655 = arith.constant 0 : i32
      %add3A_1656 = arith.addi %add3A_1655, %add3A_1647 : i32
      %mul3A_1657 = arith.constant 16 : i32
      %mul3A_1658 = arith.muli %add3A_1656, %mul3A_1657 : i32
      %get3A_1659 = arith.index_cast %mul3A_1658 : i32 to index
      %get3A_1660 = tpu.vector_load %arg12[%get3A_1659] {strides = array<i32>} : memref<4096xf32, #tpu.memory_space<vmem>>, vector<16xf32>,
      %mul3A_1661 = arith.mulf %select_n3A_1654, %get3A_1660 : vector<16xf32>
      %add3A_1662 = arith.addf %scan3A_1618, %mul3A_1661 : vector<16xf32>
      %mul3A_1663 = arith.constant 8 : i32
      %mul3A_1664 = arith.muli %mul3A_1663, %scan3A_1616 : i32
      %add3A_1665 = arith.constant 2 : i32
      %add3A_1666 = arith.addi %mul3A_1664, %add3A_1665 : i32
      %slice3A_1667 = vector.extract_strided_slice %get3A_1624 {offsets = [4], sizes = [1], strides = [1]} : vector<16xf32> to vector<1xf32>
      %squeeze3A_1668 = vector.extract %slice3A_1667[0] : f32 from vector<1xf32>
      %slice3A_1669 = vector.extract_strided_slice %get3A_1624 {offsets = [5], sizes = [1], strides = [1]} : vector<16xf32> to vector<1xf32>
      %squeeze3A_1670 = vector.extract %slice3A_1669[0] : f32 from vector<1xf32>
      %broadcast_in_dim3A_1671 = vector.broadcast %squeeze3A_1668 : f32 to vector<16xf32>
      %broadcast_in_dim3A_1672 = vector.broadcast %squeeze3A_1670 : f32 to vector<16xf32>
      %select_n3A_1673 = arith.select %lt3A_1, %broadcast_in_dim3A_1671, %broadcast_in_dim3A_1672 : vector<16xi1>, vector<16xf32>
      %add3A_1674 = arith.constant 0 : i32
      %add3A_1675 = arith.addi %add3A_1674, %add3A_1666 : i32
      %mul3A_1676 = arith.constant 16 : i32
      %mul3A_1677 = arith.muli %add3A_1675, %mul3A_1676 : i32
      %get3A_1678 = arith.index_cast %mul3A_1677 : i32 to index
      %get3A_1679 = tpu.vector_load %arg12[%get3A_1678] {strides = array<i32>} : memref<4096xf32, #tpu.memory_space<vmem>>, vector<16xf32>,
      %mul3A_1680 = arith.mulf %select_n3A_1673, %get3A_1679 : vector<16xf32>
      %add3A_1681 = arith.addf %scan3A_1619, %mul3A_1680 : vector<16xf32>
      %mul3A_1682 = arith.constant 8 : i32
      %mul3A_1683 = arith.muli %mul3A_1682, %scan3A_1616 : i32
      %add3A_1684 = arith.constant 3 : i32
      %add3A_1685 = arith.addi %mul3A_1683, %add3A_1684 : i32
      %slice3A_1686 = vector.extract_strided_slice %get3A_1624 {offsets = [6], sizes = [1], strides = [1]} : vector<16xf32> to vector<1xf32>
      %squeeze3A_1687 = vector.extract %slice3A_1686[0] : f32 from vector<1xf32>
      %slice3A_1688 = vector.extract_strided_slice %get3A_1624 {offsets = [7], sizes = [1], strides = [1]} : vector<16xf32> to vector<1xf32>
      %squeeze3A_1689 = vector.extract %slice3A_1688[0] : f32 from vector<1xf32>
      %broadcast_in_dim3A_1690 = vector.broadcast %squeeze3A_1687 : f32 to vector<16xf32>
      %broadcast_in_dim3A_1691 = vector.broadcast %squeeze3A_1689 : f32 to vector<16xf32>
      %select_n3A_1692 = arith.select %lt3A_1, %broadcast_in_dim3A_1690, %broadcast_in_dim3A_1691 : vector<16xi1>, vector<16xf32>
      %add3A_1693 = arith.constant 0 : i32
      %add3A_1694 = arith.addi %add3A_1693, %add3A_1685 : i32
      %mul3A_1695 = arith.constant 16 : i32
      %mul3A_1696 = arith.muli %add3A_1694, %mul3A_1695 : i32
      %get3A_1697 = arith.index_cast %mul3A_1696 : i32 to index
      %get3A_1698 = tpu.vector_load %arg12[%get3A_1697] {strides = array<i32>} : memref<4096xf32, #tpu.memory_space<vmem>>, vector<16xf32>,
      %mul3A_1699 = arith.mulf %select_n3A_1692, %get3A_1698 : vector<16xf32>
      %add3A_1700 = arith.addf %scan3A_1620, %mul3A_1699 : vector<16xf32>
      %mul3A_1701 = arith.constant 8 : i32
      %mul3A_1702 = arith.muli %mul3A_1701, %scan3A_1616 : i32
      %add3A_1703 = arith.constant 4 : i32
      %add3A_1704 = arith.addi %mul3A_1702, %add3A_1703 : i32
      %slice3A_1705 = vector.extract_strided_slice %get3A_1624 {offsets = [8], sizes = [1], strides = [1]} : vector<16xf32> to vector<1xf32>
      %squeeze3A_1706 = vector.extract %slice3A_1705[0] : f32 from vector<1xf32>
      %slice3A_1707 = vector.extract_strided_slice %get3A_1624 {offsets = [9], sizes = [1], strides = [1]} : vector<16xf32> to vector<1xf32>
      %squeeze3A_1708 = vector.extract %slice3A_1707[0] : f32 from vector<1xf32>
      %broadcast_in_dim3A_1709 = vector.broadcast %squeeze3A_1706 : f32 to vector<16xf32>
      %broadcast_in_dim3A_1710 = vector.broadcast %squeeze3A_1708 : f32 to vector<16xf32>
      %select_n3A_1711 = arith.select %lt3A_1, %broadcast_in_dim3A_1709, %broadcast_in_dim3A_1710 : vector<16xi1>, vector<16xf32>
      %add3A_1712 = arith.constant 0 : i32
      %add3A_1713 = arith.addi %add3A_1712, %add3A_1704 : i32
      %mul3A_1714 = arith.constant 16 : i32
      %mul3A_1715 = arith.muli %add3A_1713, %mul3A_1714 : i32
      %get3A_1716 = arith.index_cast %mul3A_1715 : i32 to index
      %get3A_1717 = tpu.vector_load %arg12[%get3A_1716] {strides = array<i32>} : memref<4096xf32, #tpu.memory_space<vmem>>, vector<16xf32>,
      %mul3A_1718 = arith.mulf %select_n3A_1711, %get3A_1717 : vector<16xf32>
      %add3A_1719 = arith.addf %add3A_1643, %mul3A_1718 : vector<16xf32>
      %mul3A_1720 = arith.constant 8 : i32
      %mul3A_1721 = arith.muli %mul3A_1720, %scan3A_1616 : i32
      %add3A_1722 = arith.constant 5 : i32
      %add3A_1723 = arith.addi %mul3A_1721, %add3A_1722 : i32
      %slice3A_1724 = vector.extract_strided_slice %get3A_1624 {offsets = [10], sizes = [1], strides = [1]} : vector<16xf32> to vector<1xf32>
      %squeeze3A_1725 = vector.extract %slice3A_1724[0] : f32 from vector<1xf32>
      %slice3A_1726 = vector.extract_strided_slice %get3A_1624 {offsets = [11], sizes = [1], strides = [1]} : vector<16xf32> to vector<1xf32>
      %squeeze3A_1727 = vector.extract %slice3A_1726[0] : f32 from vector<1xf32>
      %broadcast_in_dim3A_1728 = vector.broadcast %squeeze3A_1725 : f32 to vector<16xf32>
      %broadcast_in_dim3A_1729 = vector.broadcast %squeeze3A_1727 : f32 to vector<16xf32>
      %select_n3A_1730 = arith.select %lt3A_1, %broadcast_in_dim3A_1728, %broadcast_in_dim3A_1729 : vector<16xi1>, vector<16xf32>
      %add3A_1731 = arith.constant 0 : i32
      %add3A_1732 = arith.addi %add3A_1731, %add3A_1723 : i32
      %mul3A_1733 = arith.constant 16 : i32
      %mul3A_1734 = arith.muli %add3A_1732, %mul3A_1733 : i32
      %get3A_1735 = arith.index_cast %mul3A_1734 : i32 to index
      %get3A_1736 = tpu.vector_load %arg12[%get3A_1735] {strides = array<i32>} : memref<4096xf32, #tpu.memory_space<vmem>>, vector<16xf32>,
      %mul3A_1737 = arith.mulf %select_n3A_1730, %get3A_1736 : vector<16xf32>
      %add3A_1738 = arith.addf %add3A_1662, %mul3A_1737 : vector<16xf32>
      %mul3A_1739 = arith.constant 8 : i32
      %mul3A_1740 = arith.muli %mul3A_1739, %scan3A_1616 : i32
      %add3A_1741 = arith.constant 6 : i32
      %add3A_1742 = arith.addi %mul3A_1740, %add3A_1741 : i32
      %slice3A_1743 = vector.extract_strided_slice %get3A_1624 {offsets = [12], sizes = [1], strides = [1]} : vector<16xf32> to vector<1xf32>
      %squeeze3A_1744 = vector.extract %slice3A_1743[0] : f32 from vector<1xf32>
      %slice3A_1745 = vector.extract_strided_slice %get3A_1624 {offsets = [13], sizes = [1], strides = [1]} : vector<16xf32> to vector<1xf32>
      %squeeze3A_1746 = vector.extract %slice3A_1745[0] : f32 from vector<1xf32>
      %broadcast_in_dim3A_1747 = vector.broadcast %squeeze3A_1744 : f32 to vector<16xf32>
      %broadcast_in_dim3A_1748 = vector.broadcast %squeeze3A_1746 : f32 to vector<16xf32>
      %select_n3A_1749 = arith.select %lt3A_1, %broadcast_in_dim3A_1747, %broadcast_in_dim3A_1748 : vector<16xi1>, vector<16xf32>
      %add3A_1750 = arith.constant 0 : i32
      %add3A_1751 = arith.addi %add3A_1750, %add3A_1742 : i32
      %mul3A_1752 = arith.constant 16 : i32
      %mul3A_1753 = arith.muli %add3A_1751, %mul3A_1752 : i32
      %get3A_1754 = arith.index_cast %mul3A_1753 : i32 to index
      %get3A_1755 = tpu.vector_load %arg12[%get3A_1754] {strides = array<i32>} : memref<4096xf32, #tpu.memory_space<vmem>>, vector<16xf32>,
      %mul3A_1756 = arith.mulf %select_n3A_1749, %get3A_1755 : vector<16xf32>
      %add3A_1757 = arith.addf %add3A_1681, %mul3A_1756 : vector<16xf32>
      %mul3A_1758 = arith.constant 8 : i32
      %mul3A_1759 = arith.muli %mul3A_1758, %scan3A_1616 : i32
      %add3A_1760 = arith.constant 7 : i32
      %add3A_1761 = arith.addi %mul3A_1759, %add3A_1760 : i32
      %slice3A_1762 = vector.extract_strided_slice %get3A_1624 {offsets = [14], sizes = [1], strides = [1]} : vector<16xf32> to vector<1xf32>
      %squeeze3A_1763 = vector.extract %slice3A_1762[0] : f32 from vector<1xf32>
      %slice3A_1764 = vector.extract_strided_slice %get3A_1624 {offsets = [15], sizes = [1], strides = [1]} : vector<16xf32> to vector<1xf32>
      %squeeze3A_1765 = vector.extract %slice3A_1764[0] : f32 from vector<1xf32>
      %broadcast_in_dim3A_1766 = vector.broadcast %squeeze3A_1763 : f32 to vector<16xf32>
      %broadcast_in_dim3A_1767 = vector.broadcast %squeeze3A_1765 : f32 to vector<16xf32>
      %select_n3A_1768 = arith.select %lt3A_1, %broadcast_in_dim3A_1766, %broadcast_in_dim3A_1767 : vector<16xi1>, vector<16xf32>
      %add3A_1769 = arith.constant 0 : i32
      %add3A_1770 = arith.addi %add3A_1769, %add3A_1761 : i32
      %mul3A_1771 = arith.constant 16 : i32
      %mul3A_1772 = arith.muli %add3A_1770, %mul3A_1771 : i32
      %get3A_1773 = arith.index_cast %mul3A_1772 : i32 to index
      %get3A_1774 = tpu.vector_load %arg12[%get3A_1773] {strides = array<i32>} : memref<4096xf32, #tpu.memory_space<vmem>>, vector<16xf32>,
      %mul3A_1775 = arith.mulf %select_n3A_1768, %get3A_1774 : vector<16xf32>
      %add3A_1776 = arith.addf %add3A_1700, %mul3A_1775 : vector<16xf32>
      scf.yield %add3A_1719, %add3A_1738, %add3A_1757, %add3A_1776 : vector<16xf32>, vector<16xf32>, vector<16xf32>, vector<16xf32>
    }
    %scan3A_48 = arith.constant 32 : i32
    %add3A_49 = arith.addf %scan3A_47#0, %scan3A_47#1 : vector<16xf32>
    %add3A_50 = arith.addf %scan3A_47#2, %scan3A_47#3 : vector<16xf32>
    %add3A_51 = arith.addf %add3A_49, %add3A_50 : vector<16xf32>
    %swap3A = arith.constant 0 : index
    %swap3A_52 = tpu.vector_load %arg28[%swap3A] {strides = array<i32>} : memref<16xf32, #tpu.memory_space<vmem>>, vector<16xf32>,
    tpu.vector_store %arg28[%swap3A], %add3A_51 {strides = array<i32>} : memref<16xf32, #tpu.memory_space<vmem>>, vector<16xf32>,
    %and3A_53 = arith.constant 7 : i32
    %and3A_54 = vector.broadcast %and3A_53 : i32 to vector<16xi32>
    %and3A_55 = arith.andi %iota3A, %and3A_54 : vector<16xi32>
    %gather3A = tpu.vector_load_idx %arg28[%and3A_55] : memref<16xf32, #tpu.memory_space<vmem>>[vector<16xi32>], vector<16xf32>,
    %and3A_56 = arith.constant 7 : i32
    %and3A_57 = vector.broadcast %and3A_56 : i32 to vector<16xi32>
    %and3A_58 = arith.andi %iota3A, %and3A_57 : vector<16xi32>
    %add3A_59 = arith.constant 8 : i32
    %add3A_60 = vector.broadcast %add3A_59 : i32 to vector<16xi32>
    %add3A_61 = arith.addi %and3A_58, %add3A_60 : vector<16xi32>
    %gather3A_62 = tpu.vector_load_idx %arg28[%add3A_61] : memref<16xf32, #tpu.memory_space<vmem>>[vector<16xi32>], vector<16xf32>,
    %add3A_63 = arith.addf %gather3A, %gather3A_62 : vector<16xf32>
    %dma_wait3A_64 = tpu.memref_slice %arg3[%add3A_7, %mul3A_14] : memref<24x512xf32, #tpu.memory_space<hbm>> -> memref<1x256xf32, #tpu.memory_space<hbm>>
    %dma_wait3A_65 = tpu.memref_squeeze %dma_wait3A_64 : memref<1x256xf32, #tpu.memory_space<hbm>> -> memref<256xf32, #tpu.memory_space<hbm>>
    %dma_wait3A_66 = tpu.memref_slice %arg3[%add3A_7, %mul3A_14] : memref<24x512xf32, #tpu.memory_space<hbm>> -> memref<1x256xf32, #tpu.memory_space<hbm>>
    %dma_wait3A_67 = tpu.memref_squeeze %dma_wait3A_66 : memref<1x256xf32, #tpu.memory_space<hbm>> -> memref<256xf32, #tpu.memory_space<hbm>>
    tpu.wait_dma2 semaphore(%arg33 : memref<!tpu.dma_semaphore, #tpu.memory_space<semaphore_mem>>) src(%dma_wait3A_67 : memref<256xf32, #tpu.memory_space<hbm>>) dst(%arg14 : memref<256xf32, #tpu.memory_space<vmem>>)
    %mul3A_68 = arith.constant 128 : i32
    %mul3A_69 = arith.muli %and3A_8, %mul3A_68 : i32
    %scan3A_70 = arith.constant 0 : i32
    %scan3A_71 = arith.constant 16 : i32
    %scan3A_72 = arith.addi %scan3A_70, %scan3A_71 : i32
    %scan3A_73 = arith.constant 1 : i32
    %scan3A_74:4 = scf.for %scan3A_1616 = %scan3A_70 to %scan3A_72 step %scan3A_73 iter_args(%scan3A_1617 = %broadcast_in_dim3A_4, %scan3A_1618 = %broadcast_in_dim3A_4, %scan3A_1619 = %broadcast_in_dim3A_4, %scan3A_1620 = %broadcast_in_dim3A_4) -> (vector<16xf32>, vector<16xf32>, vector<16xf32>, vector<16xf32>)  : i32 {
      %mul3A_1621 = arith.constant 16 : i32
      %mul3A_1622 = arith.muli %mul3A_1621, %scan3A_1616 : i32
      %get3A_1623 = arith.index_cast %mul3A_1622 : i32 to index
      %get3A_1624 = tpu.vector_load %arg14[%get3A_1623] {strides = array<i32>} : memref<256xf32, #tpu.memory_space<vmem>>, vector<16xf32>,
      %mul3A_1625 = arith.constant 8 : i32
      %mul3A_1626 = arith.muli %mul3A_1625, %scan3A_1616 : i32
      %add3A_1627 = arith.constant 0 : i32
      %add3A_1628 = arith.addi %mul3A_1626, %add3A_1627 : i32
      %slice3A_1629 = vector.extract_strided_slice %get3A_1624 {offsets = [0], sizes = [1], strides = [1]} : vector<16xf32> to vector<1xf32>
      %squeeze3A_1630 = vector.extract %slice3A_1629[0] : f32 from vector<1xf32>
      %slice3A_1631 = vector.extract_strided_slice %get3A_1624 {offsets = [1], sizes = [1], strides = [1]} : vector<16xf32> to vector<1xf32>
      %squeeze3A_1632 = vector.extract %slice3A_1631[0] : f32 from vector<1xf32>
      %broadcast_in_dim3A_1633 = vector.broadcast %squeeze3A_1630 : f32 to vector<16xf32>
      %broadcast_in_dim3A_1634 = vector.broadcast %squeeze3A_1632 : f32 to vector<16xf32>
      %select_n3A_1635 = arith.select %lt3A_1, %broadcast_in_dim3A_1633, %broadcast_in_dim3A_1634 : vector<16xi1>, vector<16xf32>
      %add3A_1636 = arith.addi %mul3A_69, %add3A_1628 : i32
      %mul3A_1637 = arith.constant 16 : i32
      %mul3A_1638 = arith.muli %add3A_1636, %mul3A_1637 : i32
      %get3A_1639 = arith.index_cast %mul3A_1638 : i32 to index
      %get3A_1640 = tpu.vector_load %arg12[%get3A_1639] {strides = array<i32>} : memref<4096xf32, #tpu.memory_space<vmem>>, vector<16xf32>,
      %mul3A_1641 = arith.mulf %select_n3A_1635, %get3A_1640 : vector<16xf32>
      %add3A_1642 = arith.addf %scan3A_1617, %mul3A_1641 : vector<16xf32>
      %mul3A_1643 = arith.constant 8 : i32
      %mul3A_1644 = arith.muli %mul3A_1643, %scan3A_1616 : i32
      %add3A_1645 = arith.constant 1 : i32
      %add3A_1646 = arith.addi %mul3A_1644, %add3A_1645 : i32
      %slice3A_1647 = vector.extract_strided_slice %get3A_1624 {offsets = [2], sizes = [1], strides = [1]} : vector<16xf32> to vector<1xf32>
      %squeeze3A_1648 = vector.extract %slice3A_1647[0] : f32 from vector<1xf32>
      %slice3A_1649 = vector.extract_strided_slice %get3A_1624 {offsets = [3], sizes = [1], strides = [1]} : vector<16xf32> to vector<1xf32>
      %squeeze3A_1650 = vector.extract %slice3A_1649[0] : f32 from vector<1xf32>
      %broadcast_in_dim3A_1651 = vector.broadcast %squeeze3A_1648 : f32 to vector<16xf32>
      %broadcast_in_dim3A_1652 = vector.broadcast %squeeze3A_1650 : f32 to vector<16xf32>
      %select_n3A_1653 = arith.select %lt3A_1, %broadcast_in_dim3A_1651, %broadcast_in_dim3A_1652 : vector<16xi1>, vector<16xf32>
      %add3A_1654 = arith.addi %mul3A_69, %add3A_1646 : i32
      %mul3A_1655 = arith.constant 16 : i32
      %mul3A_1656 = arith.muli %add3A_1654, %mul3A_1655 : i32
      %get3A_1657 = arith.index_cast %mul3A_1656 : i32 to index
      %get3A_1658 = tpu.vector_load %arg12[%get3A_1657] {strides = array<i32>} : memref<4096xf32, #tpu.memory_space<vmem>>, vector<16xf32>,
      %mul3A_1659 = arith.mulf %select_n3A_1653, %get3A_1658 : vector<16xf32>
      %add3A_1660 = arith.addf %scan3A_1618, %mul3A_1659 : vector<16xf32>
      %mul3A_1661 = arith.constant 8 : i32
      %mul3A_1662 = arith.muli %mul3A_1661, %scan3A_1616 : i32
      %add3A_1663 = arith.constant 2 : i32
      %add3A_1664 = arith.addi %mul3A_1662, %add3A_1663 : i32
      %slice3A_1665 = vector.extract_strided_slice %get3A_1624 {offsets = [4], sizes = [1], strides = [1]} : vector<16xf32> to vector<1xf32>
      %squeeze3A_1666 = vector.extract %slice3A_1665[0] : f32 from vector<1xf32>
      %slice3A_1667 = vector.extract_strided_slice %get3A_1624 {offsets = [5], sizes = [1], strides = [1]} : vector<16xf32> to vector<1xf32>
      %squeeze3A_1668 = vector.extract %slice3A_1667[0] : f32 from vector<1xf32>
      %broadcast_in_dim3A_1669 = vector.broadcast %squeeze3A_1666 : f32 to vector<16xf32>
      %broadcast_in_dim3A_1670 = vector.broadcast %squeeze3A_1668 : f32 to vector<16xf32>
      %select_n3A_1671 = arith.select %lt3A_1, %broadcast_in_dim3A_1669, %broadcast_in_dim3A_1670 : vector<16xi1>, vector<16xf32>
      %add3A_1672 = arith.addi %mul3A_69, %add3A_1664 : i32
      %mul3A_1673 = arith.constant 16 : i32
      %mul3A_1674 = arith.muli %add3A_1672, %mul3A_1673 : i32
      %get3A_1675 = arith.index_cast %mul3A_1674 : i32 to index
      %get3A_1676 = tpu.vector_load %arg12[%get3A_1675] {strides = array<i32>} : memref<4096xf32, #tpu.memory_space<vmem>>, vector<16xf32>,
      %mul3A_1677 = arith.mulf %select_n3A_1671, %get3A_1676 : vector<16xf32>
      %add3A_1678 = arith.addf %scan3A_1619, %mul3A_1677 : vector<16xf32>
      %mul3A_1679 = arith.constant 8 : i32
      %mul3A_1680 = arith.muli %mul3A_1679, %scan3A_1616 : i32
      %add3A_1681 = arith.constant 3 : i32
      %add3A_1682 = arith.addi %mul3A_1680, %add3A_1681 : i32
      %slice3A_1683 = vector.extract_strided_slice %get3A_1624 {offsets = [6], sizes = [1], strides = [1]} : vector<16xf32> to vector<1xf32>
      %squeeze3A_1684 = vector.extract %slice3A_1683[0] : f32 from vector<1xf32>
      %slice3A_1685 = vector.extract_strided_slice %get3A_1624 {offsets = [7], sizes = [1], strides = [1]} : vector<16xf32> to vector<1xf32>
      %squeeze3A_1686 = vector.extract %slice3A_1685[0] : f32 from vector<1xf32>
      %broadcast_in_dim3A_1687 = vector.broadcast %squeeze3A_1684 : f32 to vector<16xf32>
      %broadcast_in_dim3A_1688 = vector.broadcast %squeeze3A_1686 : f32 to vector<16xf32>
      %select_n3A_1689 = arith.select %lt3A_1, %broadcast_in_dim3A_1687, %broadcast_in_dim3A_1688 : vector<16xi1>, vector<16xf32>
      %add3A_1690 = arith.addi %mul3A_69, %add3A_1682 : i32
      %mul3A_1691 = arith.constant 16 : i32
      %mul3A_1692 = arith.muli %add3A_1690, %mul3A_1691 : i32
      %get3A_1693 = arith.index_cast %mul3A_1692 : i32 to index
      %get3A_1694 = tpu.vector_load %arg12[%get3A_1693] {strides = array<i32>} : memref<4096xf32, #tpu.memory_space<vmem>>, vector<16xf32>,
      %mul3A_1695 = arith.mulf %select_n3A_1689, %get3A_1694 : vector<16xf32>
      %add3A_1696 = arith.addf %scan3A_1620, %mul3A_1695 : vector<16xf32>
      %mul3A_1697 = arith.constant 8 : i32
      %mul3A_1698 = arith.muli %mul3A_1697, %scan3A_1616 : i32
      %add3A_1699 = arith.constant 4 : i32
      %add3A_1700 = arith.addi %mul3A_1698, %add3A_1699 : i32
      %slice3A_1701 = vector.extract_strided_slice %get3A_1624 {offsets = [8], sizes = [1], strides = [1]} : vector<16xf32> to vector<1xf32>
      %squeeze3A_1702 = vector.extract %slice3A_1701[0] : f32 from vector<1xf32>
      %slice3A_1703 = vector.extract_strided_slice %get3A_1624 {offsets = [9], sizes = [1], strides = [1]} : vector<16xf32> to vector<1xf32>
      %squeeze3A_1704 = vector.extract %slice3A_1703[0] : f32 from vector<1xf32>
      %broadcast_in_dim3A_1705 = vector.broadcast %squeeze3A_1702 : f32 to vector<16xf32>
      %broadcast_in_dim3A_1706 = vector.broadcast %squeeze3A_1704 : f32 to vector<16xf32>
      %select_n3A_1707 = arith.select %lt3A_1, %broadcast_in_dim3A_1705, %broadcast_in_dim3A_1706 : vector<16xi1>, vector<16xf32>
      %add3A_1708 = arith.addi %mul3A_69, %add3A_1700 : i32
      %mul3A_1709 = arith.constant 16 : i32
      %mul3A_1710 = arith.muli %add3A_1708, %mul3A_1709 : i32
      %get3A_1711 = arith.index_cast %mul3A_1710 : i32 to index
      %get3A_1712 = tpu.vector_load %arg12[%get3A_1711] {strides = array<i32>} : memref<4096xf32, #tpu.memory_space<vmem>>, vector<16xf32>,
      %mul3A_1713 = arith.mulf %select_n3A_1707, %get3A_1712 : vector<16xf32>
      %add3A_1714 = arith.addf %add3A_1642, %mul3A_1713 : vector<16xf32>
      %mul3A_1715 = arith.constant 8 : i32
      %mul3A_1716 = arith.muli %mul3A_1715, %scan3A_1616 : i32
      %add3A_1717 = arith.constant 5 : i32
      %add3A_1718 = arith.addi %mul3A_1716, %add3A_1717 : i32
      %slice3A_1719 = vector.extract_strided_slice %get3A_1624 {offsets = [10], sizes = [1], strides = [1]} : vector<16xf32> to vector<1xf32>
      %squeeze3A_1720 = vector.extract %slice3A_1719[0] : f32 from vector<1xf32>
      %slice3A_1721 = vector.extract_strided_slice %get3A_1624 {offsets = [11], sizes = [1], strides = [1]} : vector<16xf32> to vector<1xf32>
      %squeeze3A_1722 = vector.extract %slice3A_1721[0] : f32 from vector<1xf32>
      %broadcast_in_dim3A_1723 = vector.broadcast %squeeze3A_1720 : f32 to vector<16xf32>
      %broadcast_in_dim3A_1724 = vector.broadcast %squeeze3A_1722 : f32 to vector<16xf32>
      %select_n3A_1725 = arith.select %lt3A_1, %broadcast_in_dim3A_1723, %broadcast_in_dim3A_1724 : vector<16xi1>, vector<16xf32>
      %add3A_1726 = arith.addi %mul3A_69, %add3A_1718 : i32
      %mul3A_1727 = arith.constant 16 : i32
      %mul3A_1728 = arith.muli %add3A_1726, %mul3A_1727 : i32
      %get3A_1729 = arith.index_cast %mul3A_1728 : i32 to index
      %get3A_1730 = tpu.vector_load %arg12[%get3A_1729] {strides = array<i32>} : memref<4096xf32, #tpu.memory_space<vmem>>, vector<16xf32>,
      %mul3A_1731 = arith.mulf %select_n3A_1725, %get3A_1730 : vector<16xf32>
      %add3A_1732 = arith.addf %add3A_1660, %mul3A_1731 : vector<16xf32>
      %mul3A_1733 = arith.constant 8 : i32
      %mul3A_1734 = arith.muli %mul3A_1733, %scan3A_1616 : i32
      %add3A_1735 = arith.constant 6 : i32
      %add3A_1736 = arith.addi %mul3A_1734, %add3A_1735 : i32
      %slice3A_1737 = vector.extract_strided_slice %get3A_1624 {offsets = [12], sizes = [1], strides = [1]} : vector<16xf32> to vector<1xf32>
      %squeeze3A_1738 = vector.extract %slice3A_1737[0] : f32 from vector<1xf32>
      %slice3A_1739 = vector.extract_strided_slice %get3A_1624 {offsets = [13], sizes = [1], strides = [1]} : vector<16xf32> to vector<1xf32>
      %squeeze3A_1740 = vector.extract %slice3A_1739[0] : f32 from vector<1xf32>
      %broadcast_in_dim3A_1741 = vector.broadcast %squeeze3A_1738 : f32 to vector<16xf32>
      %broadcast_in_dim3A_1742 = vector.broadcast %squeeze3A_1740 : f32 to vector<16xf32>
      %select_n3A_1743 = arith.select %lt3A_1, %broadcast_in_dim3A_1741, %broadcast_in_dim3A_1742 : vector<16xi1>, vector<16xf32>
      %add3A_1744 = arith.addi %mul3A_69, %add3A_1736 : i32
      %mul3A_1745 = arith.constant 16 : i32
      %mul3A_1746 = arith.muli %add3A_1744, %mul3A_1745 : i32
      %get3A_1747 = arith.index_cast %mul3A_1746 : i32 to index
      %get3A_1748 = tpu.vector_load %arg12[%get3A_1747] {strides = array<i32>} : memref<4096xf32, #tpu.memory_space<vmem>>, vector<16xf32>,
      %mul3A_1749 = arith.mulf %select_n3A_1743, %get3A_1748 : vector<16xf32>
      %add3A_1750 = arith.addf %add3A_1678, %mul3A_1749 : vector<16xf32>
      %mul3A_1751 = arith.constant 8 : i32
      %mul3A_1752 = arith.muli %mul3A_1751, %scan3A_1616 : i32
      %add3A_1753 = arith.constant 7 : i32
      %add3A_1754 = arith.addi %mul3A_1752, %add3A_1753 : i32
      %slice3A_1755 = vector.extract_strided_slice %get3A_1624 {offsets = [14], sizes = [1], strides = [1]} : vector<16xf32> to vector<1xf32>
      %squeeze3A_1756 = vector.extract %slice3A_1755[0] : f32 from vector<1xf32>
      %slice3A_1757 = vector.extract_strided_slice %get3A_1624 {offsets = [15], sizes = [1], strides = [1]} : vector<16xf32> to vector<1xf32>
      %squeeze3A_1758 = vector.extract %slice3A_1757[0] : f32 from vector<1xf32>
      %broadcast_in_dim3A_1759 = vector.broadcast %squeeze3A_1756 : f32 to vector<16xf32>
      %broadcast_in_dim3A_1760 = vector.broadcast %squeeze3A_1758 : f32 to vector<16xf32>
      %select_n3A_1761 = arith.select %lt3A_1, %broadcast_in_dim3A_1759, %broadcast_in_dim3A_1760 : vector<16xi1>, vector<16xf32>
      %add3A_1762 = arith.addi %mul3A_69, %add3A_1754 : i32
      %mul3A_1763 = arith.constant 16 : i32
      %mul3A_1764 = arith.muli %add3A_1762, %mul3A_1763 : i32
      %get3A_1765 = arith.index_cast %mul3A_1764 : i32 to index
      %get3A_1766 = tpu.vector_load %arg12[%get3A_1765] {strides = array<i32>} : memref<4096xf32, #tpu.memory_space<vmem>>, vector<16xf32>,
      %mul3A_1767 = arith.mulf %select_n3A_1761, %get3A_1766 : vector<16xf32>
      %add3A_1768 = arith.addf %add3A_1696, %mul3A_1767 : vector<16xf32>
      scf.yield %add3A_1714, %add3A_1732, %add3A_1750, %add3A_1768 : vector<16xf32>, vector<16xf32>, vector<16xf32>, vector<16xf32>
    }
    %scan3A_75 = arith.constant 16 : i32
    %add3A_76 = arith.addf %scan3A_74#0, %scan3A_74#1 : vector<16xf32>
    %add3A_77 = arith.addf %scan3A_74#2, %scan3A_74#3 : vector<16xf32>
    %add3A_78 = arith.addf %add3A_76, %add3A_77 : vector<16xf32>
    %swap3A_79 = arith.constant 0 : index
    %swap3A_80 = tpu.vector_load %arg28[%swap3A_79] {strides = array<i32>} : memref<16xf32, #tpu.memory_space<vmem>>, vector<16xf32>,
    tpu.vector_store %arg28[%swap3A_79], %add3A_78 {strides = array<i32>} : memref<16xf32, #tpu.memory_space<vmem>>, vector<16xf32>,
    %and3A_81 = arith.constant 7 : i32
    %and3A_82 = vector.broadcast %and3A_81 : i32 to vector<16xi32>
    %and3A_83 = arith.andi %iota3A, %and3A_82 : vector<16xi32>
    %gather3A_84 = tpu.vector_load_idx %arg28[%and3A_83] : memref<16xf32, #tpu.memory_space<vmem>>[vector<16xi32>], vector<16xf32>,
    %and3A_85 = arith.constant 7 : i32
    %and3A_86 = vector.broadcast %and3A_85 : i32 to vector<16xi32>
    %and3A_87 = arith.andi %iota3A, %and3A_86 : vector<16xi32>
    %add3A_88 = arith.constant 8 : i32
    %add3A_89 = vector.broadcast %add3A_88 : i32 to vector<16xi32>
    %add3A_90 = arith.addi %and3A_87, %add3A_89 : vector<16xi32>
    %gather3A_91 = tpu.vector_load_idx %arg28[%add3A_90] : memref<16xf32, #tpu.memory_space<vmem>>[vector<16xi32>], vector<16xf32>,
    %add3A_92 = arith.addf %gather3A_84, %gather3A_91 : vector<16xf32>
    %select_n3A = arith.select %lt3A_1, %add3A_63, %add3A_92 : vector<16xi1>, vector<16xf32>
    %swap3A_93 = arith.constant 0 : index
    %swap3A_94 = tpu.vector_load %arg27[%swap3A_93] {strides = array<i32>} : memref<16xf32, #tpu.memory_space<vmem>>, vector<16xf32>,
    tpu.vector_store %arg27[%swap3A_93], %select_n3A {strides = array<i32>} : memref<16xf32, #tpu.memory_space<vmem>>, vector<16xf32>,
    %mul3A_95 = arith.constant 16 : i32
    %mul3A_96 = arith.muli %arg1, %mul3A_95 : i32
    "tpu.region"() ({
      %run_scoped3A = tpu.sem_alloc : memref<!tpu.dma_semaphore, #tpu.memory_space<semaphore_mem>>
      %dma_start3A_1616 = tpu.memref_slice %arg29[%mul3A_96] : memref<256xf32, #tpu.memory_space<vmem_shared>> -> memref<16xf32, #tpu.memory_space<vmem_shared>>
      %dma_start3A_1617 = tpu.memref_slice %arg29[%mul3A_96] : memref<256xf32, #tpu.memory_space<vmem_shared>> -> memref<16xf32, #tpu.memory_space<vmem_shared>>
      tpu.enqueue_dma source(%arg27 : memref<16xf32, #tpu.memory_space<vmem>>) target(%dma_start3A_1617 : memref<16xf32, #tpu.memory_space<vmem_shared>>) target_semaphore(%run_scoped3A : memref<!tpu.dma_semaphore, #tpu.memory_space<semaphore_mem>>)
      %dma_wait3A_1618 = tpu.memref_slice %arg29[%mul3A_96] : memref<256xf32, #tpu.memory_space<vmem_shared>> -> memref<16xf32, #tpu.memory_space<vmem_shared>>
      %dma_wait3A_1619 = tpu.memref_slice %arg29[%mul3A_96] : memref<256xf32, #tpu.memory_space<vmem_shared>> -> memref<16xf32, #tpu.memory_space<vmem_shared>>
      tpu.wait_dma2 semaphore(%run_scoped3A : memref<!tpu.dma_semaphore, #tpu.memory_space<semaphore_mem>>) src(%arg27 : memref<16xf32, #tpu.memory_space<vmem>>) dst(%dma_wait3A_1619 : memref<16xf32, #tpu.memory_space<vmem_shared>>)
      tpu.yield
    }) : () -> ()
    tpu.wait_dma2 semaphore(%arg34 : memref<!tpu.dma_semaphore, #tpu.memory_space<semaphore_mem>>) src(%arg2 : memref<2x576xi32, #tpu.memory_space<hbm>>) dst(%arg11 : memref<2x576xi32, #tpu.memory_space<vmem>>)
    %swap3A_97 = arith.constant 0 : index
    %swap3A_98 = tpu.vector_load %arg18[%swap3A_97] {strides = array<i32>} : memref<32xf32, #tpu.memory_space<vmem>>, vector<16xf32>,
    tpu.vector_store %arg18[%swap3A_97], %broadcast_in_dim3A_4 {strides = array<i32>} : memref<32xf32, #tpu.memory_space<vmem>>, vector<16xf32>,
    %swap3A_99 = arith.constant 16 : index
    %swap3A_100 = tpu.vector_load %arg18[%swap3A_99] {strides = array<i32>} : memref<32xf32, #tpu.memory_space<vmem>>, vector<16xf32>,
    tpu.vector_store %arg18[%swap3A_99], %broadcast_in_dim3A_4 {strides = array<i32>} : memref<32xf32, #tpu.memory_space<vmem>>, vector<16xf32>,
    %broadcast_in_dim3A_101 = arith.constant 1.000000e+00 : f32
    %broadcast_in_dim3A_102 = vector.broadcast %broadcast_in_dim3A_101 : f32 to vector<16xf32>
    %scan3A_103 = arith.constant 0 : i32
    %scan3A_104 = arith.constant 0 : i32
    %scan3A_105 = arith.constant 9 : i32
    %scan3A_106 = arith.addi %scan3A_104, %scan3A_105 : i32
    %scan3A_107 = arith.constant 1 : i32
    scf.for %scan3A_1616 = %scan3A_104 to %scan3A_106 step %scan3A_107  : i32 {
      %mul3A_1617 = arith.constant 4 : i32
      %mul3A_1618 = arith.muli %mul3A_1617, %scan3A_1616 : i32
      %add3A_1619 = arith.constant 0 : i32
      %add3A_1620 = arith.addi %mul3A_1618, %add3A_1619 : i32
      %mul3A_1621 = arith.constant 16 : i32
      %mul3A_1622 = arith.muli %add3A_1620, %mul3A_1621 : i32
      %get3A_1623 = arith.constant 1 : i32
      %get3A_1624 = arith.index_cast %get3A_1623 : i32 to index
      %get3A_1625 = arith.index_cast %mul3A_1622 : i32 to index
      %get3A_1626 = tpu.vector_load %arg11[%get3A_1624, %get3A_1625] {strides = array<i32>} : memref<2x576xi32, #tpu.memory_space<vmem>>, vector<16xi32>,
      tpu.vector_store_idx %arg18[%get3A_1626], %broadcast_in_dim3A_102 {add = true} : memref<32xf32, #tpu.memory_space<vmem>>[vector<16xi32>], vector<16xf32>,
      %mul3A_1627 = arith.constant 16 : i32
      %mul3A_1628 = arith.muli %add3A_1620, %mul3A_1627 : i32
      %swap3A_1629 = arith.index_cast %mul3A_1628 : i32 to index
      %swap3A_1630 = tpu.vector_load %arg19[%swap3A_1629] {strides = array<i32>} : memref<768xf32, #tpu.memory_space<vmem>>, vector<16xf32>,
      tpu.vector_store %arg19[%swap3A_1629], %broadcast_in_dim3A_4 {strides = array<i32>} : memref<768xf32, #tpu.memory_space<vmem>>, vector<16xf32>,
      %mul3A_1631 = arith.constant 4 : i32
      %mul3A_1632 = arith.muli %mul3A_1631, %scan3A_1616 : i32
      %add3A_1633 = arith.constant 1 : i32
      %add3A_1634 = arith.addi %mul3A_1632, %add3A_1633 : i32
      %mul3A_1635 = arith.constant 16 : i32
      %mul3A_1636 = arith.muli %add3A_1634, %mul3A_1635 : i32
      %get3A_1637 = arith.constant 1 : i32
      %get3A_1638 = arith.index_cast %get3A_1637 : i32 to index
      %get3A_1639 = arith.index_cast %mul3A_1636 : i32 to index
      %get3A_1640 = tpu.vector_load %arg11[%get3A_1638, %get3A_1639] {strides = array<i32>} : memref<2x576xi32, #tpu.memory_space<vmem>>, vector<16xi32>,
      tpu.vector_store_idx %arg18[%get3A_1640], %broadcast_in_dim3A_102 {add = true} : memref<32xf32, #tpu.memory_space<vmem>>[vector<16xi32>], vector<16xf32>,
      %mul3A_1641 = arith.constant 16 : i32
      %mul3A_1642 = arith.muli %add3A_1634, %mul3A_1641 : i32
      %swap3A_1643 = arith.index_cast %mul3A_1642 : i32 to index
      %swap3A_1644 = tpu.vector_load %arg19[%swap3A_1643] {strides = array<i32>} : memref<768xf32, #tpu.memory_space<vmem>>, vector<16xf32>,
      tpu.vector_store %arg19[%swap3A_1643], %broadcast_in_dim3A_4 {strides = array<i32>} : memref<768xf32, #tpu.memory_space<vmem>>, vector<16xf32>,
      %mul3A_1645 = arith.constant 4 : i32
      %mul3A_1646 = arith.muli %mul3A_1645, %scan3A_1616 : i32
      %add3A_1647 = arith.constant 2 : i32
      %add3A_1648 = arith.addi %mul3A_1646, %add3A_1647 : i32
      %mul3A_1649 = arith.constant 16 : i32
      %mul3A_1650 = arith.muli %add3A_1648, %mul3A_1649 : i32
      %get3A_1651 = arith.constant 1 : i32
      %get3A_1652 = arith.index_cast %get3A_1651 : i32 to index
      %get3A_1653 = arith.index_cast %mul3A_1650 : i32 to index
      %get3A_1654 = tpu.vector_load %arg11[%get3A_1652, %get3A_1653] {strides = array<i32>} : memref<2x576xi32, #tpu.memory_space<vmem>>, vector<16xi32>,
      tpu.vector_store_idx %arg18[%get3A_1654], %broadcast_in_dim3A_102 {add = true} : memref<32xf32, #tpu.memory_space<vmem>>[vector<16xi32>], vector<16xf32>,
      %mul3A_1655 = arith.constant 16 : i32
      %mul3A_1656 = arith.muli %add3A_1648, %mul3A_1655 : i32
      %swap3A_1657 = arith.index_cast %mul3A_1656 : i32 to index
      %swap3A_1658 = tpu.vector_load %arg19[%swap3A_1657] {strides = array<i32>} : memref<768xf32, #tpu.memory_space<vmem>>, vector<16xf32>,
      tpu.vector_store %arg19[%swap3A_1657], %broadcast_in_dim3A_4 {strides = array<i32>} : memref<768xf32, #tpu.memory_space<vmem>>, vector<16xf32>,
      %mul3A_1659 = arith.constant 4 : i32
      %mul3A_1660 = arith.muli %mul3A_1659, %scan3A_1616 : i32
      %add3A_1661 = arith.constant 3 : i32
      %add3A_1662 = arith.addi %mul3A_1660, %add3A_1661 : i32
      %mul3A_1663 = arith.constant 16 : i32
      %mul3A_1664 = arith.muli %add3A_1662, %mul3A_1663 : i32
      %get3A_1665 = arith.constant 1 : i32
      %get3A_1666 = arith.index_cast %get3A_1665 : i32 to index
      %get3A_1667 = arith.index_cast %mul3A_1664 : i32 to index
      %get3A_1668 = tpu.vector_load %arg11[%get3A_1666, %get3A_1667] {strides = array<i32>} : memref<2x576xi32, #tpu.memory_space<vmem>>, vector<16xi32>,
      tpu.vector_store_idx %arg18[%get3A_1668], %broadcast_in_dim3A_102 {add = true} : memref<32xf32, #tpu.memory_space<vmem>>[vector<16xi32>], vector<16xf32>,
      %mul3A_1669 = arith.constant 16 : i32
      %mul3A_1670 = arith.muli %add3A_1662, %mul3A_1669 : i32
      %swap3A_1671 = arith.index_cast %mul3A_1670 : i32 to index
      %swap3A_1672 = tpu.vector_load %arg19[%swap3A_1671] {strides = array<i32>} : memref<768xf32, #tpu.memory_space<vmem>>, vector<16xf32>,
      tpu.vector_store %arg19[%swap3A_1671], %broadcast_in_dim3A_4 {strides = array<i32>} : memref<768xf32, #tpu.memory_space<vmem>>, vector<16xf32>,
    }
    %scan3A_108 = arith.constant 9 : i32
    %get3A = arith.constant 0 : index
    %get3A_109 = tpu.vector_load %arg18[%get3A] {strides = array<i32>} : memref<32xf32, #tpu.memory_space<vmem>>, vector<16xf32>,
    %add3A_110 = arith.constant 1.000000e+00 : f32
    %add3A_111 = vector.broadcast %add3A_110 : f32 to vector<16xf32>
    %add3A_112 = arith.addf %get3A_109, %add3A_111 : vector<16xf32>
    %bitcast3A = vector.bitcast %add3A_112 : vector<16xf32> to vector<16xi32>
    %broadcast_in_dim3A_113 = arith.constant 1597463007 : i32
    %broadcast_in_dim3A_114 = vector.broadcast %broadcast_in_dim3A_113 : i32 to vector<16xi32>
    %shift_right_logical3A_115 = arith.constant 1 : i32
    %shift_right_logical3A_116 = vector.broadcast %shift_right_logical3A_115 : i32 to vector<16xi32>
    %shift_right_logical3A_117 = arith.shrui %bitcast3A, %shift_right_logical3A_116 : vector<16xi32>
    %sub3A = arith.subi %broadcast_in_dim3A_114, %shift_right_logical3A_117 : vector<16xi32>
    %bitcast3A_118 = vector.bitcast %sub3A : vector<16xi32> to vector<16xf32>
    %mul3A_119 = arith.constant 5.000000e-01 : f32
    %mul3A_120 = vector.broadcast %mul3A_119 : f32 to vector<16xf32>
    %mul3A_121 = arith.mulf %mul3A_120, %add3A_112 : vector<16xf32>
    %mul3A_122 = arith.mulf %mul3A_121, %bitcast3A_118 : vector<16xf32>
    %mul3A_123 = arith.mulf %mul3A_122, %bitcast3A_118 : vector<16xf32>
    %sub3A_124 = arith.constant 1.500000e+00 : f32
    %sub3A_125 = vector.broadcast %sub3A_124 : f32 to vector<16xf32>
    %sub3A_126 = arith.subf %sub3A_125, %mul3A_123 : vector<16xf32>
    %mul3A_127 = arith.mulf %bitcast3A_118, %sub3A_126 : vector<16xf32>
    %mul3A_128 = arith.constant 5.000000e-01 : f32
    %mul3A_129 = vector.broadcast %mul3A_128 : f32 to vector<16xf32>
    %mul3A_130 = arith.mulf %mul3A_129, %add3A_112 : vector<16xf32>
    %mul3A_131 = arith.mulf %mul3A_130, %mul3A_127 : vector<16xf32>
    %mul3A_132 = arith.mulf %mul3A_131, %mul3A_127 : vector<16xf32>
    %sub3A_133 = arith.constant 1.500000e+00 : f32
    %sub3A_134 = vector.broadcast %sub3A_133 : f32 to vector<16xf32>
    %sub3A_135 = arith.subf %sub3A_134, %mul3A_132 : vector<16xf32>
    %mul3A_136 = arith.mulf %mul3A_127, %sub3A_135 : vector<16xf32>
    %mul3A_137 = arith.constant 5.000000e-01 : f32
    %mul3A_138 = vector.broadcast %mul3A_137 : f32 to vector<16xf32>
    %mul3A_139 = arith.mulf %mul3A_138, %add3A_112 : vector<16xf32>
    %mul3A_140 = arith.mulf %mul3A_139, %mul3A_136 : vector<16xf32>
    %mul3A_141 = arith.mulf %mul3A_140, %mul3A_136 : vector<16xf32>
    %sub3A_142 = arith.constant 1.500000e+00 : f32
    %sub3A_143 = vector.broadcast %sub3A_142 : f32 to vector<16xf32>
    %sub3A_144 = arith.subf %sub3A_143, %mul3A_141 : vector<16xf32>
    %mul3A_145 = arith.mulf %mul3A_136, %sub3A_144 : vector<16xf32>
    %swap3A_146 = arith.constant 0 : index
    %swap3A_147 = tpu.vector_load %arg17[%swap3A_146] {strides = array<i32>} : memref<32xf32, #tpu.memory_space<vmem>>, vector<16xf32>,
    tpu.vector_store %arg17[%swap3A_146], %mul3A_145 {strides = array<i32>} : memref<32xf32, #tpu.memory_space<vmem>>, vector<16xf32>,
    %get3A_148 = arith.constant 16 : index
    %get3A_149 = tpu.vector_load %arg18[%get3A_148] {strides = array<i32>} : memref<32xf32, #tpu.memory_space<vmem>>, vector<16xf32>,
    %add3A_150 = arith.constant 1.000000e+00 : f32
    %add3A_151 = vector.broadcast %add3A_150 : f32 to vector<16xf32>
    %add3A_152 = arith.addf %get3A_149, %add3A_151 : vector<16xf32>
    %bitcast3A_153 = vector.bitcast %add3A_152 : vector<16xf32> to vector<16xi32>
    %broadcast_in_dim3A_154 = arith.constant 1597463007 : i32
    %broadcast_in_dim3A_155 = vector.broadcast %broadcast_in_dim3A_154 : i32 to vector<16xi32>
    %shift_right_logical3A_156 = arith.constant 1 : i32
    %shift_right_logical3A_157 = vector.broadcast %shift_right_logical3A_156 : i32 to vector<16xi32>
    %shift_right_logical3A_158 = arith.shrui %bitcast3A_153, %shift_right_logical3A_157 : vector<16xi32>
    %sub3A_159 = arith.subi %broadcast_in_dim3A_155, %shift_right_logical3A_158 : vector<16xi32>
    %bitcast3A_160 = vector.bitcast %sub3A_159 : vector<16xi32> to vector<16xf32>
    %mul3A_161 = arith.constant 5.000000e-01 : f32
    %mul3A_162 = vector.broadcast %mul3A_161 : f32 to vector<16xf32>
    %mul3A_163 = arith.mulf %mul3A_162, %add3A_152 : vector<16xf32>
    %mul3A_164 = arith.mulf %mul3A_163, %bitcast3A_160 : vector<16xf32>
    %mul3A_165 = arith.mulf %mul3A_164, %bitcast3A_160 : vector<16xf32>
    %sub3A_166 = arith.constant 1.500000e+00 : f32
    %sub3A_167 = vector.broadcast %sub3A_166 : f32 to vector<16xf32>
    %sub3A_168 = arith.subf %sub3A_167, %mul3A_165 : vector<16xf32>
    %mul3A_169 = arith.mulf %bitcast3A_160, %sub3A_168 : vector<16xf32>
    %mul3A_170 = arith.constant 5.000000e-01 : f32
    %mul3A_171 = vector.broadcast %mul3A_170 : f32 to vector<16xf32>
    %mul3A_172 = arith.mulf %mul3A_171, %add3A_152 : vector<16xf32>
    %mul3A_173 = arith.mulf %mul3A_172, %mul3A_169 : vector<16xf32>
    %mul3A_174 = arith.mulf %mul3A_173, %mul3A_169 : vector<16xf32>
    %sub3A_175 = arith.constant 1.500000e+00 : f32
    %sub3A_176 = vector.broadcast %sub3A_175 : f32 to vector<16xf32>
    %sub3A_177 = arith.subf %sub3A_176, %mul3A_174 : vector<16xf32>
    %mul3A_178 = arith.mulf %mul3A_169, %sub3A_177 : vector<16xf32>
    %mul3A_179 = arith.constant 5.000000e-01 : f32
    %mul3A_180 = vector.broadcast %mul3A_179 : f32 to vector<16xf32>
    %mul3A_181 = arith.mulf %mul3A_180, %add3A_152 : vector<16xf32>
    %mul3A_182 = arith.mulf %mul3A_181, %mul3A_178 : vector<16xf32>
    %mul3A_183 = arith.mulf %mul3A_182, %mul3A_178 : vector<16xf32>
    %sub3A_184 = arith.constant 1.500000e+00 : f32
    %sub3A_185 = vector.broadcast %sub3A_184 : f32 to vector<16xf32>
    %sub3A_186 = arith.subf %sub3A_185, %mul3A_183 : vector<16xf32>
    %mul3A_187 = arith.mulf %mul3A_178, %sub3A_186 : vector<16xf32>
    %swap3A_188 = arith.constant 16 : index
    %swap3A_189 = tpu.vector_load %arg17[%swap3A_188] {strides = array<i32>} : memref<32xf32, #tpu.memory_space<vmem>>, vector<16xf32>,
    tpu.vector_store %arg17[%swap3A_188], %mul3A_187 {strides = array<i32>} : memref<32xf32, #tpu.memory_space<vmem>>, vector<16xf32>,
    %scan3A_190 = arith.constant 0 : i32
    %scan3A_191 = arith.constant 0 : i32
    %scan3A_192 = arith.constant 9 : i32
    %scan3A_193 = arith.addi %scan3A_191, %scan3A_192 : i32
    %scan3A_194 = arith.constant 1 : i32
    scf.for %scan3A_1616 = %scan3A_191 to %scan3A_193 step %scan3A_194  : i32 {
      %mul3A_1617 = arith.constant 4 : i32
      %mul3A_1618 = arith.muli %mul3A_1617, %scan3A_1616 : i32
      %add3A_1619 = arith.constant 0 : i32
      %add3A_1620 = arith.addi %mul3A_1618, %add3A_1619 : i32
      %mul3A_1621 = arith.constant 16 : i32
      %mul3A_1622 = arith.muli %add3A_1620, %mul3A_1621 : i32
      %get3A_1623 = arith.constant 0 : i32
      %get3A_1624 = arith.index_cast %get3A_1623 : i32 to index
      %get3A_1625 = arith.index_cast %mul3A_1622 : i32 to index
      %get3A_1626 = tpu.vector_load %arg11[%get3A_1624, %get3A_1625] {strides = array<i32>} : memref<2x576xi32, #tpu.memory_space<vmem>>, vector<16xi32>,
      %mul3A_1627 = arith.constant 16 : i32
      %mul3A_1628 = arith.muli %add3A_1620, %mul3A_1627 : i32
      %get3A_1629 = arith.constant 1 : i32
      %get3A_1630 = arith.index_cast %get3A_1629 : i32 to index
      %get3A_1631 = arith.index_cast %mul3A_1628 : i32 to index
      %get3A_1632 = tpu.vector_load %arg11[%get3A_1630, %get3A_1631] {strides = array<i32>} : memref<2x576xi32, #tpu.memory_space<vmem>>, vector<16xi32>,
      %gather3A_1633 = tpu.vector_load_idx %arg17[%get3A_1626] : memref<32xf32, #tpu.memory_space<vmem>>[vector<16xi32>], vector<16xf32>,
      %gather3A_1634 = tpu.vector_load_idx %arg17[%get3A_1632] : memref<32xf32, #tpu.memory_space<vmem>>[vector<16xi32>], vector<16xf32>,
      %mul3A_1635 = arith.mulf %gather3A_1633, %gather3A_1634 : vector<16xf32>
      %mul3A_1636 = arith.constant 24 : i32
      %mul3A_1637 = vector.broadcast %mul3A_1636 : i32 to vector<16xi32>
      %mul3A_1638 = arith.muli %get3A_1632, %mul3A_1637 : vector<16xi32>
      %add3A_1639 = arith.addi %mul3A_1638, %get3A_1626 : vector<16xi32>
      tpu.vector_store_idx %arg19[%add3A_1639], %mul3A_1635 {add = true} : memref<768xf32, #tpu.memory_space<vmem>>[vector<16xi32>], vector<16xf32>,
      %mul3A_1640 = arith.constant 4 : i32
      %mul3A_1641 = arith.muli %mul3A_1640, %scan3A_1616 : i32
      %add3A_1642 = arith.constant 1 : i32
      %add3A_1643 = arith.addi %mul3A_1641, %add3A_1642 : i32
      %mul3A_1644 = arith.constant 16 : i32
      %mul3A_1645 = arith.muli %add3A_1643, %mul3A_1644 : i32
      %get3A_1646 = arith.constant 0 : i32
      %get3A_1647 = arith.index_cast %get3A_1646 : i32 to index
      %get3A_1648 = arith.index_cast %mul3A_1645 : i32 to index
      %get3A_1649 = tpu.vector_load %arg11[%get3A_1647, %get3A_1648] {strides = array<i32>} : memref<2x576xi32, #tpu.memory_space<vmem>>, vector<16xi32>,
      %mul3A_1650 = arith.constant 16 : i32
      %mul3A_1651 = arith.muli %add3A_1643, %mul3A_1650 : i32
      %get3A_1652 = arith.constant 1 : i32
      %get3A_1653 = arith.index_cast %get3A_1652 : i32 to index
      %get3A_1654 = arith.index_cast %mul3A_1651 : i32 to index
      %get3A_1655 = tpu.vector_load %arg11[%get3A_1653, %get3A_1654] {strides = array<i32>} : memref<2x576xi32, #tpu.memory_space<vmem>>, vector<16xi32>,
      %gather3A_1656 = tpu.vector_load_idx %arg17[%get3A_1649] : memref<32xf32, #tpu.memory_space<vmem>>[vector<16xi32>], vector<16xf32>,
      %gather3A_1657 = tpu.vector_load_idx %arg17[%get3A_1655] : memref<32xf32, #tpu.memory_space<vmem>>[vector<16xi32>], vector<16xf32>,
      %mul3A_1658 = arith.mulf %gather3A_1656, %gather3A_1657 : vector<16xf32>
      %mul3A_1659 = arith.constant 24 : i32
      %mul3A_1660 = vector.broadcast %mul3A_1659 : i32 to vector<16xi32>
      %mul3A_1661 = arith.muli %get3A_1655, %mul3A_1660 : vector<16xi32>
      %add3A_1662 = arith.addi %mul3A_1661, %get3A_1649 : vector<16xi32>
      tpu.vector_store_idx %arg19[%add3A_1662], %mul3A_1658 {add = true} : memref<768xf32, #tpu.memory_space<vmem>>[vector<16xi32>], vector<16xf32>,
      %mul3A_1663 = arith.constant 4 : i32
      %mul3A_1664 = arith.muli %mul3A_1663, %scan3A_1616 : i32
      %add3A_1665 = arith.constant 2 : i32
      %add3A_1666 = arith.addi %mul3A_1664, %add3A_1665 : i32
      %mul3A_1667 = arith.constant 16 : i32
      %mul3A_1668 = arith.muli %add3A_1666, %mul3A_1667 : i32
      %get3A_1669 = arith.constant 0 : i32
      %get3A_1670 = arith.index_cast %get3A_1669 : i32 to index
      %get3A_1671 = arith.index_cast %mul3A_1668 : i32 to index
      %get3A_1672 = tpu.vector_load %arg11[%get3A_1670, %get3A_1671] {strides = array<i32>} : memref<2x576xi32, #tpu.memory_space<vmem>>, vector<16xi32>,
      %mul3A_1673 = arith.constant 16 : i32
      %mul3A_1674 = arith.muli %add3A_1666, %mul3A_1673 : i32
      %get3A_1675 = arith.constant 1 : i32
      %get3A_1676 = arith.index_cast %get3A_1675 : i32 to index
      %get3A_1677 = arith.index_cast %mul3A_1674 : i32 to index
      %get3A_1678 = tpu.vector_load %arg11[%get3A_1676, %get3A_1677] {strides = array<i32>} : memref<2x576xi32, #tpu.memory_space<vmem>>, vector<16xi32>,
      %gather3A_1679 = tpu.vector_load_idx %arg17[%get3A_1672] : memref<32xf32, #tpu.memory_space<vmem>>[vector<16xi32>], vector<16xf32>,
      %gather3A_1680 = tpu.vector_load_idx %arg17[%get3A_1678] : memref<32xf32, #tpu.memory_space<vmem>>[vector<16xi32>], vector<16xf32>,
      %mul3A_1681 = arith.mulf %gather3A_1679, %gather3A_1680 : vector<16xf32>
      %mul3A_1682 = arith.constant 24 : i32
      %mul3A_1683 = vector.broadcast %mul3A_1682 : i32 to vector<16xi32>
      %mul3A_1684 = arith.muli %get3A_1678, %mul3A_1683 : vector<16xi32>
      %add3A_1685 = arith.addi %mul3A_1684, %get3A_1672 : vector<16xi32>
      tpu.vector_store_idx %arg19[%add3A_1685], %mul3A_1681 {add = true} : memref<768xf32, #tpu.memory_space<vmem>>[vector<16xi32>], vector<16xf32>,
      %mul3A_1686 = arith.constant 4 : i32
      %mul3A_1687 = arith.muli %mul3A_1686, %scan3A_1616 : i32
      %add3A_1688 = arith.constant 3 : i32
      %add3A_1689 = arith.addi %mul3A_1687, %add3A_1688 : i32
      %mul3A_1690 = arith.constant 16 : i32
      %mul3A_1691 = arith.muli %add3A_1689, %mul3A_1690 : i32
      %get3A_1692 = arith.constant 0 : i32
      %get3A_1693 = arith.index_cast %get3A_1692 : i32 to index
      %get3A_1694 = arith.index_cast %mul3A_1691 : i32 to index
      %get3A_1695 = tpu.vector_load %arg11[%get3A_1693, %get3A_1694] {strides = array<i32>} : memref<2x576xi32, #tpu.memory_space<vmem>>, vector<16xi32>,
      %mul3A_1696 = arith.constant 16 : i32
      %mul3A_1697 = arith.muli %add3A_1689, %mul3A_1696 : i32
      %get3A_1698 = arith.constant 1 : i32
      %get3A_1699 = arith.index_cast %get3A_1698 : i32 to index
      %get3A_1700 = arith.index_cast %mul3A_1697 : i32 to index
      %get3A_1701 = tpu.vector_load %arg11[%get3A_1699, %get3A_1700] {strides = array<i32>} : memref<2x576xi32, #tpu.memory_space<vmem>>, vector<16xi32>,
      %gather3A_1702 = tpu.vector_load_idx %arg17[%get3A_1695] : memref<32xf32, #tpu.memory_space<vmem>>[vector<16xi32>], vector<16xf32>,
      %gather3A_1703 = tpu.vector_load_idx %arg17[%get3A_1701] : memref<32xf32, #tpu.memory_space<vmem>>[vector<16xi32>], vector<16xf32>,
      %mul3A_1704 = arith.mulf %gather3A_1702, %gather3A_1703 : vector<16xf32>
      %mul3A_1705 = arith.constant 24 : i32
      %mul3A_1706 = vector.broadcast %mul3A_1705 : i32 to vector<16xi32>
      %mul3A_1707 = arith.muli %get3A_1701, %mul3A_1706 : vector<16xi32>
      %add3A_1708 = arith.addi %mul3A_1707, %get3A_1695 : vector<16xi32>
      tpu.vector_store_idx %arg19[%add3A_1708], %mul3A_1704 {add = true} : memref<768xf32, #tpu.memory_space<vmem>>[vector<16xi32>], vector<16xf32>,
    }
    %scan3A_195 = arith.constant 9 : i32
    %dma_wait3A_196 = arith.constant 0 : i32
    %dma_wait3A_197 = tpu.memref_slice %arg24[%dma_wait3A_196] : memref<16xf32, #tpu.memory_space<vmem>> -> memref<8xf32, #tpu.memory_space<vmem>>
    %dma_wait3A_198 = arith.constant 0 : i32
    %dma_wait3A_199 = tpu.memref_slice %arg24[%dma_wait3A_198] : memref<16xf32, #tpu.memory_space<vmem>> -> memref<8xf32, #tpu.memory_space<vmem>>
    tpu.wait_dma2 semaphore(%arg35 : memref<!tpu.dma_semaphore, #tpu.memory_space<semaphore_mem>>) src(%arg5 : memref<8xf32, #tpu.memory_space<hbm>>) dst(%dma_wait3A_199 : memref<8xf32, #tpu.memory_space<vmem>>)
    %dma_wait3A_200 = arith.constant 0 : i32
    %dma_wait3A_201 = tpu.memref_slice %arg6[%mul3A_24, %dma_wait3A_200] : memref<128x192xf32, #tpu.memory_space<hbm>> -> memref<8x192xf32, #tpu.memory_space<hbm>>
    %dma_wait3A_202 = arith.constant 0 : i32
    %dma_wait3A_203 = tpu.memref_slice %arg6[%mul3A_24, %dma_wait3A_202] : memref<128x192xf32, #tpu.memory_space<hbm>> -> memref<8x192xf32, #tpu.memory_space<hbm>>
    tpu.wait_dma2 semaphore(%arg35 : memref<!tpu.dma_semaphore, #tpu.memory_space<semaphore_mem>>) src(%dma_wait3A_203 : memref<8x192xf32, #tpu.memory_space<hbm>>) dst(%arg21 : memref<8x192xf32, #tpu.memory_space<vmem>>)
    %dma_wait3A_204 = arith.constant 0 : i32
    %dma_wait3A_205 = tpu.memref_slice %arg25[%dma_wait3A_204] : memref<16xf32, #tpu.memory_space<vmem>> -> memref<8xf32, #tpu.memory_space<vmem>>
    %dma_wait3A_206 = tpu.memref_slice %arg7[%mul3A_30] : memref<128xf32, #tpu.memory_space<hbm>> -> memref<8xf32, #tpu.memory_space<hbm>>
    %dma_wait3A_207 = arith.constant 0 : i32
    %dma_wait3A_208 = tpu.memref_slice %arg25[%dma_wait3A_207] : memref<16xf32, #tpu.memory_space<vmem>> -> memref<8xf32, #tpu.memory_space<vmem>>
    %dma_wait3A_209 = tpu.memref_slice %arg7[%mul3A_30] : memref<128xf32, #tpu.memory_space<hbm>> -> memref<8xf32, #tpu.memory_space<hbm>>
    tpu.wait_dma2 semaphore(%arg35 : memref<!tpu.dma_semaphore, #tpu.memory_space<semaphore_mem>>) src(%dma_wait3A_209 : memref<8xf32, #tpu.memory_space<hbm>>) dst(%dma_wait3A_208 : memref<8xf32, #tpu.memory_space<vmem>>)
    %barrier3A = arith.constant 0 : index
    tpu.barrier barrier_id(%barrier3A)
    "tpu.region"() ({
      %run_scoped3A = tpu.sem_alloc : memref<!tpu.dma_semaphore, #tpu.memory_space<semaphore_mem>>
      tpu.enqueue_dma source(%arg29 : memref<256xf32, #tpu.memory_space<vmem_shared>>) target(%arg16 : memref<256xf32, #tpu.memory_space<vmem>>) target_semaphore(%run_scoped3A : memref<!tpu.dma_semaphore, #tpu.memory_space<semaphore_mem>>)
      tpu.wait_dma2 semaphore(%run_scoped3A : memref<!tpu.dma_semaphore, #tpu.memory_space<semaphore_mem>>) src(%arg29 : memref<256xf32, #tpu.memory_space<vmem_shared>>) dst(%arg16 : memref<256xf32, #tpu.memory_space<vmem>>)
      tpu.yield
    }) : () -> ()
    %and3A_210 = arith.constant 7 : i32
    %and3A_211 = vector.broadcast %and3A_210 : i32 to vector<16xi32>
    %and3A_212 = arith.andi %iota3A, %and3A_211 : vector<16xi32>
    %add3A_213 = arith.constant 0 : i32
    %add3A_214 = vector.broadcast %add3A_213 : i32 to vector<16xi32>
    %add3A_215 = arith.addi %add3A_214, %iota3A : vector<16xi32>
    %shift_right_logical3A_216 = arith.constant 3 : i32
    %shift_right_logical3A_217 = vector.broadcast %shift_right_logical3A_216 : i32 to vector<16xi32>
    %shift_right_logical3A_218 = arith.shrui %add3A_215, %shift_right_logical3A_217 : vector<16xi32>
    %mul3A_219 = arith.constant 16 : i32
    %mul3A_220 = vector.broadcast %mul3A_219 : i32 to vector<16xi32>
    %mul3A_221 = arith.muli %shift_right_logical3A_218, %mul3A_220 : vector<16xi32>
    %add3A_222 = arith.addi %mul3A_221, %and3A_212 : vector<16xi32>
    %gather3A_223 = tpu.vector_load_idx %arg16[%add3A_222] : memref<256xf32, #tpu.memory_space<vmem>>[vector<16xi32>], vector<16xf32>,
    %swap3A_224 = arith.constant 0 : index
    %swap3A_225 = tpu.vector_load %arg15[%swap3A_224] {strides = array<i32>} : memref<256xf32, #tpu.memory_space<vmem>>, vector<16xf32>,
    tpu.vector_store %arg15[%swap3A_224], %gather3A_223 {strides = array<i32>} : memref<256xf32, #tpu.memory_space<vmem>>, vector<16xf32>,
    %add3A_226 = arith.constant 16 : i32
    %add3A_227 = vector.broadcast %add3A_226 : i32 to vector<16xi32>
    %add3A_228 = arith.addi %add3A_227, %iota3A : vector<16xi32>
    %shift_right_logical3A_229 = arith.constant 3 : i32
    %shift_right_logical3A_230 = vector.broadcast %shift_right_logical3A_229 : i32 to vector<16xi32>
    %shift_right_logical3A_231 = arith.shrui %add3A_228, %shift_right_logical3A_230 : vector<16xi32>
    %mul3A_232 = arith.constant 16 : i32
    %mul3A_233 = vector.broadcast %mul3A_232 : i32 to vector<16xi32>
    %mul3A_234 = arith.muli %shift_right_logical3A_231, %mul3A_233 : vector<16xi32>
    %add3A_235 = arith.addi %mul3A_234, %and3A_212 : vector<16xi32>
    %gather3A_236 = tpu.vector_load_idx %arg16[%add3A_235] : memref<256xf32, #tpu.memory_space<vmem>>[vector<16xi32>], vector<16xf32>,
    %swap3A_237 = arith.constant 16 : index
    %swap3A_238 = tpu.vector_load %arg15[%swap3A_237] {strides = array<i32>} : memref<256xf32, #tpu.memory_space<vmem>>, vector<16xf32>,
    tpu.vector_store %arg15[%swap3A_237], %gather3A_236 {strides = array<i32>} : memref<256xf32, #tpu.memory_space<vmem>>, vector<16xf32>,
    %add3A_239 = arith.constant 32 : i32
    %add3A_240 = vector.broadcast %add3A_239 : i32 to vector<16xi32>
    %add3A_241 = arith.addi %add3A_240, %iota3A : vector<16xi32>
    %shift_right_logical3A_242 = arith.constant 3 : i32
    %shift_right_logical3A_243 = vector.broadcast %shift_right_logical3A_242 : i32 to vector<16xi32>
    %shift_right_logical3A_244 = arith.shrui %add3A_241, %shift_right_logical3A_243 : vector<16xi32>
    %mul3A_245 = arith.constant 16 : i32
    %mul3A_246 = vector.broadcast %mul3A_245 : i32 to vector<16xi32>
    %mul3A_247 = arith.muli %shift_right_logical3A_244, %mul3A_246 : vector<16xi32>
    %add3A_248 = arith.addi %mul3A_247, %and3A_212 : vector<16xi32>
    %gather3A_249 = tpu.vector_load_idx %arg16[%add3A_248] : memref<256xf32, #tpu.memory_space<vmem>>[vector<16xi32>], vector<16xf32>,
    %swap3A_250 = arith.constant 32 : index
    %swap3A_251 = tpu.vector_load %arg15[%swap3A_250] {strides = array<i32>} : memref<256xf32, #tpu.memory_space<vmem>>, vector<16xf32>,
    tpu.vector_store %arg15[%swap3A_250], %gather3A_249 {strides = array<i32>} : memref<256xf32, #tpu.memory_space<vmem>>, vector<16xf32>,
    %add3A_252 = arith.constant 48 : i32
    %add3A_253 = vector.broadcast %add3A_252 : i32 to vector<16xi32>
    %add3A_254 = arith.addi %add3A_253, %iota3A : vector<16xi32>
    %shift_right_logical3A_255 = arith.constant 3 : i32
    %shift_right_logical3A_256 = vector.broadcast %shift_right_logical3A_255 : i32 to vector<16xi32>
    %shift_right_logical3A_257 = arith.shrui %add3A_254, %shift_right_logical3A_256 : vector<16xi32>
    %mul3A_258 = arith.constant 16 : i32
    %mul3A_259 = vector.broadcast %mul3A_258 : i32 to vector<16xi32>
    %mul3A_260 = arith.muli %shift_right_logical3A_257, %mul3A_259 : vector<16xi32>
    %add3A_261 = arith.addi %mul3A_260, %and3A_212 : vector<16xi32>
    %gather3A_262 = tpu.vector_load_idx %arg16[%add3A_261] : memref<256xf32, #tpu.memory_space<vmem>>[vector<16xi32>], vector<16xf32>,
    %swap3A_263 = arith.constant 48 : index
    %swap3A_264 = tpu.vector_load %arg15[%swap3A_263] {strides = array<i32>} : memref<256xf32, #tpu.memory_space<vmem>>, vector<16xf32>,
    tpu.vector_store %arg15[%swap3A_263], %gather3A_262 {strides = array<i32>} : memref<256xf32, #tpu.memory_space<vmem>>, vector<16xf32>,
    %add3A_265 = arith.constant 64 : i32
    %add3A_266 = vector.broadcast %add3A_265 : i32 to vector<16xi32>
    %add3A_267 = arith.addi %add3A_266, %iota3A : vector<16xi32>
    %shift_right_logical3A_268 = arith.constant 3 : i32
    %shift_right_logical3A_269 = vector.broadcast %shift_right_logical3A_268 : i32 to vector<16xi32>
    %shift_right_logical3A_270 = arith.shrui %add3A_267, %shift_right_logical3A_269 : vector<16xi32>
    %mul3A_271 = arith.constant 16 : i32
    %mul3A_272 = vector.broadcast %mul3A_271 : i32 to vector<16xi32>
    %mul3A_273 = arith.muli %shift_right_logical3A_270, %mul3A_272 : vector<16xi32>
    %add3A_274 = arith.addi %mul3A_273, %and3A_212 : vector<16xi32>
    %gather3A_275 = tpu.vector_load_idx %arg16[%add3A_274] : memref<256xf32, #tpu.memory_space<vmem>>[vector<16xi32>], vector<16xf32>,
    %swap3A_276 = arith.constant 64 : index
    %swap3A_277 = tpu.vector_load %arg15[%swap3A_276] {strides = array<i32>} : memref<256xf32, #tpu.memory_space<vmem>>, vector<16xf32>,
    tpu.vector_store %arg15[%swap3A_276], %gather3A_275 {strides = array<i32>} : memref<256xf32, #tpu.memory_space<vmem>>, vector<16xf32>,
    %add3A_278 = arith.constant 80 : i32
    %add3A_279 = vector.broadcast %add3A_278 : i32 to vector<16xi32>
    %add3A_280 = arith.addi %add3A_279, %iota3A : vector<16xi32>
    %shift_right_logical3A_281 = arith.constant 3 : i32
    %shift_right_logical3A_282 = vector.broadcast %shift_right_logical3A_281 : i32 to vector<16xi32>
    %shift_right_logical3A_283 = arith.shrui %add3A_280, %shift_right_logical3A_282 : vector<16xi32>
    %mul3A_284 = arith.constant 16 : i32
    %mul3A_285 = vector.broadcast %mul3A_284 : i32 to vector<16xi32>
    %mul3A_286 = arith.muli %shift_right_logical3A_283, %mul3A_285 : vector<16xi32>
    %add3A_287 = arith.addi %mul3A_286, %and3A_212 : vector<16xi32>
    %gather3A_288 = tpu.vector_load_idx %arg16[%add3A_287] : memref<256xf32, #tpu.memory_space<vmem>>[vector<16xi32>], vector<16xf32>,
    %swap3A_289 = arith.constant 80 : index
    %swap3A_290 = tpu.vector_load %arg15[%swap3A_289] {strides = array<i32>} : memref<256xf32, #tpu.memory_space<vmem>>, vector<16xf32>,
    tpu.vector_store %arg15[%swap3A_289], %gather3A_288 {strides = array<i32>} : memref<256xf32, #tpu.memory_space<vmem>>, vector<16xf32>,
    %add3A_291 = arith.constant 96 : i32
    %add3A_292 = vector.broadcast %add3A_291 : i32 to vector<16xi32>
    %add3A_293 = arith.addi %add3A_292, %iota3A : vector<16xi32>
    %shift_right_logical3A_294 = arith.constant 3 : i32
    %shift_right_logical3A_295 = vector.broadcast %shift_right_logical3A_294 : i32 to vector<16xi32>
    %shift_right_logical3A_296 = arith.shrui %add3A_293, %shift_right_logical3A_295 : vector<16xi32>
    %mul3A_297 = arith.constant 16 : i32
    %mul3A_298 = vector.broadcast %mul3A_297 : i32 to vector<16xi32>
    %mul3A_299 = arith.muli %shift_right_logical3A_296, %mul3A_298 : vector<16xi32>
    %add3A_300 = arith.addi %mul3A_299, %and3A_212 : vector<16xi32>
    %gather3A_301 = tpu.vector_load_idx %arg16[%add3A_300] : memref<256xf32, #tpu.memory_space<vmem>>[vector<16xi32>], vector<16xf32>,
    %swap3A_302 = arith.constant 96 : index
    %swap3A_303 = tpu.vector_load %arg15[%swap3A_302] {strides = array<i32>} : memref<256xf32, #tpu.memory_space<vmem>>, vector<16xf32>,
    tpu.vector_store %arg15[%swap3A_302], %gather3A_301 {strides = array<i32>} : memref<256xf32, #tpu.memory_space<vmem>>, vector<16xf32>,
    %add3A_304 = arith.constant 112 : i32
    %add3A_305 = vector.broadcast %add3A_304 : i32 to vector<16xi32>
    %add3A_306 = arith.addi %add3A_305, %iota3A : vector<16xi32>
    %shift_right_logical3A_307 = arith.constant 3 : i32
    %shift_right_logical3A_308 = vector.broadcast %shift_right_logical3A_307 : i32 to vector<16xi32>
    %shift_right_logical3A_309 = arith.shrui %add3A_306, %shift_right_logical3A_308 : vector<16xi32>
    %mul3A_310 = arith.constant 16 : i32
    %mul3A_311 = vector.broadcast %mul3A_310 : i32 to vector<16xi32>
    %mul3A_312 = arith.muli %shift_right_logical3A_309, %mul3A_311 : vector<16xi32>
    %add3A_313 = arith.addi %mul3A_312, %and3A_212 : vector<16xi32>
    %gather3A_314 = tpu.vector_load_idx %arg16[%add3A_313] : memref<256xf32, #tpu.memory_space<vmem>>[vector<16xi32>], vector<16xf32>,
    %swap3A_315 = arith.constant 112 : index
    %swap3A_316 = tpu.vector_load %arg15[%swap3A_315] {strides = array<i32>} : memref<256xf32, #tpu.memory_space<vmem>>, vector<16xf32>,
    tpu.vector_store %arg15[%swap3A_315], %gather3A_314 {strides = array<i32>} : memref<256xf32, #tpu.memory_space<vmem>>, vector<16xf32>,
    %add3A_317 = arith.constant 0 : i32
    %add3A_318 = vector.broadcast %add3A_317 : i32 to vector<16xi32>
    %add3A_319 = arith.addi %add3A_318, %iota3A : vector<16xi32>
    %shift_right_logical3A_320 = arith.constant 3 : i32
    %shift_right_logical3A_321 = vector.broadcast %shift_right_logical3A_320 : i32 to vector<16xi32>
    %shift_right_logical3A_322 = arith.shrui %add3A_319, %shift_right_logical3A_321 : vector<16xi32>
    %mul3A_323 = arith.constant 2 : i32
    %mul3A_324 = vector.broadcast %mul3A_323 : i32 to vector<16xi32>
    %mul3A_325 = arith.muli %mul3A_324, %shift_right_logical3A_322 : vector<16xi32>
    %mul3A_326 = arith.constant 16 : i32
    %mul3A_327 = vector.broadcast %mul3A_326 : i32 to vector<16xi32>
    %mul3A_328 = arith.muli %mul3A_325, %mul3A_327 : vector<16xi32>
    %add3A_329 = arith.constant 8 : i32
    %add3A_330 = vector.broadcast %add3A_329 : i32 to vector<16xi32>
    %add3A_331 = arith.addi %mul3A_328, %add3A_330 : vector<16xi32>
    %add3A_332 = arith.addi %add3A_331, %and3A_212 : vector<16xi32>
    %gather3A_333 = tpu.vector_load_idx %arg16[%add3A_332] : memref<256xf32, #tpu.memory_space<vmem>>[vector<16xi32>], vector<16xf32>,
    %mul3A_334 = arith.constant 2 : i32
    %mul3A_335 = vector.broadcast %mul3A_334 : i32 to vector<16xi32>
    %mul3A_336 = arith.muli %mul3A_335, %shift_right_logical3A_322 : vector<16xi32>
    %add3A_337 = arith.constant 1 : i32
    %add3A_338 = vector.broadcast %add3A_337 : i32 to vector<16xi32>
    %add3A_339 = arith.addi %mul3A_336, %add3A_338 : vector<16xi32>
    %mul3A_340 = arith.constant 16 : i32
    %mul3A_341 = vector.broadcast %mul3A_340 : i32 to vector<16xi32>
    %mul3A_342 = arith.muli %add3A_339, %mul3A_341 : vector<16xi32>
    %add3A_343 = arith.constant 8 : i32
    %add3A_344 = vector.broadcast %add3A_343 : i32 to vector<16xi32>
    %add3A_345 = arith.addi %mul3A_342, %add3A_344 : vector<16xi32>
    %add3A_346 = arith.addi %add3A_345, %and3A_212 : vector<16xi32>
    %gather3A_347 = tpu.vector_load_idx %arg16[%add3A_346] : memref<256xf32, #tpu.memory_space<vmem>>[vector<16xi32>], vector<16xf32>,
    %add3A_348 = arith.addf %gather3A_333, %gather3A_347 : vector<16xf32>
    %swap3A_349 = arith.constant 128 : index
    %swap3A_350 = tpu.vector_load %arg15[%swap3A_349] {strides = array<i32>} : memref<256xf32, #tpu.memory_space<vmem>>, vector<16xf32>,
    tpu.vector_store %arg15[%swap3A_349], %add3A_348 {strides = array<i32>} : memref<256xf32, #tpu.memory_space<vmem>>, vector<16xf32>,
    %add3A_351 = arith.constant 16 : i32
    %add3A_352 = vector.broadcast %add3A_351 : i32 to vector<16xi32>
    %add3A_353 = arith.addi %add3A_352, %iota3A : vector<16xi32>
    %shift_right_logical3A_354 = arith.constant 3 : i32
    %shift_right_logical3A_355 = vector.broadcast %shift_right_logical3A_354 : i32 to vector<16xi32>
    %shift_right_logical3A_356 = arith.shrui %add3A_353, %shift_right_logical3A_355 : vector<16xi32>
    %mul3A_357 = arith.constant 2 : i32
    %mul3A_358 = vector.broadcast %mul3A_357 : i32 to vector<16xi32>
    %mul3A_359 = arith.muli %mul3A_358, %shift_right_logical3A_356 : vector<16xi32>
    %mul3A_360 = arith.constant 16 : i32
    %mul3A_361 = vector.broadcast %mul3A_360 : i32 to vector<16xi32>
    %mul3A_362 = arith.muli %mul3A_359, %mul3A_361 : vector<16xi32>
    %add3A_363 = arith.constant 8 : i32
    %add3A_364 = vector.broadcast %add3A_363 : i32 to vector<16xi32>
    %add3A_365 = arith.addi %mul3A_362, %add3A_364 : vector<16xi32>
    %add3A_366 = arith.addi %add3A_365, %and3A_212 : vector<16xi32>
    %gather3A_367 = tpu.vector_load_idx %arg16[%add3A_366] : memref<256xf32, #tpu.memory_space<vmem>>[vector<16xi32>], vector<16xf32>,
    %mul3A_368 = arith.constant 2 : i32
    %mul3A_369 = vector.broadcast %mul3A_368 : i32 to vector<16xi32>
    %mul3A_370 = arith.muli %mul3A_369, %shift_right_logical3A_356 : vector<16xi32>
    %add3A_371 = arith.constant 1 : i32
    %add3A_372 = vector.broadcast %add3A_371 : i32 to vector<16xi32>
    %add3A_373 = arith.addi %mul3A_370, %add3A_372 : vector<16xi32>
    %mul3A_374 = arith.constant 16 : i32
    %mul3A_375 = vector.broadcast %mul3A_374 : i32 to vector<16xi32>
    %mul3A_376 = arith.muli %add3A_373, %mul3A_375 : vector<16xi32>
    %add3A_377 = arith.constant 8 : i32
    %add3A_378 = vector.broadcast %add3A_377 : i32 to vector<16xi32>
    %add3A_379 = arith.addi %mul3A_376, %add3A_378 : vector<16xi32>
    %add3A_380 = arith.addi %add3A_379, %and3A_212 : vector<16xi32>
    %gather3A_381 = tpu.vector_load_idx %arg16[%add3A_380] : memref<256xf32, #tpu.memory_space<vmem>>[vector<16xi32>], vector<16xf32>,
    %add3A_382 = arith.addf %gather3A_367, %gather3A_381 : vector<16xf32>
    %swap3A_383 = arith.constant 144 : index
    %swap3A_384 = tpu.vector_load %arg15[%swap3A_383] {strides = array<i32>} : memref<256xf32, #tpu.memory_space<vmem>>, vector<16xf32>,
    tpu.vector_store %arg15[%swap3A_383], %add3A_382 {strides = array<i32>} : memref<256xf32, #tpu.memory_space<vmem>>, vector<16xf32>,
    %add3A_385 = arith.constant 32 : i32
    %add3A_386 = vector.broadcast %add3A_385 : i32 to vector<16xi32>
    %add3A_387 = arith.addi %add3A_386, %iota3A : vector<16xi32>
    %shift_right_logical3A_388 = arith.constant 3 : i32
    %shift_right_logical3A_389 = vector.broadcast %shift_right_logical3A_388 : i32 to vector<16xi32>
    %shift_right_logical3A_390 = arith.shrui %add3A_387, %shift_right_logical3A_389 : vector<16xi32>
    %mul3A_391 = arith.constant 2 : i32
    %mul3A_392 = vector.broadcast %mul3A_391 : i32 to vector<16xi32>
    %mul3A_393 = arith.muli %mul3A_392, %shift_right_logical3A_390 : vector<16xi32>
    %mul3A_394 = arith.constant 16 : i32
    %mul3A_395 = vector.broadcast %mul3A_394 : i32 to vector<16xi32>
    %mul3A_396 = arith.muli %mul3A_393, %mul3A_395 : vector<16xi32>
    %add3A_397 = arith.constant 8 : i32
    %add3A_398 = vector.broadcast %add3A_397 : i32 to vector<16xi32>
    %add3A_399 = arith.addi %mul3A_396, %add3A_398 : vector<16xi32>
    %add3A_400 = arith.addi %add3A_399, %and3A_212 : vector<16xi32>
    %gather3A_401 = tpu.vector_load_idx %arg16[%add3A_400] : memref<256xf32, #tpu.memory_space<vmem>>[vector<16xi32>], vector<16xf32>,
    %mul3A_402 = arith.constant 2 : i32
    %mul3A_403 = vector.broadcast %mul3A_402 : i32 to vector<16xi32>
    %mul3A_404 = arith.muli %mul3A_403, %shift_right_logical3A_390 : vector<16xi32>
    %add3A_405 = arith.constant 1 : i32
    %add3A_406 = vector.broadcast %add3A_405 : i32 to vector<16xi32>
    %add3A_407 = arith.addi %mul3A_404, %add3A_406 : vector<16xi32>
    %mul3A_408 = arith.constant 16 : i32
    %mul3A_409 = vector.broadcast %mul3A_408 : i32 to vector<16xi32>
    %mul3A_410 = arith.muli %add3A_407, %mul3A_409 : vector<16xi32>
    %add3A_411 = arith.constant 8 : i32
    %add3A_412 = vector.broadcast %add3A_411 : i32 to vector<16xi32>
    %add3A_413 = arith.addi %mul3A_410, %add3A_412 : vector<16xi32>
    %add3A_414 = arith.addi %add3A_413, %and3A_212 : vector<16xi32>
    %gather3A_415 = tpu.vector_load_idx %arg16[%add3A_414] : memref<256xf32, #tpu.memory_space<vmem>>[vector<16xi32>], vector<16xf32>,
    %add3A_416 = arith.addf %gather3A_401, %gather3A_415 : vector<16xf32>
    %swap3A_417 = arith.constant 160 : index
    %swap3A_418 = tpu.vector_load %arg15[%swap3A_417] {strides = array<i32>} : memref<256xf32, #tpu.memory_space<vmem>>, vector<16xf32>,
    tpu.vector_store %arg15[%swap3A_417], %add3A_416 {strides = array<i32>} : memref<256xf32, #tpu.memory_space<vmem>>, vector<16xf32>,
    %add3A_419 = arith.constant 48 : i32
    %add3A_420 = vector.broadcast %add3A_419 : i32 to vector<16xi32>
    %add3A_421 = arith.addi %add3A_420, %iota3A : vector<16xi32>
    %shift_right_logical3A_422 = arith.constant 3 : i32
    %shift_right_logical3A_423 = vector.broadcast %shift_right_logical3A_422 : i32 to vector<16xi32>
    %shift_right_logical3A_424 = arith.shrui %add3A_421, %shift_right_logical3A_423 : vector<16xi32>
    %mul3A_425 = arith.constant 2 : i32
    %mul3A_426 = vector.broadcast %mul3A_425 : i32 to vector<16xi32>
    %mul3A_427 = arith.muli %mul3A_426, %shift_right_logical3A_424 : vector<16xi32>
    %mul3A_428 = arith.constant 16 : i32
    %mul3A_429 = vector.broadcast %mul3A_428 : i32 to vector<16xi32>
    %mul3A_430 = arith.muli %mul3A_427, %mul3A_429 : vector<16xi32>
    %add3A_431 = arith.constant 8 : i32
    %add3A_432 = vector.broadcast %add3A_431 : i32 to vector<16xi32>
    %add3A_433 = arith.addi %mul3A_430, %add3A_432 : vector<16xi32>
    %add3A_434 = arith.addi %add3A_433, %and3A_212 : vector<16xi32>
    %gather3A_435 = tpu.vector_load_idx %arg16[%add3A_434] : memref<256xf32, #tpu.memory_space<vmem>>[vector<16xi32>], vector<16xf32>,
    %mul3A_436 = arith.constant 2 : i32
    %mul3A_437 = vector.broadcast %mul3A_436 : i32 to vector<16xi32>
    %mul3A_438 = arith.muli %mul3A_437, %shift_right_logical3A_424 : vector<16xi32>
    %add3A_439 = arith.constant 1 : i32
    %add3A_440 = vector.broadcast %add3A_439 : i32 to vector<16xi32>
    %add3A_441 = arith.addi %mul3A_438, %add3A_440 : vector<16xi32>
    %mul3A_442 = arith.constant 16 : i32
    %mul3A_443 = vector.broadcast %mul3A_442 : i32 to vector<16xi32>
    %mul3A_444 = arith.muli %add3A_441, %mul3A_443 : vector<16xi32>
    %add3A_445 = arith.constant 8 : i32
    %add3A_446 = vector.broadcast %add3A_445 : i32 to vector<16xi32>
    %add3A_447 = arith.addi %mul3A_444, %add3A_446 : vector<16xi32>
    %add3A_448 = arith.addi %add3A_447, %and3A_212 : vector<16xi32>
    %gather3A_449 = tpu.vector_load_idx %arg16[%add3A_448] : memref<256xf32, #tpu.memory_space<vmem>>[vector<16xi32>], vector<16xf32>,
    %add3A_450 = arith.addf %gather3A_435, %gather3A_449 : vector<16xf32>
    %swap3A_451 = arith.constant 176 : index
    %swap3A_452 = tpu.vector_load %arg15[%swap3A_451] {strides = array<i32>} : memref<256xf32, #tpu.memory_space<vmem>>, vector<16xf32>,
    tpu.vector_store %arg15[%swap3A_451], %add3A_450 {strides = array<i32>} : memref<256xf32, #tpu.memory_space<vmem>>, vector<16xf32>,
    %broadcast_in_dim3A_453 = vector.broadcast %arg1 : i32 to vector<16xi32>
    %mul3A_454 = arith.constant 24 : i32
    %mul3A_455 = arith.muli %arg1, %mul3A_454 : i32
    %get3A_456 = arith.index_cast %mul3A_455 : i32 to index
    %get3A_457 = tpu.vector_load %arg19[%get3A_456] {strides = array<i32>} : memref<768xf32, #tpu.memory_space<vmem>>, vector<16xf32>,
    %add3A_458 = arith.constant 8 : i32
    %add3A_459 = arith.addi %mul3A_455, %add3A_458 : i32
    %get3A_460 = arith.index_cast %add3A_459 : i32 to index
    %get3A_461 = tpu.vector_load %arg19[%get3A_460] {strides = array<i32>} : memref<768xf32, #tpu.memory_space<vmem>>, vector<16xf32>,
    %slice3A = vector.extract_strided_slice %get3A_457 {offsets = [0], sizes = [1], strides = [1]} : vector<16xf32> to vector<1xf32>
    %squeeze3A = vector.extract %slice3A[0] : f32 from vector<1xf32>
    %slice3A_462 = vector.extract_strided_slice %get3A_457 {offsets = [1], sizes = [1], strides = [1]} : vector<16xf32> to vector<1xf32>
    %squeeze3A_463 = vector.extract %slice3A_462[0] : f32 from vector<1xf32>
    %broadcast_in_dim3A_464 = vector.broadcast %squeeze3A : f32 to vector<16xf32>
    %broadcast_in_dim3A_465 = vector.broadcast %squeeze3A_463 : f32 to vector<16xf32>
    %select_n3A_466 = arith.select %lt3A_1, %broadcast_in_dim3A_464, %broadcast_in_dim3A_465 : vector<16xi1>, vector<16xf32>
    %get3A_467 = arith.constant 0 : index
    %get3A_468 = tpu.vector_load %arg15[%get3A_467] {strides = array<i32>} : memref<256xf32, #tpu.memory_space<vmem>>, vector<16xf32>,
    %mul3A_469 = arith.mulf %select_n3A_466, %get3A_468 : vector<16xf32>
    %add3A_470 = arith.addf %broadcast_in_dim3A_4, %mul3A_469 : vector<16xf32>
    %slice3A_471 = vector.extract_strided_slice %get3A_457 {offsets = [2], sizes = [1], strides = [1]} : vector<16xf32> to vector<1xf32>
    %squeeze3A_472 = vector.extract %slice3A_471[0] : f32 from vector<1xf32>
    %slice3A_473 = vector.extract_strided_slice %get3A_457 {offsets = [3], sizes = [1], strides = [1]} : vector<16xf32> to vector<1xf32>
    %squeeze3A_474 = vector.extract %slice3A_473[0] : f32 from vector<1xf32>
    %broadcast_in_dim3A_475 = vector.broadcast %squeeze3A_472 : f32 to vector<16xf32>
    %broadcast_in_dim3A_476 = vector.broadcast %squeeze3A_474 : f32 to vector<16xf32>
    %select_n3A_477 = arith.select %lt3A_1, %broadcast_in_dim3A_475, %broadcast_in_dim3A_476 : vector<16xi1>, vector<16xf32>
    %get3A_478 = arith.constant 16 : index
    %get3A_479 = tpu.vector_load %arg15[%get3A_478] {strides = array<i32>} : memref<256xf32, #tpu.memory_space<vmem>>, vector<16xf32>,
    %mul3A_480 = arith.mulf %select_n3A_477, %get3A_479 : vector<16xf32>
    %add3A_481 = arith.addf %add3A_470, %mul3A_480 : vector<16xf32>
    %slice3A_482 = vector.extract_strided_slice %get3A_457 {offsets = [4], sizes = [1], strides = [1]} : vector<16xf32> to vector<1xf32>
    %squeeze3A_483 = vector.extract %slice3A_482[0] : f32 from vector<1xf32>
    %slice3A_484 = vector.extract_strided_slice %get3A_457 {offsets = [5], sizes = [1], strides = [1]} : vector<16xf32> to vector<1xf32>
    %squeeze3A_485 = vector.extract %slice3A_484[0] : f32 from vector<1xf32>
    %broadcast_in_dim3A_486 = vector.broadcast %squeeze3A_483 : f32 to vector<16xf32>
    %broadcast_in_dim3A_487 = vector.broadcast %squeeze3A_485 : f32 to vector<16xf32>
    %select_n3A_488 = arith.select %lt3A_1, %broadcast_in_dim3A_486, %broadcast_in_dim3A_487 : vector<16xi1>, vector<16xf32>
    %get3A_489 = arith.constant 32 : index
    %get3A_490 = tpu.vector_load %arg15[%get3A_489] {strides = array<i32>} : memref<256xf32, #tpu.memory_space<vmem>>, vector<16xf32>,
    %mul3A_491 = arith.mulf %select_n3A_488, %get3A_490 : vector<16xf32>
    %add3A_492 = arith.addf %add3A_481, %mul3A_491 : vector<16xf32>
    %slice3A_493 = vector.extract_strided_slice %get3A_457 {offsets = [6], sizes = [1], strides = [1]} : vector<16xf32> to vector<1xf32>
    %squeeze3A_494 = vector.extract %slice3A_493[0] : f32 from vector<1xf32>
    %slice3A_495 = vector.extract_strided_slice %get3A_457 {offsets = [7], sizes = [1], strides = [1]} : vector<16xf32> to vector<1xf32>
    %squeeze3A_496 = vector.extract %slice3A_495[0] : f32 from vector<1xf32>
    %broadcast_in_dim3A_497 = vector.broadcast %squeeze3A_494 : f32 to vector<16xf32>
    %broadcast_in_dim3A_498 = vector.broadcast %squeeze3A_496 : f32 to vector<16xf32>
    %select_n3A_499 = arith.select %lt3A_1, %broadcast_in_dim3A_497, %broadcast_in_dim3A_498 : vector<16xi1>, vector<16xf32>
    %get3A_500 = arith.constant 48 : index
    %get3A_501 = tpu.vector_load %arg15[%get3A_500] {strides = array<i32>} : memref<256xf32, #tpu.memory_space<vmem>>, vector<16xf32>,
    %mul3A_502 = arith.mulf %select_n3A_499, %get3A_501 : vector<16xf32>
    %add3A_503 = arith.addf %add3A_492, %mul3A_502 : vector<16xf32>
    %slice3A_504 = vector.extract_strided_slice %get3A_457 {offsets = [8], sizes = [1], strides = [1]} : vector<16xf32> to vector<1xf32>
    %squeeze3A_505 = vector.extract %slice3A_504[0] : f32 from vector<1xf32>
    %slice3A_506 = vector.extract_strided_slice %get3A_457 {offsets = [9], sizes = [1], strides = [1]} : vector<16xf32> to vector<1xf32>
    %squeeze3A_507 = vector.extract %slice3A_506[0] : f32 from vector<1xf32>
    %broadcast_in_dim3A_508 = vector.broadcast %squeeze3A_505 : f32 to vector<16xf32>
    %broadcast_in_dim3A_509 = vector.broadcast %squeeze3A_507 : f32 to vector<16xf32>
    %select_n3A_510 = arith.select %lt3A_1, %broadcast_in_dim3A_508, %broadcast_in_dim3A_509 : vector<16xi1>, vector<16xf32>
    %get3A_511 = arith.constant 64 : index
    %get3A_512 = tpu.vector_load %arg15[%get3A_511] {strides = array<i32>} : memref<256xf32, #tpu.memory_space<vmem>>, vector<16xf32>,
    %mul3A_513 = arith.mulf %select_n3A_510, %get3A_512 : vector<16xf32>
    %add3A_514 = arith.addf %add3A_503, %mul3A_513 : vector<16xf32>
    %slice3A_515 = vector.extract_strided_slice %get3A_457 {offsets = [10], sizes = [1], strides = [1]} : vector<16xf32> to vector<1xf32>
    %squeeze3A_516 = vector.extract %slice3A_515[0] : f32 from vector<1xf32>
    %slice3A_517 = vector.extract_strided_slice %get3A_457 {offsets = [11], sizes = [1], strides = [1]} : vector<16xf32> to vector<1xf32>
    %squeeze3A_518 = vector.extract %slice3A_517[0] : f32 from vector<1xf32>
    %broadcast_in_dim3A_519 = vector.broadcast %squeeze3A_516 : f32 to vector<16xf32>
    %broadcast_in_dim3A_520 = vector.broadcast %squeeze3A_518 : f32 to vector<16xf32>
    %select_n3A_521 = arith.select %lt3A_1, %broadcast_in_dim3A_519, %broadcast_in_dim3A_520 : vector<16xi1>, vector<16xf32>
    %get3A_522 = arith.constant 80 : index
    %get3A_523 = tpu.vector_load %arg15[%get3A_522] {strides = array<i32>} : memref<256xf32, #tpu.memory_space<vmem>>, vector<16xf32>,
    %mul3A_524 = arith.mulf %select_n3A_521, %get3A_523 : vector<16xf32>
    %add3A_525 = arith.addf %add3A_514, %mul3A_524 : vector<16xf32>
    %slice3A_526 = vector.extract_strided_slice %get3A_457 {offsets = [12], sizes = [1], strides = [1]} : vector<16xf32> to vector<1xf32>
    %squeeze3A_527 = vector.extract %slice3A_526[0] : f32 from vector<1xf32>
    %slice3A_528 = vector.extract_strided_slice %get3A_457 {offsets = [13], sizes = [1], strides = [1]} : vector<16xf32> to vector<1xf32>
    %squeeze3A_529 = vector.extract %slice3A_528[0] : f32 from vector<1xf32>
    %broadcast_in_dim3A_530 = vector.broadcast %squeeze3A_527 : f32 to vector<16xf32>
    %broadcast_in_dim3A_531 = vector.broadcast %squeeze3A_529 : f32 to vector<16xf32>
    %select_n3A_532 = arith.select %lt3A_1, %broadcast_in_dim3A_530, %broadcast_in_dim3A_531 : vector<16xi1>, vector<16xf32>
    %get3A_533 = arith.constant 96 : index
    %get3A_534 = tpu.vector_load %arg15[%get3A_533] {strides = array<i32>} : memref<256xf32, #tpu.memory_space<vmem>>, vector<16xf32>,
    %mul3A_535 = arith.mulf %select_n3A_532, %get3A_534 : vector<16xf32>
    %add3A_536 = arith.addf %add3A_525, %mul3A_535 : vector<16xf32>
    %slice3A_537 = vector.extract_strided_slice %get3A_457 {offsets = [14], sizes = [1], strides = [1]} : vector<16xf32> to vector<1xf32>
    %squeeze3A_538 = vector.extract %slice3A_537[0] : f32 from vector<1xf32>
    %slice3A_539 = vector.extract_strided_slice %get3A_457 {offsets = [15], sizes = [1], strides = [1]} : vector<16xf32> to vector<1xf32>
    %squeeze3A_540 = vector.extract %slice3A_539[0] : f32 from vector<1xf32>
    %broadcast_in_dim3A_541 = vector.broadcast %squeeze3A_538 : f32 to vector<16xf32>
    %broadcast_in_dim3A_542 = vector.broadcast %squeeze3A_540 : f32 to vector<16xf32>
    %select_n3A_543 = arith.select %lt3A_1, %broadcast_in_dim3A_541, %broadcast_in_dim3A_542 : vector<16xi1>, vector<16xf32>
    %get3A_544 = arith.constant 112 : index
    %get3A_545 = tpu.vector_load %arg15[%get3A_544] {strides = array<i32>} : memref<256xf32, #tpu.memory_space<vmem>>, vector<16xf32>,
    %mul3A_546 = arith.mulf %select_n3A_543, %get3A_545 : vector<16xf32>
    %add3A_547 = arith.addf %add3A_536, %mul3A_546 : vector<16xf32>
    %slice3A_548 = vector.extract_strided_slice %get3A_461 {offsets = [8], sizes = [1], strides = [1]} : vector<16xf32> to vector<1xf32>
    %squeeze3A_549 = vector.extract %slice3A_548[0] : f32 from vector<1xf32>
    %slice3A_550 = vector.extract_strided_slice %get3A_461 {offsets = [9], sizes = [1], strides = [1]} : vector<16xf32> to vector<1xf32>
    %squeeze3A_551 = vector.extract %slice3A_550[0] : f32 from vector<1xf32>
    %broadcast_in_dim3A_552 = vector.broadcast %squeeze3A_549 : f32 to vector<16xf32>
    %broadcast_in_dim3A_553 = vector.broadcast %squeeze3A_551 : f32 to vector<16xf32>
    %select_n3A_554 = arith.select %lt3A_1, %broadcast_in_dim3A_552, %broadcast_in_dim3A_553 : vector<16xi1>, vector<16xf32>
    %get3A_555 = arith.constant 128 : index
    %get3A_556 = tpu.vector_load %arg15[%get3A_555] {strides = array<i32>} : memref<256xf32, #tpu.memory_space<vmem>>, vector<16xf32>,
    %mul3A_557 = arith.mulf %select_n3A_554, %get3A_556 : vector<16xf32>
    %add3A_558 = arith.addf %add3A_547, %mul3A_557 : vector<16xf32>
    %slice3A_559 = vector.extract_strided_slice %get3A_461 {offsets = [10], sizes = [1], strides = [1]} : vector<16xf32> to vector<1xf32>
    %squeeze3A_560 = vector.extract %slice3A_559[0] : f32 from vector<1xf32>
    %slice3A_561 = vector.extract_strided_slice %get3A_461 {offsets = [11], sizes = [1], strides = [1]} : vector<16xf32> to vector<1xf32>
    %squeeze3A_562 = vector.extract %slice3A_561[0] : f32 from vector<1xf32>
    %broadcast_in_dim3A_563 = vector.broadcast %squeeze3A_560 : f32 to vector<16xf32>
    %broadcast_in_dim3A_564 = vector.broadcast %squeeze3A_562 : f32 to vector<16xf32>
    %select_n3A_565 = arith.select %lt3A_1, %broadcast_in_dim3A_563, %broadcast_in_dim3A_564 : vector<16xi1>, vector<16xf32>
    %get3A_566 = arith.constant 144 : index
    %get3A_567 = tpu.vector_load %arg15[%get3A_566] {strides = array<i32>} : memref<256xf32, #tpu.memory_space<vmem>>, vector<16xf32>,
    %mul3A_568 = arith.mulf %select_n3A_565, %get3A_567 : vector<16xf32>
    %add3A_569 = arith.addf %add3A_558, %mul3A_568 : vector<16xf32>
    %slice3A_570 = vector.extract_strided_slice %get3A_461 {offsets = [12], sizes = [1], strides = [1]} : vector<16xf32> to vector<1xf32>
    %squeeze3A_571 = vector.extract %slice3A_570[0] : f32 from vector<1xf32>
    %slice3A_572 = vector.extract_strided_slice %get3A_461 {offsets = [13], sizes = [1], strides = [1]} : vector<16xf32> to vector<1xf32>
    %squeeze3A_573 = vector.extract %slice3A_572[0] : f32 from vector<1xf32>
    %broadcast_in_dim3A_574 = vector.broadcast %squeeze3A_571 : f32 to vector<16xf32>
    %broadcast_in_dim3A_575 = vector.broadcast %squeeze3A_573 : f32 to vector<16xf32>
    %select_n3A_576 = arith.select %lt3A_1, %broadcast_in_dim3A_574, %broadcast_in_dim3A_575 : vector<16xi1>, vector<16xf32>
    %get3A_577 = arith.constant 160 : index
    %get3A_578 = tpu.vector_load %arg15[%get3A_577] {strides = array<i32>} : memref<256xf32, #tpu.memory_space<vmem>>, vector<16xf32>,
    %mul3A_579 = arith.mulf %select_n3A_576, %get3A_578 : vector<16xf32>
    %add3A_580 = arith.addf %add3A_569, %mul3A_579 : vector<16xf32>
    %slice3A_581 = vector.extract_strided_slice %get3A_461 {offsets = [14], sizes = [1], strides = [1]} : vector<16xf32> to vector<1xf32>
    %squeeze3A_582 = vector.extract %slice3A_581[0] : f32 from vector<1xf32>
    %slice3A_583 = vector.extract_strided_slice %get3A_461 {offsets = [15], sizes = [1], strides = [1]} : vector<16xf32> to vector<1xf32>
    %squeeze3A_584 = vector.extract %slice3A_583[0] : f32 from vector<1xf32>
    %broadcast_in_dim3A_585 = vector.broadcast %squeeze3A_582 : f32 to vector<16xf32>
    %broadcast_in_dim3A_586 = vector.broadcast %squeeze3A_584 : f32 to vector<16xf32>
    %select_n3A_587 = arith.select %lt3A_1, %broadcast_in_dim3A_585, %broadcast_in_dim3A_586 : vector<16xi1>, vector<16xf32>
    %get3A_588 = arith.constant 176 : index
    %get3A_589 = tpu.vector_load %arg15[%get3A_588] {strides = array<i32>} : memref<256xf32, #tpu.memory_space<vmem>>, vector<16xf32>,
    %mul3A_590 = arith.mulf %select_n3A_587, %get3A_589 : vector<16xf32>
    %add3A_591 = arith.addf %add3A_580, %mul3A_590 : vector<16xf32>
    %swap3A_592 = arith.constant 0 : index
    %swap3A_593 = tpu.vector_load %arg28[%swap3A_592] {strides = array<i32>} : memref<16xf32, #tpu.memory_space<vmem>>, vector<16xf32>,
    tpu.vector_store %arg28[%swap3A_592], %add3A_591 {strides = array<i32>} : memref<16xf32, #tpu.memory_space<vmem>>, vector<16xf32>,
    %and3A_594 = arith.constant 7 : i32
    %and3A_595 = vector.broadcast %and3A_594 : i32 to vector<16xi32>
    %and3A_596 = arith.andi %iota3A, %and3A_595 : vector<16xi32>
    %gather3A_597 = tpu.vector_load_idx %arg28[%and3A_596] : memref<16xf32, #tpu.memory_space<vmem>>[vector<16xi32>], vector<16xf32>,
    %and3A_598 = arith.constant 7 : i32
    %and3A_599 = vector.broadcast %and3A_598 : i32 to vector<16xi32>
    %and3A_600 = arith.andi %iota3A, %and3A_599 : vector<16xi32>
    %add3A_601 = arith.constant 8 : i32
    %add3A_602 = vector.broadcast %add3A_601 : i32 to vector<16xi32>
    %add3A_603 = arith.addi %and3A_600, %add3A_602 : vector<16xi32>
    %gather3A_604 = tpu.vector_load_idx %arg28[%add3A_603] : memref<16xf32, #tpu.memory_space<vmem>>[vector<16xi32>], vector<16xf32>,
    %add3A_605 = arith.addf %gather3A_597, %gather3A_604 : vector<16xf32>
    %gather3A_606 = tpu.vector_load_idx %arg17[%broadcast_in_dim3A_453] : memref<32xf32, #tpu.memory_space<vmem>>[vector<16xi32>], vector<16xf32>,
    %mul3A_607 = arith.constant 8 : i32
    %mul3A_608 = vector.broadcast %mul3A_607 : i32 to vector<16xi32>
    %mul3A_609 = arith.muli %broadcast_in_dim3A_453, %mul3A_608 : vector<16xi32>
    %and3A_610 = arith.constant 7 : i32
    %and3A_611 = vector.broadcast %and3A_610 : i32 to vector<16xi32>
    %and3A_612 = arith.andi %iota3A, %and3A_611 : vector<16xi32>
    %add3A_613 = arith.addi %mul3A_609, %and3A_612 : vector<16xi32>
    %gather3A_614 = tpu.vector_load_idx %arg15[%add3A_613] : memref<256xf32, #tpu.memory_space<vmem>>[vector<16xi32>], vector<16xf32>,
    %and3A_615 = arith.constant 7 : i32
    %and3A_616 = vector.broadcast %and3A_615 : i32 to vector<16xi32>
    %and3A_617 = arith.andi %iota3A, %and3A_616 : vector<16xi32>
    %gather3A_618 = tpu.vector_load_idx %arg24[%and3A_617] : memref<16xf32, #tpu.memory_space<vmem>>[vector<16xi32>], vector<16xf32>,
    %mul3A_619 = arith.mulf %gather3A_606, %gather3A_606 : vector<16xf32>
    %mul3A_620 = arith.mulf %mul3A_619, %gather3A_614 : vector<16xf32>
    %add3A_621 = arith.addf %add3A_605, %mul3A_620 : vector<16xf32>
    %add3A_622 = arith.addf %add3A_621, %gather3A_618 : vector<16xf32>
    %max3A = arith.constant 0.000000e+00 : f32
    %max3A_623 = vector.broadcast %max3A : f32 to vector<16xf32>
    %max3A_624 = arith.maximumf %add3A_622, %max3A_623 : vector<16xf32>
    %add3A_625 = arith.constant 16 : i32
    %add3A_626 = arith.addi %add3A_625, %arg1 : i32
    %broadcast_in_dim3A_627 = vector.broadcast %add3A_626 : i32 to vector<16xi32>
    %mul3A_628 = arith.constant 24 : i32
    %mul3A_629 = arith.muli %add3A_626, %mul3A_628 : i32
    %get3A_630 = arith.index_cast %mul3A_629 : i32 to index
    %get3A_631 = tpu.vector_load %arg19[%get3A_630] {strides = array<i32>} : memref<768xf32, #tpu.memory_space<vmem>>, vector<16xf32>,
    %add3A_632 = arith.constant 8 : i32
    %add3A_633 = arith.addi %mul3A_629, %add3A_632 : i32
    %get3A_634 = arith.index_cast %add3A_633 : i32 to index
    %get3A_635 = tpu.vector_load %arg19[%get3A_634] {strides = array<i32>} : memref<768xf32, #tpu.memory_space<vmem>>, vector<16xf32>,
    %slice3A_636 = vector.extract_strided_slice %get3A_631 {offsets = [0], sizes = [1], strides = [1]} : vector<16xf32> to vector<1xf32>
    %squeeze3A_637 = vector.extract %slice3A_636[0] : f32 from vector<1xf32>
    %slice3A_638 = vector.extract_strided_slice %get3A_631 {offsets = [1], sizes = [1], strides = [1]} : vector<16xf32> to vector<1xf32>
    %squeeze3A_639 = vector.extract %slice3A_638[0] : f32 from vector<1xf32>
    %broadcast_in_dim3A_640 = vector.broadcast %squeeze3A_637 : f32 to vector<16xf32>
    %broadcast_in_dim3A_641 = vector.broadcast %squeeze3A_639 : f32 to vector<16xf32>
    %select_n3A_642 = arith.select %lt3A_1, %broadcast_in_dim3A_640, %broadcast_in_dim3A_641 : vector<16xi1>, vector<16xf32>
    %get3A_643 = arith.constant 0 : index
    %get3A_644 = tpu.vector_load %arg15[%get3A_643] {strides = array<i32>} : memref<256xf32, #tpu.memory_space<vmem>>, vector<16xf32>,
    %mul3A_645 = arith.mulf %select_n3A_642, %get3A_644 : vector<16xf32>
    %add3A_646 = arith.addf %broadcast_in_dim3A_4, %mul3A_645 : vector<16xf32>
    %slice3A_647 = vector.extract_strided_slice %get3A_631 {offsets = [2], sizes = [1], strides = [1]} : vector<16xf32> to vector<1xf32>
    %squeeze3A_648 = vector.extract %slice3A_647[0] : f32 from vector<1xf32>
    %slice3A_649 = vector.extract_strided_slice %get3A_631 {offsets = [3], sizes = [1], strides = [1]} : vector<16xf32> to vector<1xf32>
    %squeeze3A_650 = vector.extract %slice3A_649[0] : f32 from vector<1xf32>
    %broadcast_in_dim3A_651 = vector.broadcast %squeeze3A_648 : f32 to vector<16xf32>
    %broadcast_in_dim3A_652 = vector.broadcast %squeeze3A_650 : f32 to vector<16xf32>
    %select_n3A_653 = arith.select %lt3A_1, %broadcast_in_dim3A_651, %broadcast_in_dim3A_652 : vector<16xi1>, vector<16xf32>
    %get3A_654 = arith.constant 16 : index
    %get3A_655 = tpu.vector_load %arg15[%get3A_654] {strides = array<i32>} : memref<256xf32, #tpu.memory_space<vmem>>, vector<16xf32>,
    %mul3A_656 = arith.mulf %select_n3A_653, %get3A_655 : vector<16xf32>
    %add3A_657 = arith.addf %add3A_646, %mul3A_656 : vector<16xf32>
    %slice3A_658 = vector.extract_strided_slice %get3A_631 {offsets = [4], sizes = [1], strides = [1]} : vector<16xf32> to vector<1xf32>
    %squeeze3A_659 = vector.extract %slice3A_658[0] : f32 from vector<1xf32>
    %slice3A_660 = vector.extract_strided_slice %get3A_631 {offsets = [5], sizes = [1], strides = [1]} : vector<16xf32> to vector<1xf32>
    %squeeze3A_661 = vector.extract %slice3A_660[0] : f32 from vector<1xf32>
    %broadcast_in_dim3A_662 = vector.broadcast %squeeze3A_659 : f32 to vector<16xf32>
    %broadcast_in_dim3A_663 = vector.broadcast %squeeze3A_661 : f32 to vector<16xf32>
    %select_n3A_664 = arith.select %lt3A_1, %broadcast_in_dim3A_662, %broadcast_in_dim3A_663 : vector<16xi1>, vector<16xf32>
    %get3A_665 = arith.constant 32 : index
    %get3A_666 = tpu.vector_load %arg15[%get3A_665] {strides = array<i32>} : memref<256xf32, #tpu.memory_space<vmem>>, vector<16xf32>,
    %mul3A_667 = arith.mulf %select_n3A_664, %get3A_666 : vector<16xf32>
    %add3A_668 = arith.addf %add3A_657, %mul3A_667 : vector<16xf32>
    %slice3A_669 = vector.extract_strided_slice %get3A_631 {offsets = [6], sizes = [1], strides = [1]} : vector<16xf32> to vector<1xf32>
    %squeeze3A_670 = vector.extract %slice3A_669[0] : f32 from vector<1xf32>
    %slice3A_671 = vector.extract_strided_slice %get3A_631 {offsets = [7], sizes = [1], strides = [1]} : vector<16xf32> to vector<1xf32>
    %squeeze3A_672 = vector.extract %slice3A_671[0] : f32 from vector<1xf32>
    %broadcast_in_dim3A_673 = vector.broadcast %squeeze3A_670 : f32 to vector<16xf32>
    %broadcast_in_dim3A_674 = vector.broadcast %squeeze3A_672 : f32 to vector<16xf32>
    %select_n3A_675 = arith.select %lt3A_1, %broadcast_in_dim3A_673, %broadcast_in_dim3A_674 : vector<16xi1>, vector<16xf32>
    %get3A_676 = arith.constant 48 : index
    %get3A_677 = tpu.vector_load %arg15[%get3A_676] {strides = array<i32>} : memref<256xf32, #tpu.memory_space<vmem>>, vector<16xf32>,
    %mul3A_678 = arith.mulf %select_n3A_675, %get3A_677 : vector<16xf32>
    %add3A_679 = arith.addf %add3A_668, %mul3A_678 : vector<16xf32>
    %slice3A_680 = vector.extract_strided_slice %get3A_631 {offsets = [8], sizes = [1], strides = [1]} : vector<16xf32> to vector<1xf32>
    %squeeze3A_681 = vector.extract %slice3A_680[0] : f32 from vector<1xf32>
    %slice3A_682 = vector.extract_strided_slice %get3A_631 {offsets = [9], sizes = [1], strides = [1]} : vector<16xf32> to vector<1xf32>
    %squeeze3A_683 = vector.extract %slice3A_682[0] : f32 from vector<1xf32>
    %broadcast_in_dim3A_684 = vector.broadcast %squeeze3A_681 : f32 to vector<16xf32>
    %broadcast_in_dim3A_685 = vector.broadcast %squeeze3A_683 : f32 to vector<16xf32>
    %select_n3A_686 = arith.select %lt3A_1, %broadcast_in_dim3A_684, %broadcast_in_dim3A_685 : vector<16xi1>, vector<16xf32>
    %get3A_687 = arith.constant 64 : index
    %get3A_688 = tpu.vector_load %arg15[%get3A_687] {strides = array<i32>} : memref<256xf32, #tpu.memory_space<vmem>>, vector<16xf32>,
    %mul3A_689 = arith.mulf %select_n3A_686, %get3A_688 : vector<16xf32>
    %add3A_690 = arith.addf %add3A_679, %mul3A_689 : vector<16xf32>
    %slice3A_691 = vector.extract_strided_slice %get3A_631 {offsets = [10], sizes = [1], strides = [1]} : vector<16xf32> to vector<1xf32>
    %squeeze3A_692 = vector.extract %slice3A_691[0] : f32 from vector<1xf32>
    %slice3A_693 = vector.extract_strided_slice %get3A_631 {offsets = [11], sizes = [1], strides = [1]} : vector<16xf32> to vector<1xf32>
    %squeeze3A_694 = vector.extract %slice3A_693[0] : f32 from vector<1xf32>
    %broadcast_in_dim3A_695 = vector.broadcast %squeeze3A_692 : f32 to vector<16xf32>
    %broadcast_in_dim3A_696 = vector.broadcast %squeeze3A_694 : f32 to vector<16xf32>
    %select_n3A_697 = arith.select %lt3A_1, %broadcast_in_dim3A_695, %broadcast_in_dim3A_696 : vector<16xi1>, vector<16xf32>
    %get3A_698 = arith.constant 80 : index
    %get3A_699 = tpu.vector_load %arg15[%get3A_698] {strides = array<i32>} : memref<256xf32, #tpu.memory_space<vmem>>, vector<16xf32>,
    %mul3A_700 = arith.mulf %select_n3A_697, %get3A_699 : vector<16xf32>
    %add3A_701 = arith.addf %add3A_690, %mul3A_700 : vector<16xf32>
    %slice3A_702 = vector.extract_strided_slice %get3A_631 {offsets = [12], sizes = [1], strides = [1]} : vector<16xf32> to vector<1xf32>
    %squeeze3A_703 = vector.extract %slice3A_702[0] : f32 from vector<1xf32>
    %slice3A_704 = vector.extract_strided_slice %get3A_631 {offsets = [13], sizes = [1], strides = [1]} : vector<16xf32> to vector<1xf32>
    %squeeze3A_705 = vector.extract %slice3A_704[0] : f32 from vector<1xf32>
    %broadcast_in_dim3A_706 = vector.broadcast %squeeze3A_703 : f32 to vector<16xf32>
    %broadcast_in_dim3A_707 = vector.broadcast %squeeze3A_705 : f32 to vector<16xf32>
    %select_n3A_708 = arith.select %lt3A_1, %broadcast_in_dim3A_706, %broadcast_in_dim3A_707 : vector<16xi1>, vector<16xf32>
    %get3A_709 = arith.constant 96 : index
    %get3A_710 = tpu.vector_load %arg15[%get3A_709] {strides = array<i32>} : memref<256xf32, #tpu.memory_space<vmem>>, vector<16xf32>,
    %mul3A_711 = arith.mulf %select_n3A_708, %get3A_710 : vector<16xf32>
    %add3A_712 = arith.addf %add3A_701, %mul3A_711 : vector<16xf32>
    %slice3A_713 = vector.extract_strided_slice %get3A_631 {offsets = [14], sizes = [1], strides = [1]} : vector<16xf32> to vector<1xf32>
    %squeeze3A_714 = vector.extract %slice3A_713[0] : f32 from vector<1xf32>
    %slice3A_715 = vector.extract_strided_slice %get3A_631 {offsets = [15], sizes = [1], strides = [1]} : vector<16xf32> to vector<1xf32>
    %squeeze3A_716 = vector.extract %slice3A_715[0] : f32 from vector<1xf32>
    %broadcast_in_dim3A_717 = vector.broadcast %squeeze3A_714 : f32 to vector<16xf32>
    %broadcast_in_dim3A_718 = vector.broadcast %squeeze3A_716 : f32 to vector<16xf32>
    %select_n3A_719 = arith.select %lt3A_1, %broadcast_in_dim3A_717, %broadcast_in_dim3A_718 : vector<16xi1>, vector<16xf32>
    %get3A_720 = arith.constant 112 : index
    %get3A_721 = tpu.vector_load %arg15[%get3A_720] {strides = array<i32>} : memref<256xf32, #tpu.memory_space<vmem>>, vector<16xf32>,
    %mul3A_722 = arith.mulf %select_n3A_719, %get3A_721 : vector<16xf32>
    %add3A_723 = arith.addf %add3A_712, %mul3A_722 : vector<16xf32>
    %slice3A_724 = vector.extract_strided_slice %get3A_635 {offsets = [8], sizes = [1], strides = [1]} : vector<16xf32> to vector<1xf32>
    %squeeze3A_725 = vector.extract %slice3A_724[0] : f32 from vector<1xf32>
    %slice3A_726 = vector.extract_strided_slice %get3A_635 {offsets = [9], sizes = [1], strides = [1]} : vector<16xf32> to vector<1xf32>
    %squeeze3A_727 = vector.extract %slice3A_726[0] : f32 from vector<1xf32>
    %broadcast_in_dim3A_728 = vector.broadcast %squeeze3A_725 : f32 to vector<16xf32>
    %broadcast_in_dim3A_729 = vector.broadcast %squeeze3A_727 : f32 to vector<16xf32>
    %select_n3A_730 = arith.select %lt3A_1, %broadcast_in_dim3A_728, %broadcast_in_dim3A_729 : vector<16xi1>, vector<16xf32>
    %get3A_731 = arith.constant 128 : index
    %get3A_732 = tpu.vector_load %arg15[%get3A_731] {strides = array<i32>} : memref<256xf32, #tpu.memory_space<vmem>>, vector<16xf32>,
    %mul3A_733 = arith.mulf %select_n3A_730, %get3A_732 : vector<16xf32>
    %add3A_734 = arith.addf %add3A_723, %mul3A_733 : vector<16xf32>
    %slice3A_735 = vector.extract_strided_slice %get3A_635 {offsets = [10], sizes = [1], strides = [1]} : vector<16xf32> to vector<1xf32>
    %squeeze3A_736 = vector.extract %slice3A_735[0] : f32 from vector<1xf32>
    %slice3A_737 = vector.extract_strided_slice %get3A_635 {offsets = [11], sizes = [1], strides = [1]} : vector<16xf32> to vector<1xf32>
    %squeeze3A_738 = vector.extract %slice3A_737[0] : f32 from vector<1xf32>
    %broadcast_in_dim3A_739 = vector.broadcast %squeeze3A_736 : f32 to vector<16xf32>
    %broadcast_in_dim3A_740 = vector.broadcast %squeeze3A_738 : f32 to vector<16xf32>
    %select_n3A_741 = arith.select %lt3A_1, %broadcast_in_dim3A_739, %broadcast_in_dim3A_740 : vector<16xi1>, vector<16xf32>
    %get3A_742 = arith.constant 144 : index
    %get3A_743 = tpu.vector_load %arg15[%get3A_742] {strides = array<i32>} : memref<256xf32, #tpu.memory_space<vmem>>, vector<16xf32>,
    %mul3A_744 = arith.mulf %select_n3A_741, %get3A_743 : vector<16xf32>
    %add3A_745 = arith.addf %add3A_734, %mul3A_744 : vector<16xf32>
    %slice3A_746 = vector.extract_strided_slice %get3A_635 {offsets = [12], sizes = [1], strides = [1]} : vector<16xf32> to vector<1xf32>
    %squeeze3A_747 = vector.extract %slice3A_746[0] : f32 from vector<1xf32>
    %slice3A_748 = vector.extract_strided_slice %get3A_635 {offsets = [13], sizes = [1], strides = [1]} : vector<16xf32> to vector<1xf32>
    %squeeze3A_749 = vector.extract %slice3A_748[0] : f32 from vector<1xf32>
    %broadcast_in_dim3A_750 = vector.broadcast %squeeze3A_747 : f32 to vector<16xf32>
    %broadcast_in_dim3A_751 = vector.broadcast %squeeze3A_749 : f32 to vector<16xf32>
    %select_n3A_752 = arith.select %lt3A_1, %broadcast_in_dim3A_750, %broadcast_in_dim3A_751 : vector<16xi1>, vector<16xf32>
    %get3A_753 = arith.constant 160 : index
    %get3A_754 = tpu.vector_load %arg15[%get3A_753] {strides = array<i32>} : memref<256xf32, #tpu.memory_space<vmem>>, vector<16xf32>,
    %mul3A_755 = arith.mulf %select_n3A_752, %get3A_754 : vector<16xf32>
    %add3A_756 = arith.addf %add3A_745, %mul3A_755 : vector<16xf32>
    %slice3A_757 = vector.extract_strided_slice %get3A_635 {offsets = [14], sizes = [1], strides = [1]} : vector<16xf32> to vector<1xf32>
    %squeeze3A_758 = vector.extract %slice3A_757[0] : f32 from vector<1xf32>
    %slice3A_759 = vector.extract_strided_slice %get3A_635 {offsets = [15], sizes = [1], strides = [1]} : vector<16xf32> to vector<1xf32>
    %squeeze3A_760 = vector.extract %slice3A_759[0] : f32 from vector<1xf32>
    %broadcast_in_dim3A_761 = vector.broadcast %squeeze3A_758 : f32 to vector<16xf32>
    %broadcast_in_dim3A_762 = vector.broadcast %squeeze3A_760 : f32 to vector<16xf32>
    %select_n3A_763 = arith.select %lt3A_1, %broadcast_in_dim3A_761, %broadcast_in_dim3A_762 : vector<16xi1>, vector<16xf32>
    %get3A_764 = arith.constant 176 : index
    %get3A_765 = tpu.vector_load %arg15[%get3A_764] {strides = array<i32>} : memref<256xf32, #tpu.memory_space<vmem>>, vector<16xf32>,
    %mul3A_766 = arith.mulf %select_n3A_763, %get3A_765 : vector<16xf32>
    %add3A_767 = arith.addf %add3A_756, %mul3A_766 : vector<16xf32>
    %swap3A_768 = arith.constant 0 : index
    %swap3A_769 = tpu.vector_load %arg28[%swap3A_768] {strides = array<i32>} : memref<16xf32, #tpu.memory_space<vmem>>, vector<16xf32>,
    tpu.vector_store %arg28[%swap3A_768], %add3A_767 {strides = array<i32>} : memref<16xf32, #tpu.memory_space<vmem>>, vector<16xf32>,
    %and3A_770 = arith.constant 7 : i32
    %and3A_771 = vector.broadcast %and3A_770 : i32 to vector<16xi32>
    %and3A_772 = arith.andi %iota3A, %and3A_771 : vector<16xi32>
    %gather3A_773 = tpu.vector_load_idx %arg28[%and3A_772] : memref<16xf32, #tpu.memory_space<vmem>>[vector<16xi32>], vector<16xf32>,
    %and3A_774 = arith.constant 7 : i32
    %and3A_775 = vector.broadcast %and3A_774 : i32 to vector<16xi32>
    %and3A_776 = arith.andi %iota3A, %and3A_775 : vector<16xi32>
    %add3A_777 = arith.constant 8 : i32
    %add3A_778 = vector.broadcast %add3A_777 : i32 to vector<16xi32>
    %add3A_779 = arith.addi %and3A_776, %add3A_778 : vector<16xi32>
    %gather3A_780 = tpu.vector_load_idx %arg28[%add3A_779] : memref<16xf32, #tpu.memory_space<vmem>>[vector<16xi32>], vector<16xf32>,
    %add3A_781 = arith.addf %gather3A_773, %gather3A_780 : vector<16xf32>
    %gather3A_782 = tpu.vector_load_idx %arg17[%broadcast_in_dim3A_627] : memref<32xf32, #tpu.memory_space<vmem>>[vector<16xi32>], vector<16xf32>,
    %mul3A_783 = arith.constant 8 : i32
    %mul3A_784 = vector.broadcast %mul3A_783 : i32 to vector<16xi32>
    %mul3A_785 = arith.muli %broadcast_in_dim3A_627, %mul3A_784 : vector<16xi32>
    %and3A_786 = arith.constant 7 : i32
    %and3A_787 = vector.broadcast %and3A_786 : i32 to vector<16xi32>
    %and3A_788 = arith.andi %iota3A, %and3A_787 : vector<16xi32>
    %add3A_789 = arith.addi %mul3A_785, %and3A_788 : vector<16xi32>
    %gather3A_790 = tpu.vector_load_idx %arg15[%add3A_789] : memref<256xf32, #tpu.memory_space<vmem>>[vector<16xi32>], vector<16xf32>,
    %and3A_791 = arith.constant 7 : i32
    %and3A_792 = vector.broadcast %and3A_791 : i32 to vector<16xi32>
    %and3A_793 = arith.andi %iota3A, %and3A_792 : vector<16xi32>
    %gather3A_794 = tpu.vector_load_idx %arg24[%and3A_793] : memref<16xf32, #tpu.memory_space<vmem>>[vector<16xi32>], vector<16xf32>,
    %mul3A_795 = arith.mulf %gather3A_782, %gather3A_782 : vector<16xf32>
    %mul3A_796 = arith.mulf %mul3A_795, %gather3A_790 : vector<16xf32>
    %add3A_797 = arith.addf %add3A_781, %mul3A_796 : vector<16xf32>
    %add3A_798 = arith.addf %add3A_797, %gather3A_794 : vector<16xf32>
    %max3A_799 = arith.constant 0.000000e+00 : f32
    %max3A_800 = vector.broadcast %max3A_799 : f32 to vector<16xf32>
    %max3A_801 = arith.maximumf %add3A_798, %max3A_800 : vector<16xf32>
    %select_n3A_802 = arith.select %lt3A_1, %max3A_624, %max3A_801 : vector<16xi1>, vector<16xf32>
    %swap3A_803 = arith.constant 0 : index
    %swap3A_804 = tpu.vector_load %arg27[%swap3A_803] {strides = array<i32>} : memref<16xf32, #tpu.memory_space<vmem>>, vector<16xf32>,
    tpu.vector_store %arg27[%swap3A_803], %select_n3A_802 {strides = array<i32>} : memref<16xf32, #tpu.memory_space<vmem>>, vector<16xf32>,
    %mul3A_805 = arith.constant 16 : i32
    %mul3A_806 = arith.muli %arg1, %mul3A_805 : i32
    "tpu.region"() ({
      %run_scoped3A = tpu.sem_alloc : memref<!tpu.dma_semaphore, #tpu.memory_space<semaphore_mem>>
      %dma_start3A_1616 = tpu.memref_slice %arg30[%mul3A_806] : memref<256xf32, #tpu.memory_space<vmem_shared>> -> memref<16xf32, #tpu.memory_space<vmem_shared>>
      %dma_start3A_1617 = tpu.memref_slice %arg30[%mul3A_806] : memref<256xf32, #tpu.memory_space<vmem_shared>> -> memref<16xf32, #tpu.memory_space<vmem_shared>>
      tpu.enqueue_dma source(%arg27 : memref<16xf32, #tpu.memory_space<vmem>>) target(%dma_start3A_1617 : memref<16xf32, #tpu.memory_space<vmem_shared>>) target_semaphore(%run_scoped3A : memref<!tpu.dma_semaphore, #tpu.memory_space<semaphore_mem>>)
      %dma_wait3A_1618 = tpu.memref_slice %arg30[%mul3A_806] : memref<256xf32, #tpu.memory_space<vmem_shared>> -> memref<16xf32, #tpu.memory_space<vmem_shared>>
      %dma_wait3A_1619 = tpu.memref_slice %arg30[%mul3A_806] : memref<256xf32, #tpu.memory_space<vmem_shared>> -> memref<16xf32, #tpu.memory_space<vmem_shared>>
      tpu.wait_dma2 semaphore(%run_scoped3A : memref<!tpu.dma_semaphore, #tpu.memory_space<semaphore_mem>>) src(%arg27 : memref<16xf32, #tpu.memory_space<vmem>>) dst(%dma_wait3A_1619 : memref<16xf32, #tpu.memory_space<vmem_shared>>)
      tpu.yield
    }) : () -> ()
    %barrier3A_807 = arith.constant 0 : index
    tpu.barrier barrier_id(%barrier3A_807)
    "tpu.region"() ({
      %run_scoped3A = tpu.sem_alloc : memref<!tpu.dma_semaphore, #tpu.memory_space<semaphore_mem>>
      tpu.enqueue_dma source(%arg30 : memref<256xf32, #tpu.memory_space<vmem_shared>>) target(%arg20 : memref<256xf32, #tpu.memory_space<vmem>>) target_semaphore(%run_scoped3A : memref<!tpu.dma_semaphore, #tpu.memory_space<semaphore_mem>>)
      tpu.wait_dma2 semaphore(%run_scoped3A : memref<!tpu.dma_semaphore, #tpu.memory_space<semaphore_mem>>) src(%arg30 : memref<256xf32, #tpu.memory_space<vmem_shared>>) dst(%arg20 : memref<256xf32, #tpu.memory_space<vmem>>)
      tpu.yield
    }) : () -> ()
    %add3A_808 = arith.constant 0 : i32
    %add3A_809 = vector.broadcast %add3A_808 : i32 to vector<16xi32>
    %add3A_810 = arith.addi %add3A_809, %iota3A : vector<16xi32>
    %shift_right_logical3A_811 = arith.constant 3 : i32
    %shift_right_logical3A_812 = vector.broadcast %shift_right_logical3A_811 : i32 to vector<16xi32>
    %shift_right_logical3A_813 = arith.shrui %add3A_810, %shift_right_logical3A_812 : vector<16xi32>
    %mul3A_814 = arith.constant 16 : i32
    %mul3A_815 = vector.broadcast %mul3A_814 : i32 to vector<16xi32>
    %mul3A_816 = arith.muli %shift_right_logical3A_813, %mul3A_815 : vector<16xi32>
    %add3A_817 = arith.addi %mul3A_816, %and3A_212 : vector<16xi32>
    %gather3A_818 = tpu.vector_load_idx %arg20[%add3A_817] : memref<256xf32, #tpu.memory_space<vmem>>[vector<16xi32>], vector<16xf32>,
    %add3A_819 = arith.constant 16 : i32
    %add3A_820 = vector.broadcast %add3A_819 : i32 to vector<16xi32>
    %add3A_821 = arith.addi %add3A_820, %iota3A : vector<16xi32>
    %shift_right_logical3A_822 = arith.constant 3 : i32
    %shift_right_logical3A_823 = vector.broadcast %shift_right_logical3A_822 : i32 to vector<16xi32>
    %shift_right_logical3A_824 = arith.shrui %add3A_821, %shift_right_logical3A_823 : vector<16xi32>
    %mul3A_825 = arith.constant 16 : i32
    %mul3A_826 = vector.broadcast %mul3A_825 : i32 to vector<16xi32>
    %mul3A_827 = arith.muli %shift_right_logical3A_824, %mul3A_826 : vector<16xi32>
    %add3A_828 = arith.addi %mul3A_827, %and3A_212 : vector<16xi32>
    %gather3A_829 = tpu.vector_load_idx %arg20[%add3A_828] : memref<256xf32, #tpu.memory_space<vmem>>[vector<16xi32>], vector<16xf32>,
    %add3A_830 = arith.constant 32 : i32
    %add3A_831 = vector.broadcast %add3A_830 : i32 to vector<16xi32>
    %add3A_832 = arith.addi %add3A_831, %iota3A : vector<16xi32>
    %shift_right_logical3A_833 = arith.constant 3 : i32
    %shift_right_logical3A_834 = vector.broadcast %shift_right_logical3A_833 : i32 to vector<16xi32>
    %shift_right_logical3A_835 = arith.shrui %add3A_832, %shift_right_logical3A_834 : vector<16xi32>
    %mul3A_836 = arith.constant 16 : i32
    %mul3A_837 = vector.broadcast %mul3A_836 : i32 to vector<16xi32>
    %mul3A_838 = arith.muli %shift_right_logical3A_835, %mul3A_837 : vector<16xi32>
    %add3A_839 = arith.addi %mul3A_838, %and3A_212 : vector<16xi32>
    %gather3A_840 = tpu.vector_load_idx %arg20[%add3A_839] : memref<256xf32, #tpu.memory_space<vmem>>[vector<16xi32>], vector<16xf32>,
    %add3A_841 = arith.constant 48 : i32
    %add3A_842 = vector.broadcast %add3A_841 : i32 to vector<16xi32>
    %add3A_843 = arith.addi %add3A_842, %iota3A : vector<16xi32>
    %shift_right_logical3A_844 = arith.constant 3 : i32
    %shift_right_logical3A_845 = vector.broadcast %shift_right_logical3A_844 : i32 to vector<16xi32>
    %shift_right_logical3A_846 = arith.shrui %add3A_843, %shift_right_logical3A_845 : vector<16xi32>
    %mul3A_847 = arith.constant 16 : i32
    %mul3A_848 = vector.broadcast %mul3A_847 : i32 to vector<16xi32>
    %mul3A_849 = arith.muli %shift_right_logical3A_846, %mul3A_848 : vector<16xi32>
    %add3A_850 = arith.addi %mul3A_849, %and3A_212 : vector<16xi32>
    %gather3A_851 = tpu.vector_load_idx %arg20[%add3A_850] : memref<256xf32, #tpu.memory_space<vmem>>[vector<16xi32>], vector<16xf32>,
    %add3A_852 = arith.constant 64 : i32
    %add3A_853 = vector.broadcast %add3A_852 : i32 to vector<16xi32>
    %add3A_854 = arith.addi %add3A_853, %iota3A : vector<16xi32>
    %shift_right_logical3A_855 = arith.constant 3 : i32
    %shift_right_logical3A_856 = vector.broadcast %shift_right_logical3A_855 : i32 to vector<16xi32>
    %shift_right_logical3A_857 = arith.shrui %add3A_854, %shift_right_logical3A_856 : vector<16xi32>
    %mul3A_858 = arith.constant 16 : i32
    %mul3A_859 = vector.broadcast %mul3A_858 : i32 to vector<16xi32>
    %mul3A_860 = arith.muli %shift_right_logical3A_857, %mul3A_859 : vector<16xi32>
    %add3A_861 = arith.addi %mul3A_860, %and3A_212 : vector<16xi32>
    %gather3A_862 = tpu.vector_load_idx %arg20[%add3A_861] : memref<256xf32, #tpu.memory_space<vmem>>[vector<16xi32>], vector<16xf32>,
    %add3A_863 = arith.constant 80 : i32
    %add3A_864 = vector.broadcast %add3A_863 : i32 to vector<16xi32>
    %add3A_865 = arith.addi %add3A_864, %iota3A : vector<16xi32>
    %shift_right_logical3A_866 = arith.constant 3 : i32
    %shift_right_logical3A_867 = vector.broadcast %shift_right_logical3A_866 : i32 to vector<16xi32>
    %shift_right_logical3A_868 = arith.shrui %add3A_865, %shift_right_logical3A_867 : vector<16xi32>
    %mul3A_869 = arith.constant 16 : i32
    %mul3A_870 = vector.broadcast %mul3A_869 : i32 to vector<16xi32>
    %mul3A_871 = arith.muli %shift_right_logical3A_868, %mul3A_870 : vector<16xi32>
    %add3A_872 = arith.addi %mul3A_871, %and3A_212 : vector<16xi32>
    %gather3A_873 = tpu.vector_load_idx %arg20[%add3A_872] : memref<256xf32, #tpu.memory_space<vmem>>[vector<16xi32>], vector<16xf32>,
    %add3A_874 = arith.constant 96 : i32
    %add3A_875 = vector.broadcast %add3A_874 : i32 to vector<16xi32>
    %add3A_876 = arith.addi %add3A_875, %iota3A : vector<16xi32>
    %shift_right_logical3A_877 = arith.constant 3 : i32
    %shift_right_logical3A_878 = vector.broadcast %shift_right_logical3A_877 : i32 to vector<16xi32>
    %shift_right_logical3A_879 = arith.shrui %add3A_876, %shift_right_logical3A_878 : vector<16xi32>
    %mul3A_880 = arith.constant 16 : i32
    %mul3A_881 = vector.broadcast %mul3A_880 : i32 to vector<16xi32>
    %mul3A_882 = arith.muli %shift_right_logical3A_879, %mul3A_881 : vector<16xi32>
    %add3A_883 = arith.addi %mul3A_882, %and3A_212 : vector<16xi32>
    %gather3A_884 = tpu.vector_load_idx %arg20[%add3A_883] : memref<256xf32, #tpu.memory_space<vmem>>[vector<16xi32>], vector<16xf32>,
    %add3A_885 = arith.constant 112 : i32
    %add3A_886 = vector.broadcast %add3A_885 : i32 to vector<16xi32>
    %add3A_887 = arith.addi %add3A_886, %iota3A : vector<16xi32>
    %shift_right_logical3A_888 = arith.constant 3 : i32
    %shift_right_logical3A_889 = vector.broadcast %shift_right_logical3A_888 : i32 to vector<16xi32>
    %shift_right_logical3A_890 = arith.shrui %add3A_887, %shift_right_logical3A_889 : vector<16xi32>
    %mul3A_891 = arith.constant 16 : i32
    %mul3A_892 = vector.broadcast %mul3A_891 : i32 to vector<16xi32>
    %mul3A_893 = arith.muli %shift_right_logical3A_890, %mul3A_892 : vector<16xi32>
    %add3A_894 = arith.addi %mul3A_893, %and3A_212 : vector<16xi32>
    %gather3A_895 = tpu.vector_load_idx %arg20[%add3A_894] : memref<256xf32, #tpu.memory_space<vmem>>[vector<16xi32>], vector<16xf32>,
    %add3A_896 = arith.constant 128 : i32
    %add3A_897 = vector.broadcast %add3A_896 : i32 to vector<16xi32>
    %add3A_898 = arith.addi %add3A_897, %iota3A : vector<16xi32>
    %shift_right_logical3A_899 = arith.constant 3 : i32
    %shift_right_logical3A_900 = vector.broadcast %shift_right_logical3A_899 : i32 to vector<16xi32>
    %shift_right_logical3A_901 = arith.shrui %add3A_898, %shift_right_logical3A_900 : vector<16xi32>
    %sub3A_902 = arith.constant 16 : i32
    %sub3A_903 = vector.broadcast %sub3A_902 : i32 to vector<16xi32>
    %sub3A_904 = arith.subi %shift_right_logical3A_901, %sub3A_903 : vector<16xi32>
    %mul3A_905 = arith.constant 16 : i32
    %mul3A_906 = vector.broadcast %mul3A_905 : i32 to vector<16xi32>
    %mul3A_907 = arith.muli %sub3A_904, %mul3A_906 : vector<16xi32>
    %add3A_908 = arith.constant 8 : i32
    %add3A_909 = vector.broadcast %add3A_908 : i32 to vector<16xi32>
    %add3A_910 = arith.addi %mul3A_907, %add3A_909 : vector<16xi32>
    %add3A_911 = arith.addi %add3A_910, %and3A_212 : vector<16xi32>
    %gather3A_912 = tpu.vector_load_idx %arg20[%add3A_911] : memref<256xf32, #tpu.memory_space<vmem>>[vector<16xi32>], vector<16xf32>,
    %add3A_913 = arith.constant 144 : i32
    %add3A_914 = vector.broadcast %add3A_913 : i32 to vector<16xi32>
    %add3A_915 = arith.addi %add3A_914, %iota3A : vector<16xi32>
    %shift_right_logical3A_916 = arith.constant 3 : i32
    %shift_right_logical3A_917 = vector.broadcast %shift_right_logical3A_916 : i32 to vector<16xi32>
    %shift_right_logical3A_918 = arith.shrui %add3A_915, %shift_right_logical3A_917 : vector<16xi32>
    %sub3A_919 = arith.constant 16 : i32
    %sub3A_920 = vector.broadcast %sub3A_919 : i32 to vector<16xi32>
    %sub3A_921 = arith.subi %shift_right_logical3A_918, %sub3A_920 : vector<16xi32>
    %mul3A_922 = arith.constant 16 : i32
    %mul3A_923 = vector.broadcast %mul3A_922 : i32 to vector<16xi32>
    %mul3A_924 = arith.muli %sub3A_921, %mul3A_923 : vector<16xi32>
    %add3A_925 = arith.constant 8 : i32
    %add3A_926 = vector.broadcast %add3A_925 : i32 to vector<16xi32>
    %add3A_927 = arith.addi %mul3A_924, %add3A_926 : vector<16xi32>
    %add3A_928 = arith.addi %add3A_927, %and3A_212 : vector<16xi32>
    %gather3A_929 = tpu.vector_load_idx %arg20[%add3A_928] : memref<256xf32, #tpu.memory_space<vmem>>[vector<16xi32>], vector<16xf32>,
    %add3A_930 = arith.constant 160 : i32
    %add3A_931 = vector.broadcast %add3A_930 : i32 to vector<16xi32>
    %add3A_932 = arith.addi %add3A_931, %iota3A : vector<16xi32>
    %shift_right_logical3A_933 = arith.constant 3 : i32
    %shift_right_logical3A_934 = vector.broadcast %shift_right_logical3A_933 : i32 to vector<16xi32>
    %shift_right_logical3A_935 = arith.shrui %add3A_932, %shift_right_logical3A_934 : vector<16xi32>
    %sub3A_936 = arith.constant 16 : i32
    %sub3A_937 = vector.broadcast %sub3A_936 : i32 to vector<16xi32>
    %sub3A_938 = arith.subi %shift_right_logical3A_935, %sub3A_937 : vector<16xi32>
    %mul3A_939 = arith.constant 16 : i32
    %mul3A_940 = vector.broadcast %mul3A_939 : i32 to vector<16xi32>
    %mul3A_941 = arith.muli %sub3A_938, %mul3A_940 : vector<16xi32>
    %add3A_942 = arith.constant 8 : i32
    %add3A_943 = vector.broadcast %add3A_942 : i32 to vector<16xi32>
    %add3A_944 = arith.addi %mul3A_941, %add3A_943 : vector<16xi32>
    %add3A_945 = arith.addi %add3A_944, %and3A_212 : vector<16xi32>
    %gather3A_946 = tpu.vector_load_idx %arg20[%add3A_945] : memref<256xf32, #tpu.memory_space<vmem>>[vector<16xi32>], vector<16xf32>,
    %add3A_947 = arith.constant 176 : i32
    %add3A_948 = vector.broadcast %add3A_947 : i32 to vector<16xi32>
    %add3A_949 = arith.addi %add3A_948, %iota3A : vector<16xi32>
    %shift_right_logical3A_950 = arith.constant 3 : i32
    %shift_right_logical3A_951 = vector.broadcast %shift_right_logical3A_950 : i32 to vector<16xi32>
    %shift_right_logical3A_952 = arith.shrui %add3A_949, %shift_right_logical3A_951 : vector<16xi32>
    %sub3A_953 = arith.constant 16 : i32
    %sub3A_954 = vector.broadcast %sub3A_953 : i32 to vector<16xi32>
    %sub3A_955 = arith.subi %shift_right_logical3A_952, %sub3A_954 : vector<16xi32>
    %mul3A_956 = arith.constant 16 : i32
    %mul3A_957 = vector.broadcast %mul3A_956 : i32 to vector<16xi32>
    %mul3A_958 = arith.muli %sub3A_955, %mul3A_957 : vector<16xi32>
    %add3A_959 = arith.constant 8 : i32
    %add3A_960 = vector.broadcast %add3A_959 : i32 to vector<16xi32>
    %add3A_961 = arith.addi %mul3A_958, %add3A_960 : vector<16xi32>
    %add3A_962 = arith.addi %add3A_961, %and3A_212 : vector<16xi32>
    %gather3A_963 = tpu.vector_load_idx %arg20[%add3A_962] : memref<256xf32, #tpu.memory_space<vmem>>[vector<16xi32>], vector<16xf32>,
    %get3A_964 = arith.constant 0 : i32
    %get3A_965 = arith.index_cast %get3A_964 : i32 to index
    %get3A_966 = arith.constant 0 : index
    %get3A_967 = tpu.vector_load %arg21[%get3A_965, %get3A_966] {strides = array<i32>} : memref<8x192xf32, #tpu.memory_space<vmem>>, vector<16xf32>,
    %mul3A_968 = arith.mulf %gather3A_818, %get3A_967 : vector<16xf32>
    %get3A_969 = arith.constant 0 : i32
    %get3A_970 = arith.index_cast %get3A_969 : i32 to index
    %get3A_971 = arith.constant 16 : index
    %get3A_972 = tpu.vector_load %arg21[%get3A_970, %get3A_971] {strides = array<i32>} : memref<8x192xf32, #tpu.memory_space<vmem>>, vector<16xf32>,
    %mul3A_973 = arith.mulf %gather3A_829, %get3A_972 : vector<16xf32>
    %add3A_974 = arith.addf %mul3A_968, %mul3A_973 : vector<16xf32>
    %get3A_975 = arith.constant 0 : i32
    %get3A_976 = arith.index_cast %get3A_975 : i32 to index
    %get3A_977 = arith.constant 32 : index
    %get3A_978 = tpu.vector_load %arg21[%get3A_976, %get3A_977] {strides = array<i32>} : memref<8x192xf32, #tpu.memory_space<vmem>>, vector<16xf32>,
    %mul3A_979 = arith.mulf %gather3A_840, %get3A_978 : vector<16xf32>
    %add3A_980 = arith.addf %add3A_974, %mul3A_979 : vector<16xf32>
    %get3A_981 = arith.constant 0 : i32
    %get3A_982 = arith.index_cast %get3A_981 : i32 to index
    %get3A_983 = arith.constant 48 : index
    %get3A_984 = tpu.vector_load %arg21[%get3A_982, %get3A_983] {strides = array<i32>} : memref<8x192xf32, #tpu.memory_space<vmem>>, vector<16xf32>,
    %mul3A_985 = arith.mulf %gather3A_851, %get3A_984 : vector<16xf32>
    %add3A_986 = arith.addf %add3A_980, %mul3A_985 : vector<16xf32>
    %get3A_987 = arith.constant 0 : i32
    %get3A_988 = arith.index_cast %get3A_987 : i32 to index
    %get3A_989 = arith.constant 64 : index
    %get3A_990 = tpu.vector_load %arg21[%get3A_988, %get3A_989] {strides = array<i32>} : memref<8x192xf32, #tpu.memory_space<vmem>>, vector<16xf32>,
    %mul3A_991 = arith.mulf %gather3A_862, %get3A_990 : vector<16xf32>
    %add3A_992 = arith.addf %add3A_986, %mul3A_991 : vector<16xf32>
    %get3A_993 = arith.constant 0 : i32
    %get3A_994 = arith.index_cast %get3A_993 : i32 to index
    %get3A_995 = arith.constant 80 : index
    %get3A_996 = tpu.vector_load %arg21[%get3A_994, %get3A_995] {strides = array<i32>} : memref<8x192xf32, #tpu.memory_space<vmem>>, vector<16xf32>,
    %mul3A_997 = arith.mulf %gather3A_873, %get3A_996 : vector<16xf32>
    %add3A_998 = arith.addf %add3A_992, %mul3A_997 : vector<16xf32>
    %get3A_999 = arith.constant 0 : i32
    %get3A_1000 = arith.index_cast %get3A_999 : i32 to index
    %get3A_1001 = arith.constant 96 : index
    %get3A_1002 = tpu.vector_load %arg21[%get3A_1000, %get3A_1001] {strides = array<i32>} : memref<8x192xf32, #tpu.memory_space<vmem>>, vector<16xf32>,
    %mul3A_1003 = arith.mulf %gather3A_884, %get3A_1002 : vector<16xf32>
    %add3A_1004 = arith.addf %add3A_998, %mul3A_1003 : vector<16xf32>
    %get3A_1005 = arith.constant 0 : i32
    %get3A_1006 = arith.index_cast %get3A_1005 : i32 to index
    %get3A_1007 = arith.constant 112 : index
    %get3A_1008 = tpu.vector_load %arg21[%get3A_1006, %get3A_1007] {strides = array<i32>} : memref<8x192xf32, #tpu.memory_space<vmem>>, vector<16xf32>,
    %mul3A_1009 = arith.mulf %gather3A_895, %get3A_1008 : vector<16xf32>
    %add3A_1010 = arith.addf %add3A_1004, %mul3A_1009 : vector<16xf32>
    %get3A_1011 = arith.constant 0 : i32
    %get3A_1012 = arith.index_cast %get3A_1011 : i32 to index
    %get3A_1013 = arith.constant 128 : index
    %get3A_1014 = tpu.vector_load %arg21[%get3A_1012, %get3A_1013] {strides = array<i32>} : memref<8x192xf32, #tpu.memory_space<vmem>>, vector<16xf32>,
    %mul3A_1015 = arith.mulf %gather3A_912, %get3A_1014 : vector<16xf32>
    %add3A_1016 = arith.addf %add3A_1010, %mul3A_1015 : vector<16xf32>
    %get3A_1017 = arith.constant 0 : i32
    %get3A_1018 = arith.index_cast %get3A_1017 : i32 to index
    %get3A_1019 = arith.constant 144 : index
    %get3A_1020 = tpu.vector_load %arg21[%get3A_1018, %get3A_1019] {strides = array<i32>} : memref<8x192xf32, #tpu.memory_space<vmem>>, vector<16xf32>,
    %mul3A_1021 = arith.mulf %gather3A_929, %get3A_1020 : vector<16xf32>
    %add3A_1022 = arith.addf %add3A_1016, %mul3A_1021 : vector<16xf32>
    %get3A_1023 = arith.constant 0 : i32
    %get3A_1024 = arith.index_cast %get3A_1023 : i32 to index
    %get3A_1025 = arith.constant 160 : index
    %get3A_1026 = tpu.vector_load %arg21[%get3A_1024, %get3A_1025] {strides = array<i32>} : memref<8x192xf32, #tpu.memory_space<vmem>>, vector<16xf32>,
    %mul3A_1027 = arith.mulf %gather3A_946, %get3A_1026 : vector<16xf32>
    %add3A_1028 = arith.addf %add3A_1022, %mul3A_1027 : vector<16xf32>
    %get3A_1029 = arith.constant 0 : i32
    %get3A_1030 = arith.index_cast %get3A_1029 : i32 to index
    %get3A_1031 = arith.constant 176 : index
    %get3A_1032 = tpu.vector_load %arg21[%get3A_1030, %get3A_1031] {strides = array<i32>} : memref<8x192xf32, #tpu.memory_space<vmem>>, vector<16xf32>,
    %mul3A_1033 = arith.mulf %gather3A_963, %get3A_1032 : vector<16xf32>
    %add3A_1034 = arith.addf %add3A_1028, %mul3A_1033 : vector<16xf32>
    %eq3A_1035 = arith.constant 0 : i32
    %eq3A_1036 = vector.broadcast %eq3A_1035 : i32 to vector<16xi32>
    %eq3A_1037 = arith.cmpi eq, %iota3A, %eq3A_1036 : vector<16xi32>
    %reduce_sum3A = arith.constant true
    %reduce_sum3A_1038 = vector.broadcast %reduce_sum3A : i1 to vector<16xi1>
    %reduce_sum3A_1039 = tpu.scan <sum>, %add3A_1034 masked %reduce_sum3A_1038 : vector<16xf32>, vector<16xi1> -> vector<16xf32>
    %reduce_sum3A_1040 = vector.extract %reduce_sum3A_1039[15] : f32 from vector<16xf32>
    %broadcast_in_dim3A_1041 = vector.broadcast %reduce_sum3A_1040 : f32 to vector<16xf32>
    %select_n3A_1042 = arith.select %eq3A_1037, %broadcast_in_dim3A_1041, %broadcast_in_dim3A_4 : vector<16xi1>, vector<16xf32>
    %get3A_1043 = arith.constant 1 : i32
    %get3A_1044 = arith.index_cast %get3A_1043 : i32 to index
    %get3A_1045 = arith.constant 0 : index
    %get3A_1046 = tpu.vector_load %arg21[%get3A_1044, %get3A_1045] {strides = array<i32>} : memref<8x192xf32, #tpu.memory_space<vmem>>, vector<16xf32>,
    %mul3A_1047 = arith.mulf %gather3A_818, %get3A_1046 : vector<16xf32>
    %get3A_1048 = arith.constant 1 : i32
    %get3A_1049 = arith.index_cast %get3A_1048 : i32 to index
    %get3A_1050 = arith.constant 16 : index
    %get3A_1051 = tpu.vector_load %arg21[%get3A_1049, %get3A_1050] {strides = array<i32>} : memref<8x192xf32, #tpu.memory_space<vmem>>, vector<16xf32>,
    %mul3A_1052 = arith.mulf %gather3A_829, %get3A_1051 : vector<16xf32>
    %add3A_1053 = arith.addf %mul3A_1047, %mul3A_1052 : vector<16xf32>
    %get3A_1054 = arith.constant 1 : i32
    %get3A_1055 = arith.index_cast %get3A_1054 : i32 to index
    %get3A_1056 = arith.constant 32 : index
    %get3A_1057 = tpu.vector_load %arg21[%get3A_1055, %get3A_1056] {strides = array<i32>} : memref<8x192xf32, #tpu.memory_space<vmem>>, vector<16xf32>,
    %mul3A_1058 = arith.mulf %gather3A_840, %get3A_1057 : vector<16xf32>
    %add3A_1059 = arith.addf %add3A_1053, %mul3A_1058 : vector<16xf32>
    %get3A_1060 = arith.constant 1 : i32
    %get3A_1061 = arith.index_cast %get3A_1060 : i32 to index
    %get3A_1062 = arith.constant 48 : index
    %get3A_1063 = tpu.vector_load %arg21[%get3A_1061, %get3A_1062] {strides = array<i32>} : memref<8x192xf32, #tpu.memory_space<vmem>>, vector<16xf32>,
    %mul3A_1064 = arith.mulf %gather3A_851, %get3A_1063 : vector<16xf32>
    %add3A_1065 = arith.addf %add3A_1059, %mul3A_1064 : vector<16xf32>
    %get3A_1066 = arith.constant 1 : i32
    %get3A_1067 = arith.index_cast %get3A_1066 : i32 to index
    %get3A_1068 = arith.constant 64 : index
    %get3A_1069 = tpu.vector_load %arg21[%get3A_1067, %get3A_1068] {strides = array<i32>} : memref<8x192xf32, #tpu.memory_space<vmem>>, vector<16xf32>,
    %mul3A_1070 = arith.mulf %gather3A_862, %get3A_1069 : vector<16xf32>
    %add3A_1071 = arith.addf %add3A_1065, %mul3A_1070 : vector<16xf32>
    %get3A_1072 = arith.constant 1 : i32
    %get3A_1073 = arith.index_cast %get3A_1072 : i32 to index
    %get3A_1074 = arith.constant 80 : index
    %get3A_1075 = tpu.vector_load %arg21[%get3A_1073, %get3A_1074] {strides = array<i32>} : memref<8x192xf32, #tpu.memory_space<vmem>>, vector<16xf32>,
    %mul3A_1076 = arith.mulf %gather3A_873, %get3A_1075 : vector<16xf32>
    %add3A_1077 = arith.addf %add3A_1071, %mul3A_1076 : vector<16xf32>
    %get3A_1078 = arith.constant 1 : i32
    %get3A_1079 = arith.index_cast %get3A_1078 : i32 to index
    %get3A_1080 = arith.constant 96 : index
    %get3A_1081 = tpu.vector_load %arg21[%get3A_1079, %get3A_1080] {strides = array<i32>} : memref<8x192xf32, #tpu.memory_space<vmem>>, vector<16xf32>,
    %mul3A_1082 = arith.mulf %gather3A_884, %get3A_1081 : vector<16xf32>
    %add3A_1083 = arith.addf %add3A_1077, %mul3A_1082 : vector<16xf32>
    %get3A_1084 = arith.constant 1 : i32
    %get3A_1085 = arith.index_cast %get3A_1084 : i32 to index
    %get3A_1086 = arith.constant 112 : index
    %get3A_1087 = tpu.vector_load %arg21[%get3A_1085, %get3A_1086] {strides = array<i32>} : memref<8x192xf32, #tpu.memory_space<vmem>>, vector<16xf32>,
    %mul3A_1088 = arith.mulf %gather3A_895, %get3A_1087 : vector<16xf32>
    %add3A_1089 = arith.addf %add3A_1083, %mul3A_1088 : vector<16xf32>
    %get3A_1090 = arith.constant 1 : i32
    %get3A_1091 = arith.index_cast %get3A_1090 : i32 to index
    %get3A_1092 = arith.constant 128 : index
    %get3A_1093 = tpu.vector_load %arg21[%get3A_1091, %get3A_1092] {strides = array<i32>} : memref<8x192xf32, #tpu.memory_space<vmem>>, vector<16xf32>,
    %mul3A_1094 = arith.mulf %gather3A_912, %get3A_1093 : vector<16xf32>
    %add3A_1095 = arith.addf %add3A_1089, %mul3A_1094 : vector<16xf32>
    %get3A_1096 = arith.constant 1 : i32
    %get3A_1097 = arith.index_cast %get3A_1096 : i32 to index
    %get3A_1098 = arith.constant 144 : index
    %get3A_1099 = tpu.vector_load %arg21[%get3A_1097, %get3A_1098] {strides = array<i32>} : memref<8x192xf32, #tpu.memory_space<vmem>>, vector<16xf32>,
    %mul3A_1100 = arith.mulf %gather3A_929, %get3A_1099 : vector<16xf32>
    %add3A_1101 = arith.addf %add3A_1095, %mul3A_1100 : vector<16xf32>
    %get3A_1102 = arith.constant 1 : i32
    %get3A_1103 = arith.index_cast %get3A_1102 : i32 to index
    %get3A_1104 = arith.constant 160 : index
    %get3A_1105 = tpu.vector_load %arg21[%get3A_1103, %get3A_1104] {strides = array<i32>} : memref<8x192xf32, #tpu.memory_space<vmem>>, vector<16xf32>,
    %mul3A_1106 = arith.mulf %gather3A_946, %get3A_1105 : vector<16xf32>
    %add3A_1107 = arith.addf %add3A_1101, %mul3A_1106 : vector<16xf32>
    %get3A_1108 = arith.constant 1 : i32
    %get3A_1109 = arith.index_cast %get3A_1108 : i32 to index
    %get3A_1110 = arith.constant 176 : index
    %get3A_1111 = tpu.vector_load %arg21[%get3A_1109, %get3A_1110] {strides = array<i32>} : memref<8x192xf32, #tpu.memory_space<vmem>>, vector<16xf32>,
    %mul3A_1112 = arith.mulf %gather3A_963, %get3A_1111 : vector<16xf32>
    %add3A_1113 = arith.addf %add3A_1107, %mul3A_1112 : vector<16xf32>
    %eq3A_1114 = arith.constant 1 : i32
    %eq3A_1115 = vector.broadcast %eq3A_1114 : i32 to vector<16xi32>
    %eq3A_1116 = arith.cmpi eq, %iota3A, %eq3A_1115 : vector<16xi32>
    %reduce_sum3A_1117 = arith.constant true
    %reduce_sum3A_1118 = vector.broadcast %reduce_sum3A_1117 : i1 to vector<16xi1>
    %reduce_sum3A_1119 = tpu.scan <sum>, %add3A_1113 masked %reduce_sum3A_1118 : vector<16xf32>, vector<16xi1> -> vector<16xf32>
    %reduce_sum3A_1120 = vector.extract %reduce_sum3A_1119[15] : f32 from vector<16xf32>
    %broadcast_in_dim3A_1121 = vector.broadcast %reduce_sum3A_1120 : f32 to vector<16xf32>
    %select_n3A_1122 = arith.select %eq3A_1116, %broadcast_in_dim3A_1121, %select_n3A_1042 : vector<16xi1>, vector<16xf32>
    %get3A_1123 = arith.constant 2 : i32
    %get3A_1124 = arith.index_cast %get3A_1123 : i32 to index
    %get3A_1125 = arith.constant 0 : index
    %get3A_1126 = tpu.vector_load %arg21[%get3A_1124, %get3A_1125] {strides = array<i32>} : memref<8x192xf32, #tpu.memory_space<vmem>>, vector<16xf32>,
    %mul3A_1127 = arith.mulf %gather3A_818, %get3A_1126 : vector<16xf32>
    %get3A_1128 = arith.constant 2 : i32
    %get3A_1129 = arith.index_cast %get3A_1128 : i32 to index
    %get3A_1130 = arith.constant 16 : index
    %get3A_1131 = tpu.vector_load %arg21[%get3A_1129, %get3A_1130] {strides = array<i32>} : memref<8x192xf32, #tpu.memory_space<vmem>>, vector<16xf32>,
    %mul3A_1132 = arith.mulf %gather3A_829, %get3A_1131 : vector<16xf32>
    %add3A_1133 = arith.addf %mul3A_1127, %mul3A_1132 : vector<16xf32>
    %get3A_1134 = arith.constant 2 : i32
    %get3A_1135 = arith.index_cast %get3A_1134 : i32 to index
    %get3A_1136 = arith.constant 32 : index
    %get3A_1137 = tpu.vector_load %arg21[%get3A_1135, %get3A_1136] {strides = array<i32>} : memref<8x192xf32, #tpu.memory_space<vmem>>, vector<16xf32>,
    %mul3A_1138 = arith.mulf %gather3A_840, %get3A_1137 : vector<16xf32>
    %add3A_1139 = arith.addf %add3A_1133, %mul3A_1138 : vector<16xf32>
    %get3A_1140 = arith.constant 2 : i32
    %get3A_1141 = arith.index_cast %get3A_1140 : i32 to index
    %get3A_1142 = arith.constant 48 : index
    %get3A_1143 = tpu.vector_load %arg21[%get3A_1141, %get3A_1142] {strides = array<i32>} : memref<8x192xf32, #tpu.memory_space<vmem>>, vector<16xf32>,
    %mul3A_1144 = arith.mulf %gather3A_851, %get3A_1143 : vector<16xf32>
    %add3A_1145 = arith.addf %add3A_1139, %mul3A_1144 : vector<16xf32>
    %get3A_1146 = arith.constant 2 : i32
    %get3A_1147 = arith.index_cast %get3A_1146 : i32 to index
    %get3A_1148 = arith.constant 64 : index
    %get3A_1149 = tpu.vector_load %arg21[%get3A_1147, %get3A_1148] {strides = array<i32>} : memref<8x192xf32, #tpu.memory_space<vmem>>, vector<16xf32>,
    %mul3A_1150 = arith.mulf %gather3A_862, %get3A_1149 : vector<16xf32>
    %add3A_1151 = arith.addf %add3A_1145, %mul3A_1150 : vector<16xf32>
    %get3A_1152 = arith.constant 2 : i32
    %get3A_1153 = arith.index_cast %get3A_1152 : i32 to index
    %get3A_1154 = arith.constant 80 : index
    %get3A_1155 = tpu.vector_load %arg21[%get3A_1153, %get3A_1154] {strides = array<i32>} : memref<8x192xf32, #tpu.memory_space<vmem>>, vector<16xf32>,
    %mul3A_1156 = arith.mulf %gather3A_873, %get3A_1155 : vector<16xf32>
    %add3A_1157 = arith.addf %add3A_1151, %mul3A_1156 : vector<16xf32>
    %get3A_1158 = arith.constant 2 : i32
    %get3A_1159 = arith.index_cast %get3A_1158 : i32 to index
    %get3A_1160 = arith.constant 96 : index
    %get3A_1161 = tpu.vector_load %arg21[%get3A_1159, %get3A_1160] {strides = array<i32>} : memref<8x192xf32, #tpu.memory_space<vmem>>, vector<16xf32>,
    %mul3A_1162 = arith.mulf %gather3A_884, %get3A_1161 : vector<16xf32>
    %add3A_1163 = arith.addf %add3A_1157, %mul3A_1162 : vector<16xf32>
    %get3A_1164 = arith.constant 2 : i32
    %get3A_1165 = arith.index_cast %get3A_1164 : i32 to index
    %get3A_1166 = arith.constant 112 : index
    %get3A_1167 = tpu.vector_load %arg21[%get3A_1165, %get3A_1166] {strides = array<i32>} : memref<8x192xf32, #tpu.memory_space<vmem>>, vector<16xf32>,
    %mul3A_1168 = arith.mulf %gather3A_895, %get3A_1167 : vector<16xf32>
    %add3A_1169 = arith.addf %add3A_1163, %mul3A_1168 : vector<16xf32>
    %get3A_1170 = arith.constant 2 : i32
    %get3A_1171 = arith.index_cast %get3A_1170 : i32 to index
    %get3A_1172 = arith.constant 128 : index
    %get3A_1173 = tpu.vector_load %arg21[%get3A_1171, %get3A_1172] {strides = array<i32>} : memref<8x192xf32, #tpu.memory_space<vmem>>, vector<16xf32>,
    %mul3A_1174 = arith.mulf %gather3A_912, %get3A_1173 : vector<16xf32>
    %add3A_1175 = arith.addf %add3A_1169, %mul3A_1174 : vector<16xf32>
    %get3A_1176 = arith.constant 2 : i32
    %get3A_1177 = arith.index_cast %get3A_1176 : i32 to index
    %get3A_1178 = arith.constant 144 : index
    %get3A_1179 = tpu.vector_load %arg21[%get3A_1177, %get3A_1178] {strides = array<i32>} : memref<8x192xf32, #tpu.memory_space<vmem>>, vector<16xf32>,
    %mul3A_1180 = arith.mulf %gather3A_929, %get3A_1179 : vector<16xf32>
    %add3A_1181 = arith.addf %add3A_1175, %mul3A_1180 : vector<16xf32>
    %get3A_1182 = arith.constant 2 : i32
    %get3A_1183 = arith.index_cast %get3A_1182 : i32 to index
    %get3A_1184 = arith.constant 160 : index
    %get3A_1185 = tpu.vector_load %arg21[%get3A_1183, %get3A_1184] {strides = array<i32>} : memref<8x192xf32, #tpu.memory_space<vmem>>, vector<16xf32>,
    %mul3A_1186 = arith.mulf %gather3A_946, %get3A_1185 : vector<16xf32>
    %add3A_1187 = arith.addf %add3A_1181, %mul3A_1186 : vector<16xf32>
    %get3A_1188 = arith.constant 2 : i32
    %get3A_1189 = arith.index_cast %get3A_1188 : i32 to index
    %get3A_1190 = arith.constant 176 : index
    %get3A_1191 = tpu.vector_load %arg21[%get3A_1189, %get3A_1190] {strides = array<i32>} : memref<8x192xf32, #tpu.memory_space<vmem>>, vector<16xf32>,
    %mul3A_1192 = arith.mulf %gather3A_963, %get3A_1191 : vector<16xf32>
    %add3A_1193 = arith.addf %add3A_1187, %mul3A_1192 : vector<16xf32>
    %eq3A_1194 = arith.constant 2 : i32
    %eq3A_1195 = vector.broadcast %eq3A_1194 : i32 to vector<16xi32>
    %eq3A_1196 = arith.cmpi eq, %iota3A, %eq3A_1195 : vector<16xi32>
    %reduce_sum3A_1197 = arith.constant true
    %reduce_sum3A_1198 = vector.broadcast %reduce_sum3A_1197 : i1 to vector<16xi1>
    %reduce_sum3A_1199 = tpu.scan <sum>, %add3A_1193 masked %reduce_sum3A_1198 : vector<16xf32>, vector<16xi1> -> vector<16xf32>
    %reduce_sum3A_1200 = vector.extract %reduce_sum3A_1199[15] : f32 from vector<16xf32>
    %broadcast_in_dim3A_1201 = vector.broadcast %reduce_sum3A_1200 : f32 to vector<16xf32>
    %select_n3A_1202 = arith.select %eq3A_1196, %broadcast_in_dim3A_1201, %select_n3A_1122 : vector<16xi1>, vector<16xf32>
    %get3A_1203 = arith.constant 3 : i32
    %get3A_1204 = arith.index_cast %get3A_1203 : i32 to index
    %get3A_1205 = arith.constant 0 : index
    %get3A_1206 = tpu.vector_load %arg21[%get3A_1204, %get3A_1205] {strides = array<i32>} : memref<8x192xf32, #tpu.memory_space<vmem>>, vector<16xf32>,
    %mul3A_1207 = arith.mulf %gather3A_818, %get3A_1206 : vector<16xf32>
    %get3A_1208 = arith.constant 3 : i32
    %get3A_1209 = arith.index_cast %get3A_1208 : i32 to index
    %get3A_1210 = arith.constant 16 : index
    %get3A_1211 = tpu.vector_load %arg21[%get3A_1209, %get3A_1210] {strides = array<i32>} : memref<8x192xf32, #tpu.memory_space<vmem>>, vector<16xf32>,
    %mul3A_1212 = arith.mulf %gather3A_829, %get3A_1211 : vector<16xf32>
    %add3A_1213 = arith.addf %mul3A_1207, %mul3A_1212 : vector<16xf32>
    %get3A_1214 = arith.constant 3 : i32
    %get3A_1215 = arith.index_cast %get3A_1214 : i32 to index
    %get3A_1216 = arith.constant 32 : index
    %get3A_1217 = tpu.vector_load %arg21[%get3A_1215, %get3A_1216] {strides = array<i32>} : memref<8x192xf32, #tpu.memory_space<vmem>>, vector<16xf32>,
    %mul3A_1218 = arith.mulf %gather3A_840, %get3A_1217 : vector<16xf32>
    %add3A_1219 = arith.addf %add3A_1213, %mul3A_1218 : vector<16xf32>
    %get3A_1220 = arith.constant 3 : i32
    %get3A_1221 = arith.index_cast %get3A_1220 : i32 to index
    %get3A_1222 = arith.constant 48 : index
    %get3A_1223 = tpu.vector_load %arg21[%get3A_1221, %get3A_1222] {strides = array<i32>} : memref<8x192xf32, #tpu.memory_space<vmem>>, vector<16xf32>,
    %mul3A_1224 = arith.mulf %gather3A_851, %get3A_1223 : vector<16xf32>
    %add3A_1225 = arith.addf %add3A_1219, %mul3A_1224 : vector<16xf32>
    %get3A_1226 = arith.constant 3 : i32
    %get3A_1227 = arith.index_cast %get3A_1226 : i32 to index
    %get3A_1228 = arith.constant 64 : index
    %get3A_1229 = tpu.vector_load %arg21[%get3A_1227, %get3A_1228] {strides = array<i32>} : memref<8x192xf32, #tpu.memory_space<vmem>>, vector<16xf32>,
    %mul3A_1230 = arith.mulf %gather3A_862, %get3A_1229 : vector<16xf32>
    %add3A_1231 = arith.addf %add3A_1225, %mul3A_1230 : vector<16xf32>
    %get3A_1232 = arith.constant 3 : i32
    %get3A_1233 = arith.index_cast %get3A_1232 : i32 to index
    %get3A_1234 = arith.constant 80 : index
    %get3A_1235 = tpu.vector_load %arg21[%get3A_1233, %get3A_1234] {strides = array<i32>} : memref<8x192xf32, #tpu.memory_space<vmem>>, vector<16xf32>,
    %mul3A_1236 = arith.mulf %gather3A_873, %get3A_1235 : vector<16xf32>
    %add3A_1237 = arith.addf %add3A_1231, %mul3A_1236 : vector<16xf32>
    %get3A_1238 = arith.constant 3 : i32
    %get3A_1239 = arith.index_cast %get3A_1238 : i32 to index
    %get3A_1240 = arith.constant 96 : index
    %get3A_1241 = tpu.vector_load %arg21[%get3A_1239, %get3A_1240] {strides = array<i32>} : memref<8x192xf32, #tpu.memory_space<vmem>>, vector<16xf32>,
    %mul3A_1242 = arith.mulf %gather3A_884, %get3A_1241 : vector<16xf32>
    %add3A_1243 = arith.addf %add3A_1237, %mul3A_1242 : vector<16xf32>
    %get3A_1244 = arith.constant 3 : i32
    %get3A_1245 = arith.index_cast %get3A_1244 : i32 to index
    %get3A_1246 = arith.constant 112 : index
    %get3A_1247 = tpu.vector_load %arg21[%get3A_1245, %get3A_1246] {strides = array<i32>} : memref<8x192xf32, #tpu.memory_space<vmem>>, vector<16xf32>,
    %mul3A_1248 = arith.mulf %gather3A_895, %get3A_1247 : vector<16xf32>
    %add3A_1249 = arith.addf %add3A_1243, %mul3A_1248 : vector<16xf32>
    %get3A_1250 = arith.constant 3 : i32
    %get3A_1251 = arith.index_cast %get3A_1250 : i32 to index
    %get3A_1252 = arith.constant 128 : index
    %get3A_1253 = tpu.vector_load %arg21[%get3A_1251, %get3A_1252] {strides = array<i32>} : memref<8x192xf32, #tpu.memory_space<vmem>>, vector<16xf32>,
    %mul3A_1254 = arith.mulf %gather3A_912, %get3A_1253 : vector<16xf32>
    %add3A_1255 = arith.addf %add3A_1249, %mul3A_1254 : vector<16xf32>
    %get3A_1256 = arith.constant 3 : i32
    %get3A_1257 = arith.index_cast %get3A_1256 : i32 to index
    %get3A_1258 = arith.constant 144 : index
    %get3A_1259 = tpu.vector_load %arg21[%get3A_1257, %get3A_1258] {strides = array<i32>} : memref<8x192xf32, #tpu.memory_space<vmem>>, vector<16xf32>,
    %mul3A_1260 = arith.mulf %gather3A_929, %get3A_1259 : vector<16xf32>
    %add3A_1261 = arith.addf %add3A_1255, %mul3A_1260 : vector<16xf32>
    %get3A_1262 = arith.constant 3 : i32
    %get3A_1263 = arith.index_cast %get3A_1262 : i32 to index
    %get3A_1264 = arith.constant 160 : index
    %get3A_1265 = tpu.vector_load %arg21[%get3A_1263, %get3A_1264] {strides = array<i32>} : memref<8x192xf32, #tpu.memory_space<vmem>>, vector<16xf32>,
    %mul3A_1266 = arith.mulf %gather3A_946, %get3A_1265 : vector<16xf32>
    %add3A_1267 = arith.addf %add3A_1261, %mul3A_1266 : vector<16xf32>
    %get3A_1268 = arith.constant 3 : i32
    %get3A_1269 = arith.index_cast %get3A_1268 : i32 to index
    %get3A_1270 = arith.constant 176 : index
    %get3A_1271 = tpu.vector_load %arg21[%get3A_1269, %get3A_1270] {strides = array<i32>} : memref<8x192xf32, #tpu.memory_space<vmem>>, vector<16xf32>,
    %mul3A_1272 = arith.mulf %gather3A_963, %get3A_1271 : vector<16xf32>
    %add3A_1273 = arith.addf %add3A_1267, %mul3A_1272 : vector<16xf32>
    %eq3A_1274 = arith.constant 3 : i32
    %eq3A_1275 = vector.broadcast %eq3A_1274 : i32 to vector<16xi32>
    %eq3A_1276 = arith.cmpi eq, %iota3A, %eq3A_1275 : vector<16xi32>
    %reduce_sum3A_1277 = arith.constant true
    %reduce_sum3A_1278 = vector.broadcast %reduce_sum3A_1277 : i1 to vector<16xi1>
    %reduce_sum3A_1279 = tpu.scan <sum>, %add3A_1273 masked %reduce_sum3A_1278 : vector<16xf32>, vector<16xi1> -> vector<16xf32>
    %reduce_sum3A_1280 = vector.extract %reduce_sum3A_1279[15] : f32 from vector<16xf32>
    %broadcast_in_dim3A_1281 = vector.broadcast %reduce_sum3A_1280 : f32 to vector<16xf32>
    %select_n3A_1282 = arith.select %eq3A_1276, %broadcast_in_dim3A_1281, %select_n3A_1202 : vector<16xi1>, vector<16xf32>
    %get3A_1283 = arith.constant 4 : i32
    %get3A_1284 = arith.index_cast %get3A_1283 : i32 to index
    %get3A_1285 = arith.constant 0 : index
    %get3A_1286 = tpu.vector_load %arg21[%get3A_1284, %get3A_1285] {strides = array<i32>} : memref<8x192xf32, #tpu.memory_space<vmem>>, vector<16xf32>,
    %mul3A_1287 = arith.mulf %gather3A_818, %get3A_1286 : vector<16xf32>
    %get3A_1288 = arith.constant 4 : i32
    %get3A_1289 = arith.index_cast %get3A_1288 : i32 to index
    %get3A_1290 = arith.constant 16 : index
    %get3A_1291 = tpu.vector_load %arg21[%get3A_1289, %get3A_1290] {strides = array<i32>} : memref<8x192xf32, #tpu.memory_space<vmem>>, vector<16xf32>,
    %mul3A_1292 = arith.mulf %gather3A_829, %get3A_1291 : vector<16xf32>
    %add3A_1293 = arith.addf %mul3A_1287, %mul3A_1292 : vector<16xf32>
    %get3A_1294 = arith.constant 4 : i32
    %get3A_1295 = arith.index_cast %get3A_1294 : i32 to index
    %get3A_1296 = arith.constant 32 : index
    %get3A_1297 = tpu.vector_load %arg21[%get3A_1295, %get3A_1296] {strides = array<i32>} : memref<8x192xf32, #tpu.memory_space<vmem>>, vector<16xf32>,
    %mul3A_1298 = arith.mulf %gather3A_840, %get3A_1297 : vector<16xf32>
    %add3A_1299 = arith.addf %add3A_1293, %mul3A_1298 : vector<16xf32>
    %get3A_1300 = arith.constant 4 : i32
    %get3A_1301 = arith.index_cast %get3A_1300 : i32 to index
    %get3A_1302 = arith.constant 48 : index
    %get3A_1303 = tpu.vector_load %arg21[%get3A_1301, %get3A_1302] {strides = array<i32>} : memref<8x192xf32, #tpu.memory_space<vmem>>, vector<16xf32>,
    %mul3A_1304 = arith.mulf %gather3A_851, %get3A_1303 : vector<16xf32>
    %add3A_1305 = arith.addf %add3A_1299, %mul3A_1304 : vector<16xf32>
    %get3A_1306 = arith.constant 4 : i32
    %get3A_1307 = arith.index_cast %get3A_1306 : i32 to index
    %get3A_1308 = arith.constant 64 : index
    %get3A_1309 = tpu.vector_load %arg21[%get3A_1307, %get3A_1308] {strides = array<i32>} : memref<8x192xf32, #tpu.memory_space<vmem>>, vector<16xf32>,
    %mul3A_1310 = arith.mulf %gather3A_862, %get3A_1309 : vector<16xf32>
    %add3A_1311 = arith.addf %add3A_1305, %mul3A_1310 : vector<16xf32>
    %get3A_1312 = arith.constant 4 : i32
    %get3A_1313 = arith.index_cast %get3A_1312 : i32 to index
    %get3A_1314 = arith.constant 80 : index
    %get3A_1315 = tpu.vector_load %arg21[%get3A_1313, %get3A_1314] {strides = array<i32>} : memref<8x192xf32, #tpu.memory_space<vmem>>, vector<16xf32>,
    %mul3A_1316 = arith.mulf %gather3A_873, %get3A_1315 : vector<16xf32>
    %add3A_1317 = arith.addf %add3A_1311, %mul3A_1316 : vector<16xf32>
    %get3A_1318 = arith.constant 4 : i32
    %get3A_1319 = arith.index_cast %get3A_1318 : i32 to index
    %get3A_1320 = arith.constant 96 : index
    %get3A_1321 = tpu.vector_load %arg21[%get3A_1319, %get3A_1320] {strides = array<i32>} : memref<8x192xf32, #tpu.memory_space<vmem>>, vector<16xf32>,
    %mul3A_1322 = arith.mulf %gather3A_884, %get3A_1321 : vector<16xf32>
    %add3A_1323 = arith.addf %add3A_1317, %mul3A_1322 : vector<16xf32>
    %get3A_1324 = arith.constant 4 : i32
    %get3A_1325 = arith.index_cast %get3A_1324 : i32 to index
    %get3A_1326 = arith.constant 112 : index
    %get3A_1327 = tpu.vector_load %arg21[%get3A_1325, %get3A_1326] {strides = array<i32>} : memref<8x192xf32, #tpu.memory_space<vmem>>, vector<16xf32>,
    %mul3A_1328 = arith.mulf %gather3A_895, %get3A_1327 : vector<16xf32>
    %add3A_1329 = arith.addf %add3A_1323, %mul3A_1328 : vector<16xf32>
    %get3A_1330 = arith.constant 4 : i32
    %get3A_1331 = arith.index_cast %get3A_1330 : i32 to index
    %get3A_1332 = arith.constant 128 : index
    %get3A_1333 = tpu.vector_load %arg21[%get3A_1331, %get3A_1332] {strides = array<i32>} : memref<8x192xf32, #tpu.memory_space<vmem>>, vector<16xf32>,
    %mul3A_1334 = arith.mulf %gather3A_912, %get3A_1333 : vector<16xf32>
    %add3A_1335 = arith.addf %add3A_1329, %mul3A_1334 : vector<16xf32>
    %get3A_1336 = arith.constant 4 : i32
    %get3A_1337 = arith.index_cast %get3A_1336 : i32 to index
    %get3A_1338 = arith.constant 144 : index
    %get3A_1339 = tpu.vector_load %arg21[%get3A_1337, %get3A_1338] {strides = array<i32>} : memref<8x192xf32, #tpu.memory_space<vmem>>, vector<16xf32>,
    %mul3A_1340 = arith.mulf %gather3A_929, %get3A_1339 : vector<16xf32>
    %add3A_1341 = arith.addf %add3A_1335, %mul3A_1340 : vector<16xf32>
    %get3A_1342 = arith.constant 4 : i32
    %get3A_1343 = arith.index_cast %get3A_1342 : i32 to index
    %get3A_1344 = arith.constant 160 : index
    %get3A_1345 = tpu.vector_load %arg21[%get3A_1343, %get3A_1344] {strides = array<i32>} : memref<8x192xf32, #tpu.memory_space<vmem>>, vector<16xf32>,
    %mul3A_1346 = arith.mulf %gather3A_946, %get3A_1345 : vector<16xf32>
    %add3A_1347 = arith.addf %add3A_1341, %mul3A_1346 : vector<16xf32>
    %get3A_1348 = arith.constant 4 : i32
    %get3A_1349 = arith.index_cast %get3A_1348 : i32 to index
    %get3A_1350 = arith.constant 176 : index
    %get3A_1351 = tpu.vector_load %arg21[%get3A_1349, %get3A_1350] {strides = array<i32>} : memref<8x192xf32, #tpu.memory_space<vmem>>, vector<16xf32>,
    %mul3A_1352 = arith.mulf %gather3A_963, %get3A_1351 : vector<16xf32>
    %add3A_1353 = arith.addf %add3A_1347, %mul3A_1352 : vector<16xf32>
    %eq3A_1354 = arith.constant 4 : i32
    %eq3A_1355 = vector.broadcast %eq3A_1354 : i32 to vector<16xi32>
    %eq3A_1356 = arith.cmpi eq, %iota3A, %eq3A_1355 : vector<16xi32>
    %reduce_sum3A_1357 = arith.constant true
    %reduce_sum3A_1358 = vector.broadcast %reduce_sum3A_1357 : i1 to vector<16xi1>
    %reduce_sum3A_1359 = tpu.scan <sum>, %add3A_1353 masked %reduce_sum3A_1358 : vector<16xf32>, vector<16xi1> -> vector<16xf32>
    %reduce_sum3A_1360 = vector.extract %reduce_sum3A_1359[15] : f32 from vector<16xf32>
    %broadcast_in_dim3A_1361 = vector.broadcast %reduce_sum3A_1360 : f32 to vector<16xf32>
    %select_n3A_1362 = arith.select %eq3A_1356, %broadcast_in_dim3A_1361, %select_n3A_1282 : vector<16xi1>, vector<16xf32>
    %get3A_1363 = arith.constant 5 : i32
    %get3A_1364 = arith.index_cast %get3A_1363 : i32 to index
    %get3A_1365 = arith.constant 0 : index
    %get3A_1366 = tpu.vector_load %arg21[%get3A_1364, %get3A_1365] {strides = array<i32>} : memref<8x192xf32, #tpu.memory_space<vmem>>, vector<16xf32>,
    %mul3A_1367 = arith.mulf %gather3A_818, %get3A_1366 : vector<16xf32>
    %get3A_1368 = arith.constant 5 : i32
    %get3A_1369 = arith.index_cast %get3A_1368 : i32 to index
    %get3A_1370 = arith.constant 16 : index
    %get3A_1371 = tpu.vector_load %arg21[%get3A_1369, %get3A_1370] {strides = array<i32>} : memref<8x192xf32, #tpu.memory_space<vmem>>, vector<16xf32>,
    %mul3A_1372 = arith.mulf %gather3A_829, %get3A_1371 : vector<16xf32>
    %add3A_1373 = arith.addf %mul3A_1367, %mul3A_1372 : vector<16xf32>
    %get3A_1374 = arith.constant 5 : i32
    %get3A_1375 = arith.index_cast %get3A_1374 : i32 to index
    %get3A_1376 = arith.constant 32 : index
    %get3A_1377 = tpu.vector_load %arg21[%get3A_1375, %get3A_1376] {strides = array<i32>} : memref<8x192xf32, #tpu.memory_space<vmem>>, vector<16xf32>,
    %mul3A_1378 = arith.mulf %gather3A_840, %get3A_1377 : vector<16xf32>
    %add3A_1379 = arith.addf %add3A_1373, %mul3A_1378 : vector<16xf32>
    %get3A_1380 = arith.constant 5 : i32
    %get3A_1381 = arith.index_cast %get3A_1380 : i32 to index
    %get3A_1382 = arith.constant 48 : index
    %get3A_1383 = tpu.vector_load %arg21[%get3A_1381, %get3A_1382] {strides = array<i32>} : memref<8x192xf32, #tpu.memory_space<vmem>>, vector<16xf32>,
    %mul3A_1384 = arith.mulf %gather3A_851, %get3A_1383 : vector<16xf32>
    %add3A_1385 = arith.addf %add3A_1379, %mul3A_1384 : vector<16xf32>
    %get3A_1386 = arith.constant 5 : i32
    %get3A_1387 = arith.index_cast %get3A_1386 : i32 to index
    %get3A_1388 = arith.constant 64 : index
    %get3A_1389 = tpu.vector_load %arg21[%get3A_1387, %get3A_1388] {strides = array<i32>} : memref<8x192xf32, #tpu.memory_space<vmem>>, vector<16xf32>,
    %mul3A_1390 = arith.mulf %gather3A_862, %get3A_1389 : vector<16xf32>
    %add3A_1391 = arith.addf %add3A_1385, %mul3A_1390 : vector<16xf32>
    %get3A_1392 = arith.constant 5 : i32
    %get3A_1393 = arith.index_cast %get3A_1392 : i32 to index
    %get3A_1394 = arith.constant 80 : index
    %get3A_1395 = tpu.vector_load %arg21[%get3A_1393, %get3A_1394] {strides = array<i32>} : memref<8x192xf32, #tpu.memory_space<vmem>>, vector<16xf32>,
    %mul3A_1396 = arith.mulf %gather3A_873, %get3A_1395 : vector<16xf32>
    %add3A_1397 = arith.addf %add3A_1391, %mul3A_1396 : vector<16xf32>
    %get3A_1398 = arith.constant 5 : i32
    %get3A_1399 = arith.index_cast %get3A_1398 : i32 to index
    %get3A_1400 = arith.constant 96 : index
    %get3A_1401 = tpu.vector_load %arg21[%get3A_1399, %get3A_1400] {strides = array<i32>} : memref<8x192xf32, #tpu.memory_space<vmem>>, vector<16xf32>,
    %mul3A_1402 = arith.mulf %gather3A_884, %get3A_1401 : vector<16xf32>
    %add3A_1403 = arith.addf %add3A_1397, %mul3A_1402 : vector<16xf32>
    %get3A_1404 = arith.constant 5 : i32
    %get3A_1405 = arith.index_cast %get3A_1404 : i32 to index
    %get3A_1406 = arith.constant 112 : index
    %get3A_1407 = tpu.vector_load %arg21[%get3A_1405, %get3A_1406] {strides = array<i32>} : memref<8x192xf32, #tpu.memory_space<vmem>>, vector<16xf32>,
    %mul3A_1408 = arith.mulf %gather3A_895, %get3A_1407 : vector<16xf32>
    %add3A_1409 = arith.addf %add3A_1403, %mul3A_1408 : vector<16xf32>
    %get3A_1410 = arith.constant 5 : i32
    %get3A_1411 = arith.index_cast %get3A_1410 : i32 to index
    %get3A_1412 = arith.constant 128 : index
    %get3A_1413 = tpu.vector_load %arg21[%get3A_1411, %get3A_1412] {strides = array<i32>} : memref<8x192xf32, #tpu.memory_space<vmem>>, vector<16xf32>,
    %mul3A_1414 = arith.mulf %gather3A_912, %get3A_1413 : vector<16xf32>
    %add3A_1415 = arith.addf %add3A_1409, %mul3A_1414 : vector<16xf32>
    %get3A_1416 = arith.constant 5 : i32
    %get3A_1417 = arith.index_cast %get3A_1416 : i32 to index
    %get3A_1418 = arith.constant 144 : index
    %get3A_1419 = tpu.vector_load %arg21[%get3A_1417, %get3A_1418] {strides = array<i32>} : memref<8x192xf32, #tpu.memory_space<vmem>>, vector<16xf32>,
    %mul3A_1420 = arith.mulf %gather3A_929, %get3A_1419 : vector<16xf32>
    %add3A_1421 = arith.addf %add3A_1415, %mul3A_1420 : vector<16xf32>
    %get3A_1422 = arith.constant 5 : i32
    %get3A_1423 = arith.index_cast %get3A_1422 : i32 to index
    %get3A_1424 = arith.constant 160 : index
    %get3A_1425 = tpu.vector_load %arg21[%get3A_1423, %get3A_1424] {strides = array<i32>} : memref<8x192xf32, #tpu.memory_space<vmem>>, vector<16xf32>,
    %mul3A_1426 = arith.mulf %gather3A_946, %get3A_1425 : vector<16xf32>
    %add3A_1427 = arith.addf %add3A_1421, %mul3A_1426 : vector<16xf32>
    %get3A_1428 = arith.constant 5 : i32
    %get3A_1429 = arith.index_cast %get3A_1428 : i32 to index
    %get3A_1430 = arith.constant 176 : index
    %get3A_1431 = tpu.vector_load %arg21[%get3A_1429, %get3A_1430] {strides = array<i32>} : memref<8x192xf32, #tpu.memory_space<vmem>>, vector<16xf32>,
    %mul3A_1432 = arith.mulf %gather3A_963, %get3A_1431 : vector<16xf32>
    %add3A_1433 = arith.addf %add3A_1427, %mul3A_1432 : vector<16xf32>
    %eq3A_1434 = arith.constant 5 : i32
    %eq3A_1435 = vector.broadcast %eq3A_1434 : i32 to vector<16xi32>
    %eq3A_1436 = arith.cmpi eq, %iota3A, %eq3A_1435 : vector<16xi32>
    %reduce_sum3A_1437 = arith.constant true
    %reduce_sum3A_1438 = vector.broadcast %reduce_sum3A_1437 : i1 to vector<16xi1>
    %reduce_sum3A_1439 = tpu.scan <sum>, %add3A_1433 masked %reduce_sum3A_1438 : vector<16xf32>, vector<16xi1> -> vector<16xf32>
    %reduce_sum3A_1440 = vector.extract %reduce_sum3A_1439[15] : f32 from vector<16xf32>
    %broadcast_in_dim3A_1441 = vector.broadcast %reduce_sum3A_1440 : f32 to vector<16xf32>
    %select_n3A_1442 = arith.select %eq3A_1436, %broadcast_in_dim3A_1441, %select_n3A_1362 : vector<16xi1>, vector<16xf32>
    %get3A_1443 = arith.constant 6 : i32
    %get3A_1444 = arith.index_cast %get3A_1443 : i32 to index
    %get3A_1445 = arith.constant 0 : index
    %get3A_1446 = tpu.vector_load %arg21[%get3A_1444, %get3A_1445] {strides = array<i32>} : memref<8x192xf32, #tpu.memory_space<vmem>>, vector<16xf32>,
    %mul3A_1447 = arith.mulf %gather3A_818, %get3A_1446 : vector<16xf32>
    %get3A_1448 = arith.constant 6 : i32
    %get3A_1449 = arith.index_cast %get3A_1448 : i32 to index
    %get3A_1450 = arith.constant 16 : index
    %get3A_1451 = tpu.vector_load %arg21[%get3A_1449, %get3A_1450] {strides = array<i32>} : memref<8x192xf32, #tpu.memory_space<vmem>>, vector<16xf32>,
    %mul3A_1452 = arith.mulf %gather3A_829, %get3A_1451 : vector<16xf32>
    %add3A_1453 = arith.addf %mul3A_1447, %mul3A_1452 : vector<16xf32>
    %get3A_1454 = arith.constant 6 : i32
    %get3A_1455 = arith.index_cast %get3A_1454 : i32 to index
    %get3A_1456 = arith.constant 32 : index
    %get3A_1457 = tpu.vector_load %arg21[%get3A_1455, %get3A_1456] {strides = array<i32>} : memref<8x192xf32, #tpu.memory_space<vmem>>, vector<16xf32>,
    %mul3A_1458 = arith.mulf %gather3A_840, %get3A_1457 : vector<16xf32>
    %add3A_1459 = arith.addf %add3A_1453, %mul3A_1458 : vector<16xf32>
    %get3A_1460 = arith.constant 6 : i32
    %get3A_1461 = arith.index_cast %get3A_1460 : i32 to index
    %get3A_1462 = arith.constant 48 : index
    %get3A_1463 = tpu.vector_load %arg21[%get3A_1461, %get3A_1462] {strides = array<i32>} : memref<8x192xf32, #tpu.memory_space<vmem>>, vector<16xf32>,
    %mul3A_1464 = arith.mulf %gather3A_851, %get3A_1463 : vector<16xf32>
    %add3A_1465 = arith.addf %add3A_1459, %mul3A_1464 : vector<16xf32>
    %get3A_1466 = arith.constant 6 : i32
    %get3A_1467 = arith.index_cast %get3A_1466 : i32 to index
    %get3A_1468 = arith.constant 64 : index
    %get3A_1469 = tpu.vector_load %arg21[%get3A_1467, %get3A_1468] {strides = array<i32>} : memref<8x192xf32, #tpu.memory_space<vmem>>, vector<16xf32>,
    %mul3A_1470 = arith.mulf %gather3A_862, %get3A_1469 : vector<16xf32>
    %add3A_1471 = arith.addf %add3A_1465, %mul3A_1470 : vector<16xf32>
    %get3A_1472 = arith.constant 6 : i32
    %get3A_1473 = arith.index_cast %get3A_1472 : i32 to index
    %get3A_1474 = arith.constant 80 : index
    %get3A_1475 = tpu.vector_load %arg21[%get3A_1473, %get3A_1474] {strides = array<i32>} : memref<8x192xf32, #tpu.memory_space<vmem>>, vector<16xf32>,
    %mul3A_1476 = arith.mulf %gather3A_873, %get3A_1475 : vector<16xf32>
    %add3A_1477 = arith.addf %add3A_1471, %mul3A_1476 : vector<16xf32>
    %get3A_1478 = arith.constant 6 : i32
    %get3A_1479 = arith.index_cast %get3A_1478 : i32 to index
    %get3A_1480 = arith.constant 96 : index
    %get3A_1481 = tpu.vector_load %arg21[%get3A_1479, %get3A_1480] {strides = array<i32>} : memref<8x192xf32, #tpu.memory_space<vmem>>, vector<16xf32>,
    %mul3A_1482 = arith.mulf %gather3A_884, %get3A_1481 : vector<16xf32>
    %add3A_1483 = arith.addf %add3A_1477, %mul3A_1482 : vector<16xf32>
    %get3A_1484 = arith.constant 6 : i32
    %get3A_1485 = arith.index_cast %get3A_1484 : i32 to index
    %get3A_1486 = arith.constant 112 : index
    %get3A_1487 = tpu.vector_load %arg21[%get3A_1485, %get3A_1486] {strides = array<i32>} : memref<8x192xf32, #tpu.memory_space<vmem>>, vector<16xf32>,
    %mul3A_1488 = arith.mulf %gather3A_895, %get3A_1487 : vector<16xf32>
    %add3A_1489 = arith.addf %add3A_1483, %mul3A_1488 : vector<16xf32>
    %get3A_1490 = arith.constant 6 : i32
    %get3A_1491 = arith.index_cast %get3A_1490 : i32 to index
    %get3A_1492 = arith.constant 128 : index
    %get3A_1493 = tpu.vector_load %arg21[%get3A_1491, %get3A_1492] {strides = array<i32>} : memref<8x192xf32, #tpu.memory_space<vmem>>, vector<16xf32>,
    %mul3A_1494 = arith.mulf %gather3A_912, %get3A_1493 : vector<16xf32>
    %add3A_1495 = arith.addf %add3A_1489, %mul3A_1494 : vector<16xf32>
    %get3A_1496 = arith.constant 6 : i32
    %get3A_1497 = arith.index_cast %get3A_1496 : i32 to index
    %get3A_1498 = arith.constant 144 : index
    %get3A_1499 = tpu.vector_load %arg21[%get3A_1497, %get3A_1498] {strides = array<i32>} : memref<8x192xf32, #tpu.memory_space<vmem>>, vector<16xf32>,
    %mul3A_1500 = arith.mulf %gather3A_929, %get3A_1499 : vector<16xf32>
    %add3A_1501 = arith.addf %add3A_1495, %mul3A_1500 : vector<16xf32>
    %get3A_1502 = arith.constant 6 : i32
    %get3A_1503 = arith.index_cast %get3A_1502 : i32 to index
    %get3A_1504 = arith.constant 160 : index
    %get3A_1505 = tpu.vector_load %arg21[%get3A_1503, %get3A_1504] {strides = array<i32>} : memref<8x192xf32, #tpu.memory_space<vmem>>, vector<16xf32>,
    %mul3A_1506 = arith.mulf %gather3A_946, %get3A_1505 : vector<16xf32>
    %add3A_1507 = arith.addf %add3A_1501, %mul3A_1506 : vector<16xf32>
    %get3A_1508 = arith.constant 6 : i32
    %get3A_1509 = arith.index_cast %get3A_1508 : i32 to index
    %get3A_1510 = arith.constant 176 : index
    %get3A_1511 = tpu.vector_load %arg21[%get3A_1509, %get3A_1510] {strides = array<i32>} : memref<8x192xf32, #tpu.memory_space<vmem>>, vector<16xf32>,
    %mul3A_1512 = arith.mulf %gather3A_963, %get3A_1511 : vector<16xf32>
    %add3A_1513 = arith.addf %add3A_1507, %mul3A_1512 : vector<16xf32>
    %eq3A_1514 = arith.constant 6 : i32
    %eq3A_1515 = vector.broadcast %eq3A_1514 : i32 to vector<16xi32>
    %eq3A_1516 = arith.cmpi eq, %iota3A, %eq3A_1515 : vector<16xi32>
    %reduce_sum3A_1517 = arith.constant true
    %reduce_sum3A_1518 = vector.broadcast %reduce_sum3A_1517 : i1 to vector<16xi1>
    %reduce_sum3A_1519 = tpu.scan <sum>, %add3A_1513 masked %reduce_sum3A_1518 : vector<16xf32>, vector<16xi1> -> vector<16xf32>
    %reduce_sum3A_1520 = vector.extract %reduce_sum3A_1519[15] : f32 from vector<16xf32>
    %broadcast_in_dim3A_1521 = vector.broadcast %reduce_sum3A_1520 : f32 to vector<16xf32>
    %select_n3A_1522 = arith.select %eq3A_1516, %broadcast_in_dim3A_1521, %select_n3A_1442 : vector<16xi1>, vector<16xf32>
    %get3A_1523 = arith.constant 7 : i32
    %get3A_1524 = arith.index_cast %get3A_1523 : i32 to index
    %get3A_1525 = arith.constant 0 : index
    %get3A_1526 = tpu.vector_load %arg21[%get3A_1524, %get3A_1525] {strides = array<i32>} : memref<8x192xf32, #tpu.memory_space<vmem>>, vector<16xf32>,
    %mul3A_1527 = arith.mulf %gather3A_818, %get3A_1526 : vector<16xf32>
    %get3A_1528 = arith.constant 7 : i32
    %get3A_1529 = arith.index_cast %get3A_1528 : i32 to index
    %get3A_1530 = arith.constant 16 : index
    %get3A_1531 = tpu.vector_load %arg21[%get3A_1529, %get3A_1530] {strides = array<i32>} : memref<8x192xf32, #tpu.memory_space<vmem>>, vector<16xf32>,
    %mul3A_1532 = arith.mulf %gather3A_829, %get3A_1531 : vector<16xf32>
    %add3A_1533 = arith.addf %mul3A_1527, %mul3A_1532 : vector<16xf32>
    %get3A_1534 = arith.constant 7 : i32
    %get3A_1535 = arith.index_cast %get3A_1534 : i32 to index
    %get3A_1536 = arith.constant 32 : index
    %get3A_1537 = tpu.vector_load %arg21[%get3A_1535, %get3A_1536] {strides = array<i32>} : memref<8x192xf32, #tpu.memory_space<vmem>>, vector<16xf32>,
    %mul3A_1538 = arith.mulf %gather3A_840, %get3A_1537 : vector<16xf32>
    %add3A_1539 = arith.addf %add3A_1533, %mul3A_1538 : vector<16xf32>
    %get3A_1540 = arith.constant 7 : i32
    %get3A_1541 = arith.index_cast %get3A_1540 : i32 to index
    %get3A_1542 = arith.constant 48 : index
    %get3A_1543 = tpu.vector_load %arg21[%get3A_1541, %get3A_1542] {strides = array<i32>} : memref<8x192xf32, #tpu.memory_space<vmem>>, vector<16xf32>,
    %mul3A_1544 = arith.mulf %gather3A_851, %get3A_1543 : vector<16xf32>
    %add3A_1545 = arith.addf %add3A_1539, %mul3A_1544 : vector<16xf32>
    %get3A_1546 = arith.constant 7 : i32
    %get3A_1547 = arith.index_cast %get3A_1546 : i32 to index
    %get3A_1548 = arith.constant 64 : index
    %get3A_1549 = tpu.vector_load %arg21[%get3A_1547, %get3A_1548] {strides = array<i32>} : memref<8x192xf32, #tpu.memory_space<vmem>>, vector<16xf32>,
    %mul3A_1550 = arith.mulf %gather3A_862, %get3A_1549 : vector<16xf32>
    %add3A_1551 = arith.addf %add3A_1545, %mul3A_1550 : vector<16xf32>
    %get3A_1552 = arith.constant 7 : i32
    %get3A_1553 = arith.index_cast %get3A_1552 : i32 to index
    %get3A_1554 = arith.constant 80 : index
    %get3A_1555 = tpu.vector_load %arg21[%get3A_1553, %get3A_1554] {strides = array<i32>} : memref<8x192xf32, #tpu.memory_space<vmem>>, vector<16xf32>,
    %mul3A_1556 = arith.mulf %gather3A_873, %get3A_1555 : vector<16xf32>
    %add3A_1557 = arith.addf %add3A_1551, %mul3A_1556 : vector<16xf32>
    %get3A_1558 = arith.constant 7 : i32
    %get3A_1559 = arith.index_cast %get3A_1558 : i32 to index
    %get3A_1560 = arith.constant 96 : index
    %get3A_1561 = tpu.vector_load %arg21[%get3A_1559, %get3A_1560] {strides = array<i32>} : memref<8x192xf32, #tpu.memory_space<vmem>>, vector<16xf32>,
    %mul3A_1562 = arith.mulf %gather3A_884, %get3A_1561 : vector<16xf32>
    %add3A_1563 = arith.addf %add3A_1557, %mul3A_1562 : vector<16xf32>
    %get3A_1564 = arith.constant 7 : i32
    %get3A_1565 = arith.index_cast %get3A_1564 : i32 to index
    %get3A_1566 = arith.constant 112 : index
    %get3A_1567 = tpu.vector_load %arg21[%get3A_1565, %get3A_1566] {strides = array<i32>} : memref<8x192xf32, #tpu.memory_space<vmem>>, vector<16xf32>,
    %mul3A_1568 = arith.mulf %gather3A_895, %get3A_1567 : vector<16xf32>
    %add3A_1569 = arith.addf %add3A_1563, %mul3A_1568 : vector<16xf32>
    %get3A_1570 = arith.constant 7 : i32
    %get3A_1571 = arith.index_cast %get3A_1570 : i32 to index
    %get3A_1572 = arith.constant 128 : index
    %get3A_1573 = tpu.vector_load %arg21[%get3A_1571, %get3A_1572] {strides = array<i32>} : memref<8x192xf32, #tpu.memory_space<vmem>>, vector<16xf32>,
    %mul3A_1574 = arith.mulf %gather3A_912, %get3A_1573 : vector<16xf32>
    %add3A_1575 = arith.addf %add3A_1569, %mul3A_1574 : vector<16xf32>
    %get3A_1576 = arith.constant 7 : i32
    %get3A_1577 = arith.index_cast %get3A_1576 : i32 to index
    %get3A_1578 = arith.constant 144 : index
    %get3A_1579 = tpu.vector_load %arg21[%get3A_1577, %get3A_1578] {strides = array<i32>} : memref<8x192xf32, #tpu.memory_space<vmem>>, vector<16xf32>,
    %mul3A_1580 = arith.mulf %gather3A_929, %get3A_1579 : vector<16xf32>
    %add3A_1581 = arith.addf %add3A_1575, %mul3A_1580 : vector<16xf32>
    %get3A_1582 = arith.constant 7 : i32
    %get3A_1583 = arith.index_cast %get3A_1582 : i32 to index
    %get3A_1584 = arith.constant 160 : index
    %get3A_1585 = tpu.vector_load %arg21[%get3A_1583, %get3A_1584] {strides = array<i32>} : memref<8x192xf32, #tpu.memory_space<vmem>>, vector<16xf32>,
    %mul3A_1586 = arith.mulf %gather3A_946, %get3A_1585 : vector<16xf32>
    %add3A_1587 = arith.addf %add3A_1581, %mul3A_1586 : vector<16xf32>
    %get3A_1588 = arith.constant 7 : i32
    %get3A_1589 = arith.index_cast %get3A_1588 : i32 to index
    %get3A_1590 = arith.constant 176 : index
    %get3A_1591 = tpu.vector_load %arg21[%get3A_1589, %get3A_1590] {strides = array<i32>} : memref<8x192xf32, #tpu.memory_space<vmem>>, vector<16xf32>,
    %mul3A_1592 = arith.mulf %gather3A_963, %get3A_1591 : vector<16xf32>
    %add3A_1593 = arith.addf %add3A_1587, %mul3A_1592 : vector<16xf32>
    %eq3A_1594 = arith.constant 7 : i32
    %eq3A_1595 = vector.broadcast %eq3A_1594 : i32 to vector<16xi32>
    %eq3A_1596 = arith.cmpi eq, %iota3A, %eq3A_1595 : vector<16xi32>
    %reduce_sum3A_1597 = arith.constant true
    %reduce_sum3A_1598 = vector.broadcast %reduce_sum3A_1597 : i1 to vector<16xi1>
    %reduce_sum3A_1599 = tpu.scan <sum>, %add3A_1593 masked %reduce_sum3A_1598 : vector<16xf32>, vector<16xi1> -> vector<16xf32>
    %reduce_sum3A_1600 = vector.extract %reduce_sum3A_1599[15] : f32 from vector<16xf32>
    %broadcast_in_dim3A_1601 = vector.broadcast %reduce_sum3A_1600 : f32 to vector<16xf32>
    %select_n3A_1602 = arith.select %eq3A_1596, %broadcast_in_dim3A_1601, %select_n3A_1522 : vector<16xi1>, vector<16xf32>
    %get3A_1603 = arith.constant 0 : index
    %get3A_1604 = tpu.vector_load %arg25[%get3A_1603] {strides = array<i32>} : memref<16xf32, #tpu.memory_space<vmem>>, vector<16xf32>,
    %add3A_1605 = arith.addf %select_n3A_1602, %get3A_1604 : vector<16xf32>
    %swap3A_1606 = arith.constant 0 : index
    %swap3A_1607 = tpu.vector_load %arg27[%swap3A_1606] {strides = array<i32>} : memref<16xf32, #tpu.memory_space<vmem>>, vector<16xf32>,
    tpu.vector_store %arg27[%swap3A_1606], %add3A_1605 {strides = array<i32>} : memref<16xf32, #tpu.memory_space<vmem>>, vector<16xf32>,
    %mul3A_1608 = arith.constant 8 : i32
    %mul3A_1609 = arith.muli %arg1, %mul3A_1608 : i32
    "tpu.region"() ({
      %run_scoped3A = tpu.sem_alloc : memref<!tpu.dma_semaphore, #tpu.memory_space<semaphore_mem>>
      %dma_start3A_1616 = arith.constant 0 : i32
      %dma_start3A_1617 = tpu.memref_slice %arg27[%dma_start3A_1616] : memref<16xf32, #tpu.memory_space<vmem>> -> memref<8xf32, #tpu.memory_space<vmem>>
      %dma_start3A_1618 = tpu.memref_slice %arg31[%mul3A_1609] : memref<128xf32, #tpu.memory_space<vmem_shared>> -> memref<8xf32, #tpu.memory_space<vmem_shared>>
      %dma_start3A_1619 = tpu.memref_slice %arg31[%mul3A_1609] : memref<128xf32, #tpu.memory_space<vmem_shared>> -> memref<8xf32, #tpu.memory_space<vmem_shared>>
      %dma_start3A_1620 = arith.constant 0 : i32
      %dma_start3A_1621 = tpu.memref_slice %arg27[%dma_start3A_1620] : memref<16xf32, #tpu.memory_space<vmem>> -> memref<8xf32, #tpu.memory_space<vmem>>
      tpu.enqueue_dma source(%dma_start3A_1621 : memref<8xf32, #tpu.memory_space<vmem>>) target(%dma_start3A_1619 : memref<8xf32, #tpu.memory_space<vmem_shared>>) target_semaphore(%run_scoped3A : memref<!tpu.dma_semaphore, #tpu.memory_space<semaphore_mem>>)
      %dma_wait3A_1622 = arith.constant 0 : i32
      %dma_wait3A_1623 = tpu.memref_slice %arg27[%dma_wait3A_1622] : memref<16xf32, #tpu.memory_space<vmem>> -> memref<8xf32, #tpu.memory_space<vmem>>
      %dma_wait3A_1624 = tpu.memref_slice %arg31[%mul3A_1609] : memref<128xf32, #tpu.memory_space<vmem_shared>> -> memref<8xf32, #tpu.memory_space<vmem_shared>>
      %dma_wait3A_1625 = tpu.memref_slice %arg31[%mul3A_1609] : memref<128xf32, #tpu.memory_space<vmem_shared>> -> memref<8xf32, #tpu.memory_space<vmem_shared>>
      %dma_wait3A_1626 = arith.constant 0 : i32
      %dma_wait3A_1627 = tpu.memref_slice %arg27[%dma_wait3A_1626] : memref<16xf32, #tpu.memory_space<vmem>> -> memref<8xf32, #tpu.memory_space<vmem>>
      tpu.wait_dma2 semaphore(%run_scoped3A : memref<!tpu.dma_semaphore, #tpu.memory_space<semaphore_mem>>) src(%dma_wait3A_1627 : memref<8xf32, #tpu.memory_space<vmem>>) dst(%dma_wait3A_1625 : memref<8xf32, #tpu.memory_space<vmem_shared>>)
      tpu.yield
    }) : () -> ()
    %barrier3A_1610 = arith.constant 0 : index
    tpu.barrier barrier_id(%barrier3A_1610)
    %eq3A_1611 = arith.constant 15 : i32
    %eq3A_1612 = arith.cmpi eq, %arg1, %eq3A_1611 : i32
    %convert_element_type3A_1613 = arith.extui %eq3A_1612 : i1 to i32
    %cond3A_1614 = arith.constant 0 : i32
    %cond3A_1615 = arith.cmpi ne, %convert_element_type3A_1613, %cond3A_1614 : i32
    scf.if %cond3A_1615 {
      "tpu.region"() ({
        %run_scoped3A = tpu.sem_alloc : memref<!tpu.dma_semaphore, #tpu.memory_space<semaphore_mem>>
        tpu.enqueue_dma source(%arg31 : memref<128xf32, #tpu.memory_space<vmem_shared>>) target(%arg22 : memref<128xf32, #tpu.memory_space<vmem>>) target_semaphore(%run_scoped3A : memref<!tpu.dma_semaphore, #tpu.memory_space<semaphore_mem>>)
        tpu.wait_dma2 semaphore(%run_scoped3A : memref<!tpu.dma_semaphore, #tpu.memory_space<semaphore_mem>>) src(%arg31 : memref<128xf32, #tpu.memory_space<vmem_shared>>) dst(%arg22 : memref<128xf32, #tpu.memory_space<vmem>>)
        tpu.yield
      }) : () -> ()
      %get3A_1616 = arith.constant 0 : index
      %get3A_1617 = tpu.vector_load %arg22[%get3A_1616] {strides = array<i32>} : memref<128xf32, #tpu.memory_space<vmem>>, vector<16xf32>,
      %get3A_1618 = arith.constant 16 : index
      %get3A_1619 = tpu.vector_load %arg22[%get3A_1618] {strides = array<i32>} : memref<128xf32, #tpu.memory_space<vmem>>, vector<16xf32>,
      %get3A_1620 = arith.constant 32 : index
      %get3A_1621 = tpu.vector_load %arg22[%get3A_1620] {strides = array<i32>} : memref<128xf32, #tpu.memory_space<vmem>>, vector<16xf32>,
      %get3A_1622 = arith.constant 48 : index
      %get3A_1623 = tpu.vector_load %arg22[%get3A_1622] {strides = array<i32>} : memref<128xf32, #tpu.memory_space<vmem>>, vector<16xf32>,
      %get3A_1624 = arith.constant 64 : index
      %get3A_1625 = tpu.vector_load %arg22[%get3A_1624] {strides = array<i32>} : memref<128xf32, #tpu.memory_space<vmem>>, vector<16xf32>,
      %get3A_1626 = arith.constant 80 : index
      %get3A_1627 = tpu.vector_load %arg22[%get3A_1626] {strides = array<i32>} : memref<128xf32, #tpu.memory_space<vmem>>, vector<16xf32>,
      %get3A_1628 = arith.constant 96 : index
      %get3A_1629 = tpu.vector_load %arg22[%get3A_1628] {strides = array<i32>} : memref<128xf32, #tpu.memory_space<vmem>>, vector<16xf32>,
      %get3A_1630 = arith.constant 112 : index
      %get3A_1631 = tpu.vector_load %arg22[%get3A_1630] {strides = array<i32>} : memref<128xf32, #tpu.memory_space<vmem>>, vector<16xf32>,
      %get3A_1632 = arith.constant 0 : i32
      %get3A_1633 = arith.index_cast %get3A_1632 : i32 to index
      %get3A_1634 = arith.constant 0 : index
      %get3A_1635 = tpu.vector_load %arg23[%get3A_1633, %get3A_1634] {strides = array<i32>} : memref<2x128xf32, #tpu.memory_space<vmem>>, vector<16xf32>,
      %mul3A_1636 = arith.mulf %get3A_1617, %get3A_1635 : vector<16xf32>
      %get3A_1637 = arith.constant 0 : i32
      %get3A_1638 = arith.index_cast %get3A_1637 : i32 to index
      %get3A_1639 = arith.constant 16 : index
      %get3A_1640 = tpu.vector_load %arg23[%get3A_1638, %get3A_1639] {strides = array<i32>} : memref<2x128xf32, #tpu.memory_space<vmem>>, vector<16xf32>,
      %mul3A_1641 = arith.mulf %get3A_1619, %get3A_1640 : vector<16xf32>
      %add3A_1642 = arith.addf %mul3A_1636, %mul3A_1641 : vector<16xf32>
      %get3A_1643 = arith.constant 0 : i32
      %get3A_1644 = arith.index_cast %get3A_1643 : i32 to index
      %get3A_1645 = arith.constant 32 : index
      %get3A_1646 = tpu.vector_load %arg23[%get3A_1644, %get3A_1645] {strides = array<i32>} : memref<2x128xf32, #tpu.memory_space<vmem>>, vector<16xf32>,
      %mul3A_1647 = arith.mulf %get3A_1621, %get3A_1646 : vector<16xf32>
      %add3A_1648 = arith.addf %add3A_1642, %mul3A_1647 : vector<16xf32>
      %get3A_1649 = arith.constant 0 : i32
      %get3A_1650 = arith.index_cast %get3A_1649 : i32 to index
      %get3A_1651 = arith.constant 48 : index
      %get3A_1652 = tpu.vector_load %arg23[%get3A_1650, %get3A_1651] {strides = array<i32>} : memref<2x128xf32, #tpu.memory_space<vmem>>, vector<16xf32>,
      %mul3A_1653 = arith.mulf %get3A_1623, %get3A_1652 : vector<16xf32>
      %add3A_1654 = arith.addf %add3A_1648, %mul3A_1653 : vector<16xf32>
      %get3A_1655 = arith.constant 0 : i32
      %get3A_1656 = arith.index_cast %get3A_1655 : i32 to index
      %get3A_1657 = arith.constant 64 : index
      %get3A_1658 = tpu.vector_load %arg23[%get3A_1656, %get3A_1657] {strides = array<i32>} : memref<2x128xf32, #tpu.memory_space<vmem>>, vector<16xf32>,
      %mul3A_1659 = arith.mulf %get3A_1625, %get3A_1658 : vector<16xf32>
      %add3A_1660 = arith.addf %add3A_1654, %mul3A_1659 : vector<16xf32>
      %get3A_1661 = arith.constant 0 : i32
      %get3A_1662 = arith.index_cast %get3A_1661 : i32 to index
      %get3A_1663 = arith.constant 80 : index
      %get3A_1664 = tpu.vector_load %arg23[%get3A_1662, %get3A_1663] {strides = array<i32>} : memref<2x128xf32, #tpu.memory_space<vmem>>, vector<16xf32>,
      %mul3A_1665 = arith.mulf %get3A_1627, %get3A_1664 : vector<16xf32>
      %add3A_1666 = arith.addf %add3A_1660, %mul3A_1665 : vector<16xf32>
      %get3A_1667 = arith.constant 0 : i32
      %get3A_1668 = arith.index_cast %get3A_1667 : i32 to index
      %get3A_1669 = arith.constant 96 : index
      %get3A_1670 = tpu.vector_load %arg23[%get3A_1668, %get3A_1669] {strides = array<i32>} : memref<2x128xf32, #tpu.memory_space<vmem>>, vector<16xf32>,
      %mul3A_1671 = arith.mulf %get3A_1629, %get3A_1670 : vector<16xf32>
      %add3A_1672 = arith.addf %add3A_1666, %mul3A_1671 : vector<16xf32>
      %get3A_1673 = arith.constant 0 : i32
      %get3A_1674 = arith.index_cast %get3A_1673 : i32 to index
      %get3A_1675 = arith.constant 112 : index
      %get3A_1676 = tpu.vector_load %arg23[%get3A_1674, %get3A_1675] {strides = array<i32>} : memref<2x128xf32, #tpu.memory_space<vmem>>, vector<16xf32>,
      %mul3A_1677 = arith.mulf %get3A_1631, %get3A_1676 : vector<16xf32>
      %add3A_1678 = arith.addf %add3A_1672, %mul3A_1677 : vector<16xf32>
      %eq3A_1679 = arith.constant 0 : i32
      %eq3A_1680 = vector.broadcast %eq3A_1679 : i32 to vector<16xi32>
      %eq3A_1681 = arith.cmpi eq, %iota3A, %eq3A_1680 : vector<16xi32>
      %get3A_1682 = arith.constant 0 : index
      %get3A_1683 = tpu.vector_load %arg26[%get3A_1682] {strides = array<i32>} : memref<16xf32, #tpu.memory_space<vmem>>, vector<16xf32>,
      %jit3A = arith.constant 0.000000e+00 : f32
      %broadcast_in_dim3A_1684 = vector.broadcast %jit3A : f32 to vector<16xf32>
      %select_n3A_1685 = arith.select %eq3A_1681, %get3A_1683, %broadcast_in_dim3A_1684 : vector<16xi1>, vector<16xf32>
      %reduce_sum3A_1686 = arith.constant true
      %reduce_sum3A_1687 = vector.broadcast %reduce_sum3A_1686 : i1 to vector<16xi1>
      %reduce_sum3A_1688 = tpu.scan <sum>, %select_n3A_1685 masked %reduce_sum3A_1687 : vector<16xf32>, vector<16xi1> -> vector<16xf32>
      %reduce_sum3A_1689 = vector.extract %reduce_sum3A_1688[15] : f32 from vector<16xf32>
      %reduce_sum3A_1690 = arith.constant true
      %reduce_sum3A_1691 = vector.broadcast %reduce_sum3A_1690 : i1 to vector<16xi1>
      %reduce_sum3A_1692 = tpu.scan <sum>, %add3A_1678 masked %reduce_sum3A_1691 : vector<16xf32>, vector<16xi1> -> vector<16xf32>
      %reduce_sum3A_1693 = vector.extract %reduce_sum3A_1692[15] : f32 from vector<16xf32>
      %add3A_1694 = arith.addf %reduce_sum3A_1693, %reduce_sum3A_1689 : f32
      %get3A_1695 = arith.constant 1 : i32
      %get3A_1696 = arith.index_cast %get3A_1695 : i32 to index
      %get3A_1697 = arith.constant 0 : index
      %get3A_1698 = tpu.vector_load %arg23[%get3A_1696, %get3A_1697] {strides = array<i32>} : memref<2x128xf32, #tpu.memory_space<vmem>>, vector<16xf32>,
      %mul3A_1699 = arith.mulf %get3A_1617, %get3A_1698 : vector<16xf32>
      %get3A_1700 = arith.constant 1 : i32
      %get3A_1701 = arith.index_cast %get3A_1700 : i32 to index
      %get3A_1702 = arith.constant 16 : index
      %get3A_1703 = tpu.vector_load %arg23[%get3A_1701, %get3A_1702] {strides = array<i32>} : memref<2x128xf32, #tpu.memory_space<vmem>>, vector<16xf32>,
      %mul3A_1704 = arith.mulf %get3A_1619, %get3A_1703 : vector<16xf32>
      %add3A_1705 = arith.addf %mul3A_1699, %mul3A_1704 : vector<16xf32>
      %get3A_1706 = arith.constant 1 : i32
      %get3A_1707 = arith.index_cast %get3A_1706 : i32 to index
      %get3A_1708 = arith.constant 32 : index
      %get3A_1709 = tpu.vector_load %arg23[%get3A_1707, %get3A_1708] {strides = array<i32>} : memref<2x128xf32, #tpu.memory_space<vmem>>, vector<16xf32>,
      %mul3A_1710 = arith.mulf %get3A_1621, %get3A_1709 : vector<16xf32>
      %add3A_1711 = arith.addf %add3A_1705, %mul3A_1710 : vector<16xf32>
      %get3A_1712 = arith.constant 1 : i32
      %get3A_1713 = arith.index_cast %get3A_1712 : i32 to index
      %get3A_1714 = arith.constant 48 : index
      %get3A_1715 = tpu.vector_load %arg23[%get3A_1713, %get3A_1714] {strides = array<i32>} : memref<2x128xf32, #tpu.memory_space<vmem>>, vector<16xf32>,
      %mul3A_1716 = arith.mulf %get3A_1623, %get3A_1715 : vector<16xf32>
      %add3A_1717 = arith.addf %add3A_1711, %mul3A_1716 : vector<16xf32>
      %get3A_1718 = arith.constant 1 : i32
      %get3A_1719 = arith.index_cast %get3A_1718 : i32 to index
      %get3A_1720 = arith.constant 64 : index
      %get3A_1721 = tpu.vector_load %arg23[%get3A_1719, %get3A_1720] {strides = array<i32>} : memref<2x128xf32, #tpu.memory_space<vmem>>, vector<16xf32>,
      %mul3A_1722 = arith.mulf %get3A_1625, %get3A_1721 : vector<16xf32>
      %add3A_1723 = arith.addf %add3A_1717, %mul3A_1722 : vector<16xf32>
      %get3A_1724 = arith.constant 1 : i32
      %get3A_1725 = arith.index_cast %get3A_1724 : i32 to index
      %get3A_1726 = arith.constant 80 : index
      %get3A_1727 = tpu.vector_load %arg23[%get3A_1725, %get3A_1726] {strides = array<i32>} : memref<2x128xf32, #tpu.memory_space<vmem>>, vector<16xf32>,
      %mul3A_1728 = arith.mulf %get3A_1627, %get3A_1727 : vector<16xf32>
      %add3A_1729 = arith.addf %add3A_1723, %mul3A_1728 : vector<16xf32>
      %get3A_1730 = arith.constant 1 : i32
      %get3A_1731 = arith.index_cast %get3A_1730 : i32 to index
      %get3A_1732 = arith.constant 96 : index
      %get3A_1733 = tpu.vector_load %arg23[%get3A_1731, %get3A_1732] {strides = array<i32>} : memref<2x128xf32, #tpu.memory_space<vmem>>, vector<16xf32>,
      %mul3A_1734 = arith.mulf %get3A_1629, %get3A_1733 : vector<16xf32>
      %add3A_1735 = arith.addf %add3A_1729, %mul3A_1734 : vector<16xf32>
      %get3A_1736 = arith.constant 1 : i32
      %get3A_1737 = arith.index_cast %get3A_1736 : i32 to index
      %get3A_1738 = arith.constant 112 : index
      %get3A_1739 = tpu.vector_load %arg23[%get3A_1737, %get3A_1738] {strides = array<i32>} : memref<2x128xf32, #tpu.memory_space<vmem>>, vector<16xf32>,
      %mul3A_1740 = arith.mulf %get3A_1631, %get3A_1739 : vector<16xf32>
      %add3A_1741 = arith.addf %add3A_1735, %mul3A_1740 : vector<16xf32>
      %eq3A_1742 = arith.constant 1 : i32
      %eq3A_1743 = vector.broadcast %eq3A_1742 : i32 to vector<16xi32>
      %eq3A_1744 = arith.cmpi eq, %iota3A, %eq3A_1743 : vector<16xi32>
      %get3A_1745 = arith.constant 0 : index
      %get3A_1746 = tpu.vector_load %arg26[%get3A_1745] {strides = array<i32>} : memref<16xf32, #tpu.memory_space<vmem>>, vector<16xf32>,
      %jit3A_1747 = arith.constant 0.000000e+00 : f32
      %broadcast_in_dim3A_1748 = vector.broadcast %jit3A_1747 : f32 to vector<16xf32>
      %select_n3A_1749 = arith.select %eq3A_1744, %get3A_1746, %broadcast_in_dim3A_1748 : vector<16xi1>, vector<16xf32>
      %reduce_sum3A_1750 = arith.constant true
      %reduce_sum3A_1751 = vector.broadcast %reduce_sum3A_1750 : i1 to vector<16xi1>
      %reduce_sum3A_1752 = tpu.scan <sum>, %select_n3A_1749 masked %reduce_sum3A_1751 : vector<16xf32>, vector<16xi1> -> vector<16xf32>
      %reduce_sum3A_1753 = vector.extract %reduce_sum3A_1752[15] : f32 from vector<16xf32>
      %reduce_sum3A_1754 = arith.constant true
      %reduce_sum3A_1755 = vector.broadcast %reduce_sum3A_1754 : i1 to vector<16xi1>
      %reduce_sum3A_1756 = tpu.scan <sum>, %add3A_1741 masked %reduce_sum3A_1755 : vector<16xf32>, vector<16xi1> -> vector<16xf32>
      %reduce_sum3A_1757 = vector.extract %reduce_sum3A_1756[15] : f32 from vector<16xf32>
      %add3A_1758 = arith.addf %reduce_sum3A_1757, %reduce_sum3A_1753 : f32
      %max3A_1759 = arith.maximumf %add3A_1694, %add3A_1758 : f32
      %sub3A_1760 = arith.subf %add3A_1694, %add3A_1758 : f32
      %abs3A = math.absf %sub3A_1760 : f32
      %neg3A = arith.constant 0.000000e+00 : f32
      %neg3A_1761 = arith.subf %neg3A, %abs3A : f32
      %broadcast_in_dim3A_1762 = vector.broadcast %neg3A_1761 : f32 to vector<16xf32>
      %exp3A = math.exp %broadcast_in_dim3A_1762 : vector<16xf32>
      %add3A_1763 = arith.constant 2.000000e+00 : f32
      %add3A_1764 = vector.broadcast %add3A_1763 : f32 to vector<16xf32>
      %add3A_1765 = arith.addf %add3A_1764, %exp3A : vector<16xf32>
      %div3A = arith.divf %exp3A, %add3A_1765 : vector<16xf32>
      %mul3A_1766 = arith.mulf %div3A, %div3A : vector<16xf32>
      %mul3A_1767 = arith.constant 0.0909090936 : f32
      %mul3A_1768 = vector.broadcast %mul3A_1767 : f32 to vector<16xf32>
      %mul3A_1769 = arith.mulf %mul3A_1766, %mul3A_1768 : vector<16xf32>
      %add3A_1770 = arith.constant 0.111111112 : f32
      %add3A_1771 = vector.broadcast %add3A_1770 : f32 to vector<16xf32>
      %add3A_1772 = arith.addf %add3A_1771, %mul3A_1769 : vector<16xf32>
      %mul3A_1773 = arith.mulf %mul3A_1766, %add3A_1772 : vector<16xf32>
      %add3A_1774 = arith.constant 0.142857149 : f32
      %add3A_1775 = vector.broadcast %add3A_1774 : f32 to vector<16xf32>
      %add3A_1776 = arith.addf %add3A_1775, %mul3A_1773 : vector<16xf32>
      %mul3A_1777 = arith.mulf %mul3A_1766, %add3A_1776 : vector<16xf32>
      %add3A_1778 = arith.constant 2.000000e-01 : f32
      %add3A_1779 = vector.broadcast %add3A_1778 : f32 to vector<16xf32>
      %add3A_1780 = arith.addf %add3A_1779, %mul3A_1777 : vector<16xf32>
      %mul3A_1781 = arith.mulf %mul3A_1766, %add3A_1780 : vector<16xf32>
      %add3A_1782 = arith.constant 0.333333343 : f32
      %add3A_1783 = vector.broadcast %add3A_1782 : f32 to vector<16xf32>
      %add3A_1784 = arith.addf %add3A_1783, %mul3A_1781 : vector<16xf32>
      %mul3A_1785 = arith.mulf %mul3A_1766, %add3A_1784 : vector<16xf32>
      %add3A_1786 = arith.constant 1.000000e+00 : f32
      %add3A_1787 = vector.broadcast %add3A_1786 : f32 to vector<16xf32>
      %add3A_1788 = arith.addf %add3A_1787, %mul3A_1785 : vector<16xf32>
      %mul3A_1789 = arith.constant 2.000000e+00 : f32
      %mul3A_1790 = vector.broadcast %mul3A_1789 : f32 to vector<16xf32>
      %mul3A_1791 = arith.mulf %mul3A_1790, %div3A : vector<16xf32>
      %mul3A_1792 = arith.mulf %mul3A_1791, %add3A_1788 : vector<16xf32>
      %add3A_1793 = vector.broadcast %max3A_1759 : f32 to vector<16xf32>
      %add3A_1794 = arith.addf %add3A_1793, %mul3A_1792 : vector<16xf32>
      %eq3A_1795 = arith.constant 0 : i32
      %eq3A_1796 = vector.broadcast %eq3A_1795 : i32 to vector<16xi32>
      %eq3A_1797 = arith.cmpi eq, %iota3A, %eq3A_1796 : vector<16xi32>
      %broadcast_in_dim3A_1798 = vector.broadcast %add3A_1694 : f32 to vector<16xf32>
      %broadcast_in_dim3A_1799 = vector.broadcast %add3A_1758 : f32 to vector<16xf32>
      %select_n3A_1800 = arith.select %eq3A_1797, %broadcast_in_dim3A_1798, %broadcast_in_dim3A_1799 : vector<16xi1>, vector<16xf32>
      %sub3A_1801 = arith.subf %select_n3A_1800, %add3A_1794 : vector<16xf32>
      %swap3A_1802 = arith.constant 0 : index
      %swap3A_1803 = tpu.vector_load %arg28[%swap3A_1802] {strides = array<i32>} : memref<16xf32, #tpu.memory_space<vmem>>, vector<16xf32>,
      tpu.vector_store %arg28[%swap3A_1802], %sub3A_1801 {strides = array<i32>} : memref<16xf32, #tpu.memory_space<vmem>>, vector<16xf32>,
      "tpu.region"() ({
        %run_scoped3A = tpu.sem_alloc : memref<!tpu.dma_semaphore, #tpu.memory_space<semaphore_mem>>
        %dma_start3A_1804 = arith.constant 0 : i32
        %dma_start3A_1805 = tpu.memref_slice %arg28[%dma_start3A_1804] : memref<16xf32, #tpu.memory_space<vmem>> -> memref<2xf32, #tpu.memory_space<vmem>>
        %dma_start3A_1806 = arith.constant 0 : i32
        %dma_start3A_1807 = tpu.memref_slice %arg28[%dma_start3A_1806] : memref<16xf32, #tpu.memory_space<vmem>> -> memref<2xf32, #tpu.memory_space<vmem>>
        tpu.enqueue_dma source(%dma_start3A_1807 : memref<2xf32, #tpu.memory_space<vmem>>) target(%arg10 : memref<2xf32, #tpu.memory_space<hbm>>) target_semaphore(%run_scoped3A : memref<!tpu.dma_semaphore, #tpu.memory_space<semaphore_mem>>)
        %dma_wait3A_1808 = arith.constant 0 : i32
        %dma_wait3A_1809 = tpu.memref_slice %arg28[%dma_wait3A_1808] : memref<16xf32, #tpu.memory_space<vmem>> -> memref<2xf32, #tpu.memory_space<vmem>>
        %dma_wait3A_1810 = arith.constant 0 : i32
        %dma_wait3A_1811 = tpu.memref_slice %arg28[%dma_wait3A_1810] : memref<16xf32, #tpu.memory_space<vmem>> -> memref<2xf32, #tpu.memory_space<vmem>>
        tpu.wait_dma2 semaphore(%run_scoped3A : memref<!tpu.dma_semaphore, #tpu.memory_space<semaphore_mem>>) src(%dma_wait3A_1811 : memref<2xf32, #tpu.memory_space<vmem>>) dst(%arg10 : memref<2xf32, #tpu.memory_space<hbm>>)
        tpu.yield
      }) : () -> ()
    } else {
    }
    return
  }
}

</mosaic_0001>

<sc_bundles>
// kernel: kernel.3.cloned.1.call-start
scs
__scs_entry_jumppad:
0x0: {  	(pc) =	sbr.rel $0x88, $3  }
0x1: {  	(tag) =	ssettag $0x0;
	lr =	simm.s32 $0x1  }
0x2: {  	[smem:$0x3F99] =	sst lr;
	_ =	strace $0xD0000000  }
0x3: {  	_ = 	snop  }
0x4: {  	_ = 	snop  }
0x5: {  	_ = 	snop  }
0x6: {  	_ = 	snop  }
0x7: {  	_ = 	snop  }
__scs_overlays_trampoline_lowered:
0x8: {  	[smem:$0x3FA8] =	sst s0  }
0x9: {  	[smem:$0x3FA9] =	sst s1  }
0xa: {  	[smem:$0x3FAA] =	sst s2  }
0xb: {  	[smem:$0x3FAB] =	sst s3  }
0xc: {  	[smem:$0x3FAC] =	sst s4  }
0xd: {  	[smem:$0x3FAD] =	sst s5  }
0xe: {  	[smem:$0x3FAE] =	sst s6  }
0xf: {  	[smem:$0x3FAF] =	sst s7  }
0x10: {  	[smem:$0x3FB0] =	sst s8  }
0x11: {  	[smem:$0x3FB1] =	sst s9;
	s0 =	simm.s32 @!p0 $0x0  }
0x12: {  	s1 =	sld [smem:$0x3F97];
	s0 =	simm.s32 @p0 $0x1  }
0x13: {  	[smem:$0x3FB2] =	sst s0;
	s0 =	simm.s32 @!p1 $0x0  }
0x14: {  	s2 =	sld [smem:$0x3F96];
	s0 =	simm.s32 @p1 $0x1  }
0x15: {  	[smem:$0x3FB3] =	sst s0;
	s0 =	simm.s32 @!p2 $0x0  }
0x16: {  	s3 =	sld [smem:$0x3FDB];
	s0 =	simm.s32 @p2 $0x1  }
0x17: {  	s4 =	simm.s32 $0x1BF5;
	[smem:$0x3FB5] =	sst s0  }
0x18: {  	s0 =	sld [smem:$0x3F98];
	_ =	swait.ge [sflag:s4], $0x0  }
0x19: {  	s7 =	sld [smem:$0x3F99]  }
0x1a: {  	s8 =	sadd.s32 $0xFFFFE003, lr  }
0x1b: {  	s9 =	sadd.s32 $0xFFFFFEF7, lr;
	s5 =	simm.s32 $0xFFFFFFFF;
	p2 =	slt.u32 s8, $0xFFFFF086  }
0x1c: {  	p1 =	slt.u32 s9, $0xF7A;
	s5 =	simm.s32 @!p2 $0x0  }
0x1d: {  	s5 =	simm.s32 @p1 $0x1;
	p0 =	seq.s32 s7, s2  }
0x1e: {  	s7 =	smul.u32 @!p0 $0xF7A, s2;
	p2 =	seq.s32 @!p0 s5, $0x0  }
0x1f: {  	s9 =	smul.u32 $0xF7A, s1;
	s8 =	simm.s32 @!p0 $0x1BF5;
	p2 =	por !p2, p0  }
0x20: {  	[sflag:s8] =	ssyncset.s32 @!p0 $0xFFFFF086;
	s6 =	sadd.s32 @!p0 s3, s7;
	s7 =	simm.s32 @!p0 $0x108  }
0x21: {  	s3 =	sadd.s32 s3, s9;
	s6 =	sadd.s32 @!p0 $0x88, s6;
	s7 =	simm.s32 @p2 $0x1082  }
0x22: {  	[simem:s7], [sflag:s8] =	dma.local @!p0 [hbm:s6], $0xF7A  }
0x23: {  	s9 =	sor.u32 $0xD0000000, s2;
	s6 =	simm.s32 $0x108;
	_ =	swait.ge @!p0 [sflag:s8], $0x0  }
0x24: {  	s3 =	sadd.s32 $0x88, s3;
	s6 =	simm.s32 @!p1 $0x1082;
	[sflag:s4] =	ssyncset.s32 $0xFFFFF086  }
0x25: {  	[simem:s6], [sflag:s4] =	dma.local [hbm:s3], $0xF7A  }
0x26: {  	[smem:$0x3F99] =	sst s1;
	(tag) =	ssettag s2;
	_ =	strace s9  }
0x27: {  	s1 =	sld [smem:$0x3FA9]  }
0x28: {  	s2 =	sld [smem:$0x3FAA]  }
0x29: {  	s4 =	sld [smem:$0x3FAC]  }
0x2a: {  	p0 =	seq.s32 s5, $0x0;
	s5 =	sld [smem:$0x3FAD]  }
0x2b: {  	s6 =	sld [smem:$0x3FAE]  }
0x2c: {  	s7 =	sld [smem:$0x3FAF]  }
0x2d: {  	s3 =	simm.s32 $0x108;
	s8 =	sld [smem:$0x3FB0]  }
0x2e: {  	s3 =	simm.s32 @!p0 $0x1082;
	s9 =	sld [smem:$0x3FB1]  }
0x2f: {  	lr =	sadd.s32 s0, s3;
	s0 =	sld [smem:$0x3FA8]  }
0x30: {  	s3 =	sld [smem:$0x3FAB]  }
0x31: {  	[smem:$0x3FB4] =	sst s10  }
0x32: {  	s10 =	sld [smem:$0x3FB2];
	_ =	sdelay $0x3  }
0x33: {  	p0 =	seq.s32 s10, $0x1;
	s10 =	sld [smem:$0x3FB4];
	_ =	sdelay $0x3  }
0x34: {  	[smem:$0x3FB4] =	sst s10  }
0x35: {  	s10 =	sld [smem:$0x3FB3];
	_ =	sdelay $0x3  }
0x36: {  	p1 =	seq.s32 s10, $0x1;
	s10 =	sld [smem:$0x3FB4];
	_ =	sdelay $0x3  }
0x37: {  	[smem:$0x3FB4] =	sst s10  }
0x38: {  	s10 =	sld [smem:$0x3FB5]  }
0x39: {  	_ = 	snop;
	(pc) =	sbr.ind lr, $3  }
0x3a: {  	_ = 	snop  }
0x3b: {  	_ = 	snop  }
0x3c: {  	p2 =	seq.s32 s10, $0x1;
	s10 =	sld [smem:$0x3FB4]  }
0x3d: {  	_ =	shalt  }
0x3e: {  	_ =	shalt  }
0x3f: {  	_ =	shalt  }
0x40: {  	_ =	shalt  }
0x41: {  	_ =	shalt  }
0x42: {  	_ =	shalt  }
0x43: {  	_ =	shalt  }
0x44: {  	_ =	shalt  }
0x45: {  	_ =	shalt  }
0x46: {  	_ =	shalt  }
0x47: {  	_ =	shalt  }
0x48: {  	_ =	shalt  }
0x49: {  	_ =	shalt  }
0x4a: {  	_ =	shalt  }
0x4b: {  	_ =	shalt  }
0x4c: {  	_ =	shalt  }
0x4d: {  	_ =	shalt  }
0x4e: {  	_ =	shalt  }
0x4f: {  	_ =	shalt  }
0x50: {  	_ =	shalt  }
0x51: {  	_ =	shalt  }
0x52: {  	_ =	shalt  }
0x53: {  	_ =	shalt  }
0x54: {  	_ =	shalt  }
0x55: {  	_ =	shalt  }
0x56: {  	_ =	shalt  }
0x57: {  	_ =	shalt  }
0x58: {  	_ =	shalt  }
0x59: {  	_ =	shalt  }
0x5a: {  	_ =	shalt  }
0x5b: {  	_ =	shalt  }
0x5c: {  	_ =	shalt  }
0x5d: {  	_ =	shalt  }
0x5e: {  	_ =	shalt  }
0x5f: {  	_ =	shalt  }
0x60: {  	_ =	shalt  }
0x61: {  	_ =	shalt  }
0x62: {  	_ =	shalt  }
0x63: {  	_ =	shalt  }
0x64: {  	_ =	shalt  }
0x65: {  	_ =	shalt  }
0x66: {  	_ =	shalt  }
0x67: {  	_ =	shalt  }
0x68: {  	_ =	shalt  }
0x69: {  	_ =	shalt  }
0x6a: {  	_ =	shalt  }
0x6b: {  	_ =	shalt  }
0x6c: {  	_ =	shalt  }
0x6d: {  	_ =	shalt  }
0x6e: {  	_ =	shalt  }
0x6f: {  	_ =	shalt  }
0x70: {  	_ =	shalt  }
0x71: {  	_ =	shalt  }
0x72: {  	_ =	shalt  }
0x73: {  	_ =	shalt  }
0x74: {  	_ =	shalt  }
0x75: {  	_ =	shalt  }
0x76: {  	_ =	shalt  }
0x77: {  	_ =	shalt  }
0x78: {  	_ =	shalt  }
0x79: {  	_ =	shalt  }
0x7a: {  	_ =	shalt  }
0x7b: {  	_ =	shalt  }
0x7c: {  	_ =	shalt  }
0x7d: {  	_ =	shalt  }
0x7e: {  	_ =	shalt  }
0x7f: {  	_ =	shalt  }
0x80: {  	_ =	shalt  }
0x81: {  	_ =	shalt  }
0x82: {  	_ =	shalt  }
0x83: {  	_ =	shalt  }
0x84: {  	_ =	shalt  }
0x85: {  	_ =	shalt  }
0x86: {  	_ =	shalt  }
0x87: {  	_ =	shalt  }
.Lfunc_end0:
.L_simem_size_0:
called_computation_lowered:
.L_overlay_start_0:
0x88: {  	s0 =	sld [smem:$0x3FD9]  }
0x89: {  	s1 =	sld [smem:$0x3FFE];
	_ =	sdelay $0x3  }
0x8a: {  	s0 =	sadd.s32 s1, s0  }
0x8b: {  	[smem:$0x3FC0] =	sst s0  }
0x8c: {  	_ = 	snop  }
0x8d: {  	s0 =	sld [smem:$0x3FC9]  }
0x8e: {  	s16 =	sld [smem:$0x3FC8]  }
0x8f: {  	s2 =	sld [smem:$0x3FC6]  }
0x90: {  	s3 =	sld [smem:$0x3FC4]  }
0x91: {  	s4 =	sld [smem:$0x3FC3]  }
0x92: {  	s5 =	sld [smem:$0x3FC2]  }
0x93: {  	s6 =	sld [smem:$0x3FD0];
	(tm) =	ssettm $0x1  }
0x94: {  	s7 =	sld [smem:$0x3FFB];
	_ =	sdelay $0x3  }
0x95: {  	_ =	strace s7  }
0x96: {  	s7 =	sld [smem:$0x3FFC];
	_ =	sdelay $0x3  }
0x97: {  	_ =	strace s7  }
0x98: {  	s7 =	sld [smem:$0x3FFD];
	_ =	sdelay $0x3  }
0x99: {  	_ =	strace s7  }
0x9a: {  	_ =	strace $0x8FFFFFFF  }
0x9b: {  	s17 =	sld [smem:$0x3FDB];
	_ =	sdelay $0x1  }
0x9c: {  	s8 =	simm.s32 $_scs_section_size  }
0x9d: {  	s9 =	simm.s32 $_size__tile_overlayer_lowered;
	s10 =	simm.s32 $_tile_overlayer_lowered  }
0x9e: {  	s20 =	simm.s32 $0x1BFF;
	s19 =	sshll.u32 s10, $0x1;
	s7 =	sadd.s32 s8, s17  }
0x9f: {  	s11 =	simm.s32 $0x0;
	s18 =	sshll.u32 s9, $0x1;
	s9 =	sadd.s32 s19, s7  }
0xa0: {  	[timem:s11], [sflag:s20] =	dma.local [hbm:s9], s18  }
0xa1: {  	_ =	swait.ge [sflag:s20], s18  }
0xa2: {  	s8 =	ssub.s32 $0x0, s18;
	[sflag:s20] =	ssyncset.done $0x0  }
0xa3: {  	[sflag:s20] =	ssyncadd.s32 s8;
	_ =	sdelay $0x1  }
0xa4: {  	s21 =	simm.s32 $0x1B8B  }
0xa5: {  	_ =	swait.ge [sflag:s21], $0x1  }
0xa6: {  	[sflag:s21] =	ssyncset.done $0x0  }
0xa7: {  	s23 =	simm.s32 $0x1B8E;
	s22 =	sld [smem:$0x3FFE];
	[sflag:s21] =	ssyncadd.s32 $0xFFFFFFFF  }
0xa8: {  	s24 =	simm.s32 $execute0_lowered;
	[smem:$0x3FD2] =	sst s23  }
0xa9: {  	s9 =	sshll.u32 s24, $0x1;
	_ =	strace $0x80000046;
	[dreg:$0x1] =	wrdreg $0xFFFFFFFF  }
0xaa: {  	s25 =	simm.s32 $_size_execute0_lowered;
	s7 =	sadd.s32 s7, s9;
	[dreg:$0x0] =	wrdreg $0x0  }
0xab: {  	s9 =	sshll.u32 s25, $0x1;
	[dreg:$0x2] =	wrdreg s7  }
0xac: {  	[dreg:$0x3] =	wrdreg s9  }
0xad: {  	[dreg:$0x4] =	wrdreg $0xC0  }
0xae: {  	_ =	task [dreg:s11], $0x5FFFF  }
0xaf: {  	[dreg:$0x1] =	wrdreg $0xFFFFFFFF  }
0xb0: {  	[dreg:$0x0] =	wrdreg $0x60  }
0xb1: {  	[dreg:$0x2] =	wrdreg s16  }
0xb2: {  	[dreg:$0x3] =	wrdreg s0  }
0xb3: {  	[dreg:$0x4] =	wrdreg s22  }
0xb4: {  	[dreg:$0x5] =	wrdreg s2  }
0xb5: {  	[dreg:$0x6] =	wrdreg s3  }
0xb6: {  	[dreg:$0x7] =	wrdreg s4  }
0xb7: {  	[dreg:$0x8] =	wrdreg s5  }
0xb8: {  	[dreg:$0x9] =	wrdreg s6  }
0xb9: {  	[dreg:$0xa] =	wrdreg $0x2B000  }
0xba: {  	[dreg:$0xb] =	wrdreg $0x2B100  }
0xbb: {  	[dreg:$0xc] =	wrdreg $0x2B200  }
0xbc: {  	[dreg:$0xd] =	wrdreg $0x9  }
0xbd: {  	_ =	task.clear_ibuf [dreg:s11], $0xEFFFF;
	_ =	strace $0x90000046  }
0xbe: {  	s26 =	simm.s32 $0x9;
	_ =	strace $0x80000048  }
0xbf: {  	_ =	swait.ge [sflag:s26], $0x1  }
0xc0: {  	[sflag:s26] =	ssyncadd.s32 $0xFFFFFFFF  }
0xc1: {  	_ =	strace $0x90000048  }
0xc2: {  	_ =	sfence  }
0xc3: {  	s28 =	sld [smem:$0x0];
	_ =	sdelay $0x1  }
0xc4: {  	s29 =	srdreg.scid  }
0xc5: {  	s30 =	sshll.u32 s29, $0xD;
	s31 =	sshrl.u32 s29, $0x2  }
0xc6: {  	s1 =	sand.u32 $0x1, s29;
	s2 =	sand.u32 $0x4000, s30;
	s0 =	sadd.s32 s31, s28  }
0xc7: {  	s1 =	sor.u32 s2, s1;
	s0 =	sshll.u32 s0, $0x11  }
0xc8: {  	s0 =	sor.u32 s0, s1  }
0xc9: {  	s0 =	sadd.s32 $0x8F2B, s0  }
0xca: {  	[sflag:s0] =	ssyncadd.remote.s32 $0x1  }
0xcb: {  	_ =	sfence.sel $0xFFFF  }
0xcc: {  	[dreg:$0x0] =	wrdreg $0xFFFFFFFF;
	(pc) =	sbr.abs _section_cstart, $3  }
0xcd: {  	[dreg:$0x1] =	wrdreg $0xFFFFFFFF  }
0xce: {  	_ =	task.clear_ibuf [dreg:s11], $0x2FFFF;
	_ =	strace $0x9FFFFFFF  }
0xcf: {  	(tm) =	ssettm $0x7FFFFFFF  }
tec
execute0_lowered:
.L_overlay_start_1:
0x0: {  	(tag) =	ssettag $0x1  }
0x1: {  	s8 =	rddreg [dreg:$0x0]  }
0x2: {  	s9 =	rddreg [dreg:$0x1]  }
0x3: {  	s10 =	rddreg [dreg:$0x2]  }
0x4: {  	s12 =	rddreg [dreg:$0x3]  }
0x5: {  	s13 =	rddreg [dreg:$0x4]  }
0x6: {  	s14 =	rddreg [dreg:$0x5]  }
0x7: {  	s15 =	rddreg [dreg:$0x6]  }
0x8: {  	s2 =	rddreg [dreg:$0x7]  }
0x9: {  	s7 =	rddreg [dreg:$0x8]  }
0xa: {  	s5 =	rddreg [dreg:$0x9]  }
0xb: {  	s3 =	rddreg [dreg:$0xa]  }
0xc: {  	s0 =	rddreg [dreg:$0xb]  }
0xd: {  	s16 =	simm.s32 $0x0;
	s1 =	stileid.u32;
	s29 =	simm.s32 $0x80  }
0xe: {  	s20 =	simm.s32 $0x400;
	s21 =	simm.s32 $0x1500;
	[smem:$0x7FF] =	sst s16  }
0xf: {  	s11 =	sand.u32 $0x1, s1;
	s6 =	sshll.u32 s1, $0x4;
	s17 =	sshll.u32 s1, $0x6  }
0x10: {  	s4 =	sshll.u32 s1, $0x3;
	_ =	strace $0x80000047;
	s18 =	sand.u32 $0x70, s6  }
0x11: {  	s17 =	sand.u32 $0x200, s17;
	s19 =	sand.u32 $0x70, s4;
	s18 =	sadd.s32 s9, s18  }
0x12: {  	s28 =	sshll.u32 s11, $0x8;
	s9 =	sadd.s32 s19, s9;
	s17 =	sadd.s32 s17, s18  }
0x13: {  	[tilespmem:s21], [sflag:$0x1] =	stream.strided.gather [hbm4b:s17+s29], $0x200, s20, s29, $0x38;
	[tilespmem:$0x2B28] =	vst v63  }
0x14: {  	s31 =	simm.s32 $0x500;
	s30 =	sadd.s32 $0x600, s10;
	s9 =	sadd.s32 s28, s9  }
0x15: {  	[tilespmem:s31], [sflag:$0x1] =	stream.linear.gather [hbm4b:s30+s16], $0x1000, $0x38;
	[tilespmem:$0x2B28] =	vst v63  }
0x16: {  	s18 =	simm.s32 $0x1700;
	s9 =	sadd.s32 $0x400, s9  }
0x17: {  	[tilespmem:s18], [sflag:$0x2] =	stream.strided.gather [hbm4b:s9+s29], $0x100, s20, s29, $0x38;
	[tilespmem:$0x2B28] =	vst v63  }
0x18: {  	s20 =	sshll.u32 s1, $0x8  }
0x19: {  	[tilespmem:s16], [sflag:$0x3] =	stream.linear.gather [hbm4b:s8+s16], $0x500, $0x38;
	[tilespmem:$0x2B28] =	vst v63  }
0x1a: {  	s22 =	simm.s32 $0x2880;
	s21 =	sadd.s32 s20, s10  }
0x1b: {  	[tilespmem:s22], [sflag:$0x4] =	stream.linear.gather [hbm4b:s12+s16], $0x8, $0x38;
	[tilespmem:$0x2B28] =	vst v63  }
0x1c: {  	s23 =	simm.s32 $0x1F00;
	s8 =	sadd.s32 $0x800, s21  }
0x1d: {  	[tilespmem:s23], [sflag:$0x4] =	stream.linear.gather [hbm4b:s8+s16], $0x800, $0x38;
	[tilespmem:$0x2B28] =	vst v63  }
0x1e: {  	s25 =	simm.s32 $0x2900;
	s24 =	sadd.s32 s13, s1;
	p0 =	sne.s32 s1, $0xF  }
0x1f: {  	[tilespmem:s25], [sflag:$0x4] =	stream.linear.gather [hbm4b:s24+s16], $0x8, $0x38;
	[tilespmem:$0x2B28] =	vst v63  }
0x20: {  	s9 =	simm.s32 @!p0 $0x2780;
	s8 =	simm.s32 @!p0 $0x0  }
0x21: {  	[tilespmem:s9], [sflag:$0x4] =	stream.linear.gather @!p0 [hbm4b:s14+s8], $0x100, $0x38;
	[tilespmem:$0x2B28] =	vst v63  }
0x22: {  	s9 =	simm.s32 @!p0 $0x4  }
0x23: {  	_ =	swait.ge @!p0 [sflag:s9], $0x100  }
0x24: {  	[sflag:s9] =	ssyncset.done @!p0 $0x0  }
0x25: {  	s10 =	simm.s32 @!p0 $0x2980;
	[sflag:s9] =	ssyncadd.s32 @!p0 $0xFFFFFF00  }
0x26: {  	[tilespmem:s10], [sflag:$0x4] =	stream.linear.gather @!p0 [hbm4b:s15+s8], $0x2, $0x38;
	[tilespmem:$0x2B28] =	vst v63  }
0x27: {  	_ =	swait.ge @!p0 [sflag:s9], $0x2  }
0x28: {  	[sflag:s9] =	ssyncset.done @!p0 $0x0  }
0x29: {  	s26 =	simm.s32 $0x1;
	[sflag:s9] =	ssyncadd.s32 @!p0 $0xFFFFFFFE  }
0x2a: {  	_ =	swait.ge [sflag:s26], $0x200  }
0x2b: {  	[sflag:s26] =	ssyncset.done $0x0  }
0x2c: {  	[sflag:s26] =	ssyncadd.s32 $0xFFFFFE00  }
0x2d: {  	_ =	swait.ge [sflag:s26], $0x1000  }
0x2e: {  	[sflag:s26] =	ssyncset.done $0x0  }
0x2f: {  	s28 =	simm.s32 $0x0;
	[sflag:s26] =	ssyncadd.s32 $0xFFFFF000  }
0x30: {  	v5 =	vld [tilespmem:s28+$0x1500];
	_ =	sdelay $0x3  }
0x31: {  	v0 =	vlaneseq.u32;
	v9 =	vimm.f32 $0.0e+00;
	vm0 =	vmmov $0xff  }
0x32: {  	v1 =	vmov s1;
	v4 =	vand.u32 $0x7, v0;
	v10 =	vbroadcast v5, $0x0  }
0x33: {  	v2 =	vshll.u32 v1, $0x3;
	s30 =	simm.s32 $0x540;
	v7 =	vbroadcast v5, $0xF;
	v12 =	vbroadcast v5, $0x2  }
0x34: {  	v3 =	vor.u32 v4, v2;
	s29 =	sor.u32 $0x10, s1;
	v11 =	vld [tilespmem:s30+$0xFFFFFFC0];
	v18 =	vbroadcast v5, $0xA;
	v21 =	vbroadcast v5, $0x4  }
0x35: {  	v0 =	vmov s29;
	v20 =	vld [tilespmem:s30+$0xFFFFFFD0];
	v13 =	vbroadcast v5, $0xE;
	v15 =	vbroadcast v5, $0x1  }
0x36: {  	v2 =	vshll.u32 v0, $0x3;
	v14 =	vld [tilespmem:s30+$0x10];
	v8 =	vbroadcast v5, $0xD;
	v17 =	vbroadcast v5, $0x3  }
0x37: {  	v2 =	vor.u32 v4, v2;
	v16 =	vld [tilespmem:s30+$0xFFFFFFE0];
	v22 =	vbroadcast v5, $0xB;
	v23 =	vbroadcast v5, $0x5  }
0x38: {  	s31 =	smul.u32 $0x60, s1;
	v4 =	vld [tilespmem:s30+$0x0];
	v7 =	vsel vm0, v13, v7;
	v10 =	vsel vm0, v10, v15;
	v13 =	vbroadcast v5, $0x9  }
0x39: {  	s13 =	simm.s32 $0x5C0;
	s8 =	smul.u32 $0x60, s29;
	v6 =	vld [tilespmem:s30+$0x30];
	v21 =	vsel vm0, v21, v23;
	v22 =	vsel vm0, v18, v22;
	v19 =	vmul.f32 v10, v11  }
0x3a: {  	s4 =	sadd.s32 s4, s3;
	s12 =	simm.s32 $0x40;
	s10 =	sadd.s32 s6, s7;
	v15 =	vld [tilespmem:s30+$0x20];
	v10 =	vsel vm0, v12, v17;
	v17 =	vbroadcast v5, $0xC;
	v11 =	vimm.f32 $0.0e+00  }
0x3b: {  	s6 =	sadd.s32 s6, s5;
	s8 =	sshrl.u32 s8, $0x2;
	s9 =	sshrl.u32 s31, $0x2;
	v18 =	vld [tilespmem:s30+$0xFFFFFFF0];
	v12 =	vimm.f32 $0.0e+00;
	v20 =	vmul.f32 v20, v10;
	v10 =	vimm.f32 $0.0e+00  }
.LBB2_1:
0x3c: {  	s14 =	sshra.s32 s12, $0x2;
	v23 =	vld [tilespmem:s13+$0x0];
	p1 =	sne.s32 s12, $0x7C0;
	s12 =	sadd.s32 $0x40, s12;
	v9 =	vadd.f32 v19, v9;
	v16 =	vmul.f32 v16, v21;
	v14 =	vmul.f32 v14, v22  }
0x3d: {  	v21 =	vbroadcast v5, $0x7;
	v19 =	vld [tilespmem:s14+$0x1500];
	v11 =	vadd.f32 v20, v11;
	v20 =	vbroadcast v5, $0x6  }
0x3e: {  	v8 =	vsel vm0, v17, v8;
	v5 =	vbroadcast v5, $0x8;
	v22 =	vld [tilespmem:s13+$0x30];
	v12 =	vadd.f32 v16, v12  }
0x3f: {  	v8 =	vmul.f32 v15, v8;
	v16 =	vsel vm0, v20, v21;
	v11 =	vadd.f32 v14, v11  }
0x40: {  	v14 =	vmul.f32 v18, v16;
	v16 =	vsel vm0, v5, v13  }
0x41: {  	v7 =	vmul.f32 v6, v7;
	v12 =	vadd.f32 v8, v12;
	v13 =	vmul.f32 v4, v16;
	v4 =	vmovc v23  }
0x42: {  	v15 =	vbroadcast v19, $0x0;
	v17 =	vld [tilespmem:s13+$0xFFFFFFC0];
	v18 =	vbroadcast v19, $0xF;
	v8 =	vadd.f32 v14, v10;
	v5 =	vmovc v19  }
0x43: {  	v20 =	vbroadcast v5, $0x2;
	v23 =	vbroadcast v5, $0xA;
	v14 =	vld [tilespmem:s13+$0x10];
	v9 =	vadd.f32 v13, v9;
	v6 =	vmovc v22  }
0x44: {  	v22 =	vbroadcast v5, $0x4;
	v13 =	vbroadcast v5, $0xE;
	v21 =	vld [tilespmem:s13+$0xFFFFFFD0];
	v10 =	vadd.f32 v7, v8  }
.Ltmp0:
0x45: {  	v19 =	vbroadcast v5, $0x1;
	v8 =	vbroadcast v5, $0xD;
	v16 =	vld [tilespmem:s13+$0xFFFFFFE0];
	(pc) =	sbr.rel @p1 .LBB2_1-.Ltmp0, $4  }
0x46: {  	v24 =	vbroadcast v5, $0x3;
	v25 =	vbroadcast v5, $0xB;
	v7 =	vsel vm0, v13, v18  }
0x47: {  	v26 =	vbroadcast v5, $0x5;
	v18 =	vsel vm0, v15, v19;
	v13 =	vbroadcast v5, $0x9;
	v15 =	vld [tilespmem:s13+$0x20]  }
0x48: {  	v20 =	vsel vm0, v20, v24;
	v19 =	vmul.f32 v18, v17;
	v17 =	vbroadcast v5, $0xC;
	v18 =	vld [tilespmem:s13+$0xFFFFFFF0]  }
0x49: {  	s13 =	sadd.s32 $0x80, s13;
	v20 =	vmul.f32 v21, v20;
	v21 =	vsel vm0, v22, v26;
	v22 =	vsel vm0, v23, v25  }
0x4a: {  	v23 =	vbroadcast v5, $0x6;
	v24 =	vbroadcast v5, $0x7  }
0x4b: {  	v9 =	vadd.f32 v19, v9;
	v16 =	vmul.f32 v16, v21  }
0x4c: {  	v14 =	vmul.f32 v14, v22;
	v5 =	vbroadcast v5, $0x8;
	v19 =	vsel vm0, v23, v24  }
0x4d: {  	v8 =	vsel vm0, v17, v8;
	v11 =	vadd.f32 v20, v11;
	v17 =	vmul.f32 v18, v19  }
0x4e: {  	v12 =	vadd.f32 v16, v12;
	v8 =	vmul.f32 v15, v8;
	v5 =	vsel vm0, v5, v13  }
0x4f: {  	v4 =	vmul.f32 v4, v5;
	v5 =	vmul.f32 v6, v7;
	v6 =	vadd.f32 v17, v10  }
0x50: {  	v7 =	vadd.f32 v14, v11;
	v8 =	vadd.f32 v8, v12  }
0x51: {  	v4 =	vadd.f32 v4, v9;
	v5 =	vadd.f32 v5, v6  }
0x52: {  	v6 =	vlaneseq.u32  }
0x53: {  	v4 =	vadd.f32 v7, v4;
	v7 =	vand.u32 $0x7, v6;
	v5 =	vadd.f32 v5, v8  }
0x54: {  	v6 =	vor.u32 $0x8, v6  }
0x55: {  	v4 =	vadd.f32 v5, v4;
	_ =	sdelay $0x1  }
0x56: {  	s12 =	simm.s32 $0x2A80;
	[tilespmem:$0x2A80] =	vst v4  }
0x57: {  	s29 =	simm.s32 $0x2;
	v4 =	vld.idx.msk [tilespmem:v7+s12+$0x0], $0xffff  }
0x58: {  	v5 =	vld.idx.msk [tilespmem:v6+s12+$0x0], $0xffff;
	_ =	swait.ge [sflag:s29], $0x100  }
0x59: {  	[sflag:s29] =	ssyncset.done $0x0  }
0x5a: {  	s30 =	simm.s32 $0x0;
	[sflag:s29] =	ssyncadd.s32 $0xFFFFFF00  }
0x5b: {  	v7 =	vld [tilespmem:s30+$0x1700];
	_ =	sdelay $0x4  }
0x5c: {  	s11 =	sshll.u32 s11, $0xB;
	v10 =	vbroadcast v7, $0x0  }
0x5d: {  	s31 =	sor.u32 $0x540, s11;
	v9 =	vbroadcast v7, $0xF;
	v12 =	vbroadcast v7, $0x2  }
0x5e: {  	v11 =	vld [tilespmem:s31+$0xFFFFFFC0];
	v19 =	vbroadcast v7, $0xA;
	v23 =	vbroadcast v7, $0x4  }
0x5f: {  	v21 =	vld [tilespmem:s31+$0xFFFFFFD0];
	v15 =	vbroadcast v7, $0xE;
	v17 =	vbroadcast v7, $0x1  }
0x60: {  	v16 =	vld [tilespmem:s31+$0x10];
	v13 =	vbroadcast v7, $0xD;
	v20 =	vbroadcast v7, $0x3  }
0x61: {  	v14 =	vimm.f32 $0.0e+00;
	v18 =	vld [tilespmem:s31+$0xFFFFFFE0];
	v24 =	vbroadcast v7, $0xB;
	v25 =	vbroadcast v7, $0x5  }
0x62: {  	v6 =	vld [tilespmem:s31+$0x0];
	v9 =	vsel vm0, v15, v9;
	v10 =	vsel vm0, v10, v17;
	v15 =	vbroadcast v7, $0x9  }
0x63: {  	v8 =	vld [tilespmem:s31+$0x30];
	v23 =	vsel vm0, v23, v25;
	v24 =	vsel vm0, v19, v24;
	v22 =	vmul.f32 v10, v11  }
0x64: {  	v17 =	vld [tilespmem:s31+$0x20];
	v10 =	vsel vm0, v12, v20;
	v20 =	vbroadcast v7, $0xC;
	v11 =	vimm.f32 $0.0e+00  }
0x65: {  	s11 =	simm.s32 $0x40;
	s12 =	sadd.s32 $0x80, s31;
	v19 =	vld [tilespmem:s31+$0xFFFFFFF0];
	v12 =	vimm.f32 $0.0e+00;
	v21 =	vmul.f32 v21, v10;
	v10 =	vimm.f32 $0.0e+00  }
.LBB2_3:
0x66: {  	s13 =	sshra.s32 s11, $0x2;
	v25 =	vld [tilespmem:s12+$0x0];
	p1 =	sne.s32 s11, $0x3C0;
	s11 =	sadd.s32 $0x40, s11;
	v14 =	vadd.f32 v22, v14;
	v18 =	vmul.f32 v18, v23;
	v16 =	vmul.f32 v16, v24  }
0x67: {  	v23 =	vbroadcast v7, $0x7;
	v22 =	vld [tilespmem:s13+$0x1700];
	v11 =	vadd.f32 v21, v11;
	v21 =	vbroadcast v7, $0x6  }
0x68: {  	v13 =	vsel vm0, v20, v13;
	v7 =	vbroadcast v7, $0x8;
	v24 =	vld [tilespmem:s12+$0x30];
	v12 =	vadd.f32 v18, v12  }
0x69: {  	v13 =	vmul.f32 v17, v13;
	v18 =	vsel vm0, v21, v23;
	v11 =	vadd.f32 v16, v11  }
0x6a: {  	v16 =	vmul.f32 v19, v18;
	v18 =	vsel vm0, v7, v15  }
0x6b: {  	v9 =	vmul.f32 v8, v9;
	v12 =	vadd.f32 v13, v12;
	v15 =	vmul.f32 v6, v18;
	v6 =	vmovc v25  }
0x6c: {  	v17 =	vbroadcast v22, $0x0;
	v19 =	vld [tilespmem:s12+$0xFFFFFFC0];
	v20 =	vbroadcast v22, $0xF;
	v10 =	vadd.f32 v16, v10;
	v7 =	vmovc v22  }
0x6d: {  	v21 =	vbroadcast v7, $0x2;
	v25 =	vbroadcast v7, $0xA;
	v16 =	vld [tilespmem:s12+$0x10];
	v14 =	vadd.f32 v15, v14;
	v8 =	vmovc v24  }
0x6e: {  	v24 =	vbroadcast v7, $0x4;
	v15 =	vbroadcast v7, $0xE;
	v23 =	vld [tilespmem:s12+$0xFFFFFFD0];
	v10 =	vadd.f32 v9, v10  }
.Ltmp1:
0x6f: {  	v22 =	vbroadcast v7, $0x1;
	v13 =	vbroadcast v7, $0xD;
	v18 =	vld [tilespmem:s12+$0xFFFFFFE0];
	(pc) =	sbr.rel @p1 .LBB2_3-.Ltmp1, $4  }
0x70: {  	v26 =	vbroadcast v7, $0x3;
	v27 =	vbroadcast v7, $0xB;
	v9 =	vsel vm0, v15, v20  }
0x71: {  	v28 =	vbroadcast v7, $0x5;
	v20 =	vsel vm0, v17, v22;
	v15 =	vbroadcast v7, $0x9;
	v17 =	vld [tilespmem:s12+$0x20]  }
0x72: {  	v21 =	vsel vm0, v21, v26;
	v22 =	vmul.f32 v20, v19;
	v20 =	vbroadcast v7, $0xC;
	v19 =	vld [tilespmem:s12+$0xFFFFFFF0]  }
0x73: {  	s12 =	sadd.s32 $0x80, s12;
	v21 =	vmul.f32 v23, v21;
	v23 =	vsel vm0, v24, v28;
	v24 =	vsel vm0, v25, v27  }
0x74: {  	v25 =	vbroadcast v7, $0x6;
	v26 =	vbroadcast v7, $0x7  }
0x75: {  	v14 =	vadd.f32 v22, v14;
	v18 =	vmul.f32 v18, v23  }
0x76: {  	v16 =	vmul.f32 v16, v24;
	v50 =	vbroadcast v7, $0x8;
	v51 =	vsel vm0, v25, v26  }
0x77: {  	v13 =	vsel vm0, v20, v13;
	v11 =	vadd.f32 v21, v11;
	v19 =	vmul.f32 v19, v51  }
0x78: {  	v12 =	vadd.f32 v18, v12;
	v13 =	vmul.f32 v17, v13;
	v7 =	vsel vm0, v50, v15  }
0x79: {  	v52 =	vmul.f32 v8, v9;
	v6 =	vmul.f32 v6, v7;
	v53 =	vadd.f32 v19, v10  }
0x7a: {  	v54 =	vadd.f32 v16, v11;
	v55 =	vadd.f32 v13, v12  }
0x7b: {  	v6 =	vadd.f32 v6, v14;
	v7 =	vadd.f32 v52, v53  }
0x7c: {  	v56 =	vlaneseq.u32  }
0x7d: {  	v57 =	vand.u32 $0x7, v56;
	v6 =	vadd.f32 v54, v6;
	v7 =	vadd.f32 v7, v55  }
0x7e: {  	v8 =	vor.u32 $0x8, v56  }
0x7f: {  	v6 =	vadd.f32 v7, v6;
	_ =	sdelay $0x1  }
0x80: {  	s11 =	simm.s32 $0x2A80;
	[tilespmem:$0x2A80] =	vst v6  }
0x81: {  	v6 =	vld.idx.msk [tilespmem:v57+s11+$0x0], $0xffff  }
0x82: {  	v58 =	vld.idx.msk [tilespmem:v8+s11+$0x0], $0xffff;
	_ =	sdelay $0x4  }
0x83: {  	v4 =	vadd.f32 v5, v4;
	v5 =	vadd.f32 v58, v6;
	_ =	sdelay $0x1  }
0x84: {  	v4 =	vsel vm0, v4, v5  }
0x85: {  	s28 =	simm.s32 $0x2A00;
	s29 =	simm.s32 $0x5;
	[tilespmem:$0x2A00] =	vst v4  }
0x86: {  	[spmem:s10] =	stream.linear.scatter [tilespmem:s28], [sflag:$0x5], $0x10, $0x38;
	[tilespmem:$0x2B28] =	vst v63  }
0x87: {  	_ =	swait.ge [sflag:s29], $0x10  }
0x88: {  	[sflag:s29] =	ssyncset.done $0x0  }
0x89: {  	s30 =	simm.s32 $0x3;
	[sflag:s29] =	ssyncadd.s32 $0xFFFFFFF0  }
0x8a: {  	_ =	swait.ge [sflag:s30], $0x500  }
0x8b: {  	[sflag:s30] =	ssyncset.done $0x0  }
0x8c: {  	[sflag:s30] =	ssyncadd.s32 $0xFFFFFB00  }
0x8d: {  	v5 =	vld [tilespmem:$0x80];
	_ =	sdelay $0x4  }
0x8e: {  	v4 =	vimm.f32 $0.0e+00  }
0x8f: {  	[tilespmem:$0x1A80] =	vst v4  }
0x90: {  	v59 =	vimm.f32 $1.000000000e+00;
	s31 =	simm.s32 $0x1A80;
	[tilespmem:$0x1A90] =	vst v4  }
0x91: {  	[tilespmem:v5+s31+$0x0] =	vst.idx.add.f32.msk $0xffff, v59  }
0x92: {  	v5 =	vld [tilespmem:$0x90];
	_ =	sdelay $0x6  }
0x93: {  	[tilespmem:$0x1B00] =	vst v4  }
0x94: {  	[tilespmem:v5+s31+$0x0] =	vst.idx.add.f32.msk $0xffff, v59  }
0x95: {  	v5 =	vld [tilespmem:$0xA0];
	_ =	sdelay $0x6  }
0x96: {  	[tilespmem:$0x1B10] =	vst v4  }
0x97: {  	[tilespmem:v5+s31+$0x0] =	vst.idx.add.f32.msk $0xffff, v59  }
0x98: {  	v5 =	vld [tilespmem:$0xB0];
	_ =	sdelay $0x6  }
0x99: {  	[tilespmem:$0x1B20] =	vst v4  }
0x9a: {  	[tilespmem:v5+s31+$0x0] =	vst.idx.add.f32.msk $0xffff, v59  }
0x9b: {  	v5 =	vld [tilespmem:$0xC0];
	_ =	sdelay $0x6  }
0x9c: {  	[tilespmem:$0x1B30] =	vst v4  }
0x9d: {  	[tilespmem:v5+s31+$0x0] =	vst.idx.add.f32.msk $0xffff, v59  }
0x9e: {  	v5 =	vld [tilespmem:$0xD0];
	_ =	sdelay $0x6  }
0x9f: {  	[tilespmem:$0x1B40] =	vst v4  }
0xa0: {  	[tilespmem:v5+s31+$0x0] =	vst.idx.add.f32.msk $0xffff, v59  }
0xa1: {  	v5 =	vld [tilespmem:$0xE0];
	_ =	sdelay $0x6  }
0xa2: {  	[tilespmem:$0x1B50] =	vst v4  }
0xa3: {  	[tilespmem:v5+s31+$0x0] =	vst.idx.add.f32.msk $0xffff, v59  }
0xa4: {  	v5 =	vld [tilespmem:$0xF0];
	_ =	sdelay $0x6  }
0xa5: {  	[tilespmem:$0x1B60] =	vst v4  }
0xa6: {  	[tilespmem:v5+s31+$0x0] =	vst.idx.add.f32.msk $0xffff, v59  }
0xa7: {  	v5 =	vld [tilespmem:$0x180];
	_ =	sdelay $0x6  }
0xa8: {  	[tilespmem:$0x1B70] =	vst v4  }
0xa9: {  	[tilespmem:v5+s31+$0x0] =	vst.idx.add.f32.msk $0xffff, v59  }
0xaa: {  	v5 =	vld [tilespmem:$0x190];
	_ =	sdelay $0x6  }
0xab: {  	[tilespmem:$0x1B80] =	vst v4  }
0xac: {  	[tilespmem:v5+s31+$0x0] =	vst.idx.add.f32.msk $0xffff, v59  }
0xad: {  	v5 =	vld [tilespmem:$0x1A0];
	_ =	sdelay $0x6  }
0xae: {  	[tilespmem:$0x1B90] =	vst v4  }
0xaf: {  	[tilespmem:v5+s31+$0x0] =	vst.idx.add.f32.msk $0xffff, v59  }
0xb0: {  	v5 =	vld [tilespmem:$0x1B0];
	_ =	sdelay $0x6  }
0xb1: {  	[tilespmem:$0x1BA0] =	vst v4  }
0xb2: {  	[tilespmem:v5+s31+$0x0] =	vst.idx.add.f32.msk $0xffff, v59  }
0xb3: {  	v5 =	vld [tilespmem:$0x1C0];
	_ =	sdelay $0x6  }
0xb4: {  	[tilespmem:$0x1BB0] =	vst v4  }
0xb5: {  	[tilespmem:v5+s31+$0x0] =	vst.idx.add.f32.msk $0xffff, v59  }
0xb6: {  	v5 =	vld [tilespmem:$0x1D0];
	_ =	sdelay $0x6  }
0xb7: {  	[tilespmem:$0x1BC0] =	vst v4  }
0xb8: {  	[tilespmem:v5+s31+$0x0] =	vst.idx.add.f32.msk $0xffff, v59  }
0xb9: {  	v5 =	vld [tilespmem:$0x1E0];
	_ =	sdelay $0x6  }
0xba: {  	[tilespmem:$0x1BD0] =	vst v4  }
0xbb: {  	[tilespmem:v5+s31+$0x0] =	vst.idx.add.f32.msk $0xffff, v59  }
0xbc: {  	v5 =	vld [tilespmem:$0x1F0];
	_ =	sdelay $0x6  }
0xbd: {  	[tilespmem:$0x1BE0] =	vst v4  }
0xbe: {  	[tilespmem:v5+s31+$0x0] =	vst.idx.add.f32.msk $0xffff, v59  }
0xbf: {  	v5 =	vld [tilespmem:$0x280];
	_ =	sdelay $0x6  }
0xc0: {  	[tilespmem:$0x1BF0] =	vst v4  }
0xc1: {  	[tilespmem:v5+s31+$0x0] =	vst.idx.add.f32.msk $0xffff, v59  }
0xc2: {  	v5 =	vld [tilespmem:$0x290];
	_ =	sdelay $0x6  }
0xc3: {  	[tilespmem:$0x1C00] =	vst v4  }
0xc4: {  	[tilespmem:v5+s31+$0x0] =	vst.idx.add.f32.msk $0xffff, v59  }
0xc5: {  	v5 =	vld [tilespmem:$0x2A0];
	_ =	sdelay $0x6  }
0xc6: {  	[tilespmem:$0x1C10] =	vst v4  }
0xc7: {  	[tilespmem:v5+s31+$0x0] =	vst.idx.add.f32.msk $0xffff, v59  }
0xc8: {  	v5 =	vld [tilespmem:$0x2B0];
	_ =	sdelay $0x6  }
0xc9: {  	[tilespmem:$0x1C20] =	vst v4  }
0xca: {  	[tilespmem:v5+s31+$0x0] =	vst.idx.add.f32.msk $0xffff, v59  }
0xcb: {  	v5 =	vld [tilespmem:$0x2C0];
	_ =	sdelay $0x6  }
0xcc: {  	[tilespmem:$0x1C30] =	vst v4  }
0xcd: {  	[tilespmem:v5+s31+$0x0] =	vst.idx.add.f32.msk $0xffff, v59  }
0xce: {  	v5 =	vld [tilespmem:$0x2D0];
	_ =	sdelay $0x6  }
0xcf: {  	[tilespmem:$0x1C40] =	vst v4  }
0xd0: {  	[tilespmem:v5+s31+$0x0] =	vst.idx.add.f32.msk $0xffff, v59  }
0xd1: {  	v5 =	vld [tilespmem:$0x2E0];
	_ =	sdelay $0x6  }
0xd2: {  	[tilespmem:$0x1C50] =	vst v4  }
0xd3: {  	[tilespmem:v5+s31+$0x0] =	vst.idx.add.f32.msk $0xffff, v59  }
0xd4: {  	v5 =	vld [tilespmem:$0x2F0];
	_ =	sdelay $0x6  }
0xd5: {  	[tilespmem:$0x1C60] =	vst v4  }
0xd6: {  	[tilespmem:v5+s31+$0x0] =	vst.idx.add.f32.msk $0xffff, v59  }
0xd7: {  	v5 =	vld [tilespmem:$0x380];
	_ =	sdelay $0x6  }
0xd8: {  	[tilespmem:$0x1C70] =	vst v4  }
0xd9: {  	[tilespmem:v5+s31+$0x0] =	vst.idx.add.f32.msk $0xffff, v59  }
0xda: {  	v5 =	vld [tilespmem:$0x390];
	_ =	sdelay $0x6  }
0xdb: {  	[tilespmem:$0x1C80] =	vst v4  }
0xdc: {  	[tilespmem:v5+s31+$0x0] =	vst.idx.add.f32.msk $0xffff, v59  }
0xdd: {  	v5 =	vld [tilespmem:$0x3A0];
	_ =	sdelay $0x6  }
0xde: {  	[tilespmem:$0x1C90] =	vst v4  }
0xdf: {  	[tilespmem:v5+s31+$0x0] =	vst.idx.add.f32.msk $0xffff, v59  }
0xe0: {  	v5 =	vld [tilespmem:$0x3B0];
	_ =	sdelay $0x6  }
0xe1: {  	[tilespmem:$0x1CA0] =	vst v4  }
0xe2: {  	[tilespmem:v5+s31+$0x0] =	vst.idx.add.f32.msk $0xffff, v59  }
0xe3: {  	v5 =	vld [tilespmem:$0x3C0];
	_ =	sdelay $0x6  }
0xe4: {  	[tilespmem:$0x1CB0] =	vst v4  }
0xe5: {  	[tilespmem:v5+s31+$0x0] =	vst.idx.add.f32.msk $0xffff, v59  }
0xe6: {  	v5 =	vld [tilespmem:$0x3D0];
	_ =	sdelay $0x6  }
0xe7: {  	[tilespmem:$0x1CC0] =	vst v4  }
0xe8: {  	[tilespmem:v5+s31+$0x0] =	vst.idx.add.f32.msk $0xffff, v59  }
0xe9: {  	v5 =	vld [tilespmem:$0x3E0];
	_ =	sdelay $0x6  }
0xea: {  	[tilespmem:$0x1CD0] =	vst v4  }
0xeb: {  	[tilespmem:v5+s31+$0x0] =	vst.idx.add.f32.msk $0xffff, v59  }
0xec: {  	v5 =	vld [tilespmem:$0x3F0];
	_ =	sdelay $0x6  }
0xed: {  	[tilespmem:$0x1CE0] =	vst v4  }
0xee: {  	[tilespmem:v5+s31+$0x0] =	vst.idx.add.f32.msk $0xffff, v59  }
0xef: {  	v5 =	vld [tilespmem:$0x480];
	_ =	sdelay $0x6  }
0xf0: {  	[tilespmem:$0x1CF0] =	vst v4  }
0xf1: {  	[tilespmem:v5+s31+$0x0] =	vst.idx.add.f32.msk $0xffff, v59  }
0xf2: {  	v5 =	vld [tilespmem:$0x490];
	_ =	sdelay $0x6  }
0xf3: {  	[tilespmem:$0x1D00] =	vst v4  }
0xf4: {  	[tilespmem:v5+s31+$0x0] =	vst.idx.add.f32.msk $0xffff, v59  }
0xf5: {  	v5 =	vld [tilespmem:$0x4A0];
	_ =	sdelay $0x6  }
0xf6: {  	[tilespmem:$0x1D10] =	vst v4  }
0xf7: {  	[tilespmem:v5+s31+$0x0] =	vst.idx.add.f32.msk $0xffff, v59  }
0xf8: {  	v5 =	vld [tilespmem:$0x4B0];
	_ =	sdelay $0x6  }
0xf9: {  	[tilespmem:$0x1D20] =	vst v4  }
0xfa: {  	[tilespmem:v5+s31+$0x0] =	vst.idx.add.f32.msk $0xffff, v59  }
0xfb: {  	v5 =	vld [tilespmem:$0x1A80]  }
0xfc: {  	v6 =	vld [tilespmem:$0x1A90];
	_ =	sdelay $0x3  }
0xfd: {  	v5 =	vadd.f32 $1.000000000e+00, v5  }
0xfe: {  	v6 =	vadd.f32 $1.000000000e+00, v6  }
0xff: {  	v60 =	vshrl.u32 v5, $0x1;
	v5 =	vmul.f32 $5.000000000e-01, v5  }
0x100: {  	v61 =	vshrl.u32 v6, $0x1;
	v6 =	vmul.f32 $5.000000000e-01, v6;
	v7 =	vsub.s32 $0x5F3759DF, v60  }
0x101: {  	v8 =	vsub.s32 $0x5F3759DF, v61;
	v62 =	vmul.f32 v7, v5  }
0x102: {  	v63 =	vmul.f32 v8, v6  }
0x103: {  	v9 =	vmul.f32 v7, v62  }
0x104: {  	v10 =	vmul.f32 v8, v63  }
0x105: {  	v9 =	vsub.f32 $1.500000000e+00, v9  }
0x106: {  	v10 =	vsub.f32 $1.500000000e+00, v10  }
0x107: {  	v7 =	vmul.f32 v7, v9  }
0x108: {  	v8 =	vmul.f32 v8, v10  }
0x109: {  	v9 =	vmul.f32 v7, v5  }
0x10a: {  	v10 =	vmul.f32 v8, v6  }
0x10b: {  	v9 =	vmul.f32 v9, v7  }
0x10c: {  	v10 =	vmul.f32 v10, v8  }
0x10d: {  	v9 =	vsub.f32 $1.500000000e+00, v9  }
0x10e: {  	v10 =	vsub.f32 $1.500000000e+00, v10  }
0x10f: {  	v7 =	vmul.f32 v9, v7  }
0x110: {  	v8 =	vmul.f32 v10, v8  }
0x111: {  	v5 =	vmul.f32 v7, v5  }
0x112: {  	v6 =	vmul.f32 v8, v6  }
0x113: {  	v5 =	vmul.f32 v5, v7  }
0x114: {  	v6 =	vmul.f32 v6, v8  }
0x115: {  	v5 =	vsub.f32 $1.500000000e+00, v5  }
0x116: {  	v6 =	vsub.f32 $1.500000000e+00, v6  }
0x117: {  	v5 =	vmul.f32 v5, v7  }
0x118: {  	[tilespmem:$0x1D30] =	vst v4;
	v4 =	vmul.f32 v6, v8  }
0x119: {  	p1 =	por $0x0, $0x0;
	s12 =	simm.s32 $0x1B00;
	[tilespmem:$0x1A00] =	vst v5  }
0x11a: {  	s13 =	simm.s32 $0x0;
	s11 =	simm.s32 $0x1A00;
	s10 =	simm.s32 $0x0;
	[tilespmem:$0x1A10] =	vst v4  }
.LBB2_5:
0x11b: {  	s14 =	simm.s32 $0x1  }
0x11c: {  	s14 =	simm.s32 @!p1 $0x0  }
0x11d: {  	s15 =	sand.u32 $0x40, s13;
	s16 =	sand.u32 $0x700, s10;
	s14 =	sshll.u32 s14, $0x6  }
0x11e: {  	s15 =	sor.u32 s15, s16;
	s14 =	sadd.s32 s14, s10  }
0x11f: {  	v4 =	vld [tilespmem:s15+$0x0];
	s29 =	sor.u32 $0x80, s14  }
0x120: {  	v5 =	vld [tilespmem:s29+$0x0];
	_ =	sdelay $0x6  }
0x121: {  	v6 =	vld.idx.msk [tilespmem:v4+s11+$0x0], $0xffff  }
0x122: {  	v7 =	vld.idx.msk [tilespmem:v5+s11+$0x0], $0xffff;
	v5 =	vmul.u32 $0x18, v5;
	_ =	sdelay $0x1  }
0x123: {  	v4 =	vadd.s32 v4, v5;
	_ =	sdelay $0x2  }
0x124: {  	v5 =	vmul.f32 v7, v6;
	_ =	sdelay $0x1  }
0x125: {  	s30 =	sadd.s32 $0x10, s14;
	[tilespmem:v4+s12+$0x0] =	vst.idx.add.f32.msk $0xffff, v5  }
0x126: {  	s16 =	sor.u32 $0x80, s30;
	v4 =	vld [tilespmem:s15+$0x10]  }
0x127: {  	v5 =	vld [tilespmem:s16+$0x0];
	_ =	sdelay $0x6  }
0x128: {  	v58 =	vld.idx.msk [tilespmem:v4+s11+$0x0], $0xffff  }
0x129: {  	v59 =	vld.idx.msk [tilespmem:v5+s11+$0x0], $0xffff;
	v5 =	vmul.u32 $0x18, v5;
	_ =	sdelay $0x1  }
0x12a: {  	v4 =	vadd.s32 v4, v5;
	_ =	sdelay $0x2  }
0x12b: {  	v5 =	vmul.f32 v59, v58;
	_ =	sdelay $0x1  }
0x12c: {  	s31 =	sadd.s32 $0x20, s14;
	[tilespmem:v4+s12+$0x0] =	vst.idx.add.f32.msk $0xffff, v5  }
0x12d: {  	s16 =	sor.u32 $0x80, s31;
	v4 =	vld [tilespmem:s15+$0x20]  }
0x12e: {  	v5 =	vld [tilespmem:s16+$0x0];
	_ =	sdelay $0x6  }
0x12f: {  	v60 =	vld.idx.msk [tilespmem:v4+s11+$0x0], $0xffff  }
0x130: {  	v61 =	vld.idx.msk [tilespmem:v5+s11+$0x0], $0xffff;
	v5 =	vmul.u32 $0x18, v5;
	_ =	sdelay $0x1  }
0x131: {  	v4 =	vadd.s32 v4, v5;
	_ =	sdelay $0x2  }
0x132: {  	v5 =	vmul.f32 v61, v60;
	_ =	sdelay $0x1  }
0x133: {  	s14 =	sadd.s32 $0x30, s14;
	[tilespmem:v4+s12+$0x0] =	vst.idx.add.f32.msk $0xffff, v5  }
0x134: {  	s14 =	sor.u32 $0x80, s14;
	v4 =	vld [tilespmem:s15+$0x30]  }
0x135: {  	v5 =	vld [tilespmem:s14+$0x0];
	_ =	sdelay $0x6  }
0x136: {  	v62 =	vld.idx.msk [tilespmem:v4+s11+$0x0], $0xffff  }
0x137: {  	v63 =	vld.idx.msk [tilespmem:v5+s11+$0x0], $0xffff;
	v5 =	vmul.u32 $0x18, v5;
	_ =	sdelay $0x1  }
0x138: {  	p2 =	sne.s32 s13, $0x200;
	v4 =	vadd.s32 v4, v5  }
.Ltmp2:
0x139: {  	_ = 	snop;
	(pc) =	sbr.rel @p2 .LBB2_5-.Ltmp2, $3  }
0x13a: {  	_ = 	snop  }
0x13b: {  	v5 =	vmul.f32 v63, v62;
	_ =	sdelay $0x1  }
0x13c: {  	s13 =	sadd.s32 $0x40, s13;
	p1 =	por !p1, !p1;
	s10 =	sadd.s32 $0x80, s10;
	[tilespmem:v4+s12+$0x0] =	vst.idx.add.f32.msk $0xffff, v5  }
0x13d: {  	s10 =	simm.s32 $0x4  }
0x13e: {  	_ =	swait.ge [sflag:s10], $0x8  }
0x13f: {  	[sflag:s10] =	ssyncset.done $0x0  }
0x140: {  	[sflag:s10] =	ssyncadd.s32 $0xFFFFFFF8  }
0x141: {  	_ =	swait.ge [sflag:s10], $0x800  }
0x142: {  	v4 =	vimm.s32 $0x76543210;
	[sflag:s10] =	ssyncset.done $0x0  }
0x143: {  	v5 =	vimm.s32 $0x13121110;
	v6 =	vimm.s32 $0x17161514;
	v4 =	vunpack.c.l.s4.s8 v4;
	[sflag:s10] =	ssyncadd.s32 $0xFFFFF800  }
0x144: {  	v5 =	vunpack.c.0.s8.s32 v5;
	v6 =	vunpack.c.0.s8.s32 v6;
	_ =	swait.ge [sflag:s10], $0x8  }
0x145: {  	vm1 =	vcmask $0x1F10;
	v4 =	vunpack.c.0.s8.s32 v4;
	[sflag:s10] =	ssyncset.done $0x0  }
0x146: {  	v5 =	vsel vm1, v6, v5;
	[sflag:s10] =	ssyncadd.s32 $0xFFFFFFF8  }
0x147: {  	s26 =	simm.s32 $0x1900;
	v5 =	vcombine.low v4, v5;
	[bflag:$0x0] =	sbarrier.arrive $0xFFFF  }
0x148: {  	v7 =	vimm.s32 $0x23222120;
	v8 =	vimm.s32 $0x27262524;
	[tilespmem:s26], [sflag:$0x5] =	stream.linear.gather [spmem:s7], $0x100, $0x38;
	[tilespmem:$0x2B28] =	vst v63  }
0x149: {  	v7 =	vunpack.c.0.s8.s32 v7;
	v6 =	vimm.s32 $0x37363534;
	v4 =	vimm.s32 $0x33323130;
	s7 =	simm.s32 $0x5  }
0x14a: {  	v8 =	vunpack.c.0.s8.s32 v8;
	v6 =	vunpack.c.0.s8.s32 v6;
	v4 =	vunpack.c.0.s8.s32 v4;
	_ =	swait.ge [sflag:s7], $0x100  }
0x14b: {  	[sflag:s7] =	ssyncset.done $0x0  }
0x14c: {  	v7 =	vsel vm1, v8, v7;
	v6 =	vsel vm1, v6, v4;
	[sflag:s7] =	ssyncadd.s32 $0xFFFFFF00  }
0x14d: {  	v6 =	vcombine.low v7, v6;
	v4 =	vld.idx.msk [tilespmem:v5+s26+$0x0], $0xffff  }
0x14e: {  	v49 =	vimm.s32 $0x57565554;
	v9 =	vimm.s32 $0x43424140  }
0x14f: {  	v10 =	vimm.s32 $0x47464544;
	v9 =	vunpack.c.0.s8.s32 v9;
	v7 =	vimm.s32 $0x53525150  }
0x150: {  	v10 =	vunpack.c.0.s8.s32 v10;
	v8 =	vunpack.c.0.s8.s32 v49;
	v7 =	vunpack.c.0.s8.s32 v7;
	_ =	sdelay $0x1  }
0x151: {  	v50 =	vsel vm1, v10, v9;
	v7 =	vsel vm1, v8, v7;
	[tilespmem:$0x1800] =	vst v4  }
0x152: {  	v7 =	vcombine.low v50, v7;
	v21 =	vld.idx.msk [tilespmem:v6+s26+$0x0], $0xffff  }
0x153: {  	v51 =	vimm.s32 $0x73727170;
	v53 =	vimm.s32 $0x77767574  }
0x154: {  	v54 =	vimm.s32 $0x63626160;
	v11 =	vimm.s32 $0x67666564;
	v52 =	vunpack.c.0.s8.s32 v51  }
0x155: {  	v11 =	vunpack.c.0.s8.s32 v11;
	v9 =	vunpack.c.0.s8.s32 v53;
	v10 =	vunpack.c.0.s8.s32 v54;
	_ =	sdelay $0x1  }
0x156: {  	v55 =	vsel vm1, v11, v10;
	v8 =	vsel vm1, v9, v52;
	[tilespmem:$0x1810] =	vst v21  }
0x157: {  	v56 =	vimm.s32 $0x93929190;
	v58 =	vimm.s32 $0x97969594;
	v8 =	vcombine.low v55, v8;
	v22 =	vld.idx.msk [tilespmem:v7+s26+$0x0], $0xffff  }
0x158: {  	v59 =	vimm.s32 $0x83828180;
	v12 =	vimm.s32 $0x87868584;
	v57 =	vunpack.c.0.s8.s32 v56  }
0x159: {  	v12 =	vunpack.c.0.s8.s32 v12;
	v10 =	vunpack.c.0.s8.s32 v58;
	v11 =	vunpack.c.0.s8.s32 v59;
	_ =	sdelay $0x1  }
0x15a: {  	v60 =	vsel vm1, v12, v11;
	v9 =	vsel vm1, v10, v57  }
0x15b: {  	v9 =	vcombine.low v60, v9;
	[tilespmem:$0x1820] =	vst v22  }
0x15c: {  	v61 =	vimm.s32 $0xB3B2B1B0;
	v62 =	vimm.s32 $0xB7B6B5B4;
	v13 =	vimm.s32 $0xA7A6A5A4;
	v23 =	vld.idx.msk [tilespmem:v8+s26+$0x0], $0xffff  }
0x15d: {  	v63 =	vimm.s32 $0xA3A2A1A0;
	v13 =	vunpack.c.0.s8.s32 v13;
	v9 =	vand.u32 $0xFF, v9  }
0x15e: {  	v11 =	vunpack.c.0.s8.s32 v62;
	v12 =	vunpack.c.0.s8.s32 v63;
	v10 =	vunpack.c.0.s8.s32 v61;
	_ =	sdelay $0x1  }
0x15f: {  	v16 =	vsel vm1, v13, v12;
	v10 =	vsel vm1, v11, v10  }
0x160: {  	v10 =	vcombine.low v16, v10;
	[tilespmem:$0x1830] =	vst v23  }
0x161: {  	v17 =	vimm.s32 $0xD3D2D1D0;
	v19 =	vimm.s32 $0xD7D6D5D4;
	v20 =	vimm.s32 $0xC3C2C1C0;
	v24 =	vld.idx.msk [tilespmem:v9+s26+$0x0], $0xffff  }
0x162: {  	v14 =	vimm.s32 $0xC7C6C5C4;
	v18 =	vunpack.c.0.s8.s32 v17;
	v10 =	vand.u32 $0xFF, v10  }
0x163: {  	v14 =	vunpack.c.0.s8.s32 v14;
	v12 =	vunpack.c.0.s8.s32 v19;
	v13 =	vunpack.c.0.s8.s32 v20;
	_ =	sdelay $0x1  }
0x164: {  	v27 =	vsel vm1, v14, v13;
	v11 =	vsel vm1, v12, v18  }
0x165: {  	v11 =	vcombine.low v27, v11;
	[tilespmem:$0x1840] =	vst v24  }
0x166: {  	v28 =	vimm.s32 $0xF3F2F1F0;
	v29 =	vimm.s32 $0xF7F6F5F4;
	v15 =	vimm.s32 $0xE7E6E5E4;
	v25 =	vld.idx.msk [tilespmem:v10+s26+$0x0], $0xffff  }
0x167: {  	v30 =	vimm.s32 $0xE3E2E1E0;
	v15 =	vunpack.c.0.s8.s32 v15;
	v11 =	vand.u32 $0xFF, v11  }
0x168: {  	v13 =	vunpack.c.0.s8.s32 v29;
	v14 =	vunpack.c.0.s8.s32 v30;
	v12 =	vunpack.c.0.s8.s32 v28;
	_ =	sdelay $0x1  }
0x169: {  	v31 =	vsel vm1, v15, v14;
	v12 =	vsel vm1, v13, v12  }
0x16a: {  	v32 =	vimm.s32 $0xFEDCBA98;
	v12 =	vcombine.low v31, v12;
	[tilespmem:$0x1850] =	vst v25  }
0x16b: {  	v34 =	vimm.s32 $0x2B2A2928;
	v35 =	vimm.s32 $0x2F2E2D2C;
	v36 =	vimm.s32 $0x1F1E1D1C;
	v26 =	vld.idx.msk [tilespmem:v11+s26+$0x0], $0xffff  }
0x16c: {  	v33 =	vunpack.c.l.s4.s8 v32;
	v17 =	vunpack.c.0.s8.s32 v34;
	v12 =	vand.u32 $0xFF, v12  }
0x16d: {  	v19 =	vimm.s32 $0x3F3E3D3C;
	v20 =	vunpack.c.0.s8.s32 v36;
	v15 =	vunpack.c.0.s8.s32 v35  }
0x16e: {  	v18 =	vimm.s32 $0x3B3A3938;
	v16 =	vimm.s32 $0x1B1A1918;
	v13 =	vunpack.c.0.s8.s32 v33  }
0x16f: {  	v19 =	vunpack.c.0.s8.s32 v19;
	v18 =	vunpack.c.0.s8.s32 v18;
	v16 =	vunpack.c.0.s8.s32 v16  }
0x170: {  	v14 =	vand.u32 $0xF, v13;
	v13 =	vsel vm1, v15, v17;
	[tilespmem:$0x1860] =	vst v26  }
0x171: {  	v16 =	vsel vm1, v20, v16;
	v15 =	vsel vm1, v19, v18;
	v17 =	vcombine.low v14, v13;
	v27 =	vld.idx.msk [tilespmem:v12+s26+$0x0], $0xffff  }
0x172: {  	v18 =	vcombine.low v16, v15  }
0x173: {  	v37 =	vimm.s32 $0x4B4A4948  }
0x174: {  	v38 =	vimm.s32 $0x4F4E4D4C;
	v39 =	vimm.s32 $0x5F5E5D5C;
	v32 =	vimm.s32 $0x7B7A7978  }
0x175: {  	v32 =	vunpack.c.0.s8.s32 v32;
	v29 =	vimm.s32 $0x6F6E6D6C;
	v28 =	vimm.s32 $0x6B6A6968  }
0x176: {  	v30 =	vimm.s32 $0x5B5A5958;
	v29 =	vunpack.c.0.s8.s32 v29;
	v28 =	vunpack.c.0.s8.s32 v28;
	[tilespmem:$0x1870] =	vst v27  }
0x177: {  	v33 =	vimm.s32 $0x7F7E7D7C;
	v19 =	vunpack.c.0.s8.s32 v37;
	v20 =	vunpack.c.0.s8.s32 v38;
	v31 =	vld.idx.msk [tilespmem:v17+s26+$0x0], $0xffff  }
0x178: {  	v30 =	vunpack.c.0.s8.s32 v30;
	v35 =	vunpack.c.0.s8.s32 v39;
	v33 =	vunpack.c.0.s8.s32 v33;
	v34 =	vld.idx.msk [tilespmem:v18+s26+$0x0], $0xffff  }
0x179: {  	v18 =	vsel vm1, v20, v19;
	v17 =	vsel vm1, v29, v28  }
0x17a: {  	v20 =	vsel vm1, v35, v30;
	v19 =	vsel vm1, v33, v32;
	v28 =	vcombine.low v18, v17  }
0x17b: {  	v40 =	vcombine.low v20, v19  }
0x17c: {  	v41 =	vimm.s32 $0xABAAA9A8;
	v42 =	vimm.s32 $0xAFAEADAC  }
0x17d: {  	v43 =	vimm.s32 $0x8B8A8988;
	v36 =	vimm.s32 $0xBFBEBDBC;
	v30 =	vadd.f32 v34, v31  }
0x17e: {  	v44 =	vimm.s32 $0x8F8E8D8C;
	v45 =	vimm.s32 $0xBBBAB9B8;
	v36 =	vunpack.c.0.s8.s32 v36  }
0x17f: {  	v37 =	vimm.s32 $0x9B9A9998;
	v38 =	vimm.s32 $0x9F9E9D9C;
	v32 =	vunpack.c.0.s8.s32 v42;
	[tilespmem:$0x1880] =	vst v30  }
0x180: {  	v33 =	vunpack.c.0.s8.s32 v43;
	v31 =	vunpack.c.0.s8.s32 v41;
	v34 =	vunpack.c.0.s8.s32 v44;
	v28 =	vld.idx.msk [tilespmem:v28+s26+$0x0], $0xffff  }
0x181: {  	v37 =	vunpack.c.0.s8.s32 v37;
	v38 =	vunpack.c.0.s8.s32 v38;
	v35 =	vunpack.c.0.s8.s32 v45;
	v29 =	vld.idx.msk [tilespmem:v40+s26+$0x0], $0xffff  }
0x182: {  	v31 =	vsel vm1, v32, v31;
	v46 =	vsel vm1, v34, v33  }
0x183: {  	v48 =	vsel vm1, v38, v37;
	v47 =	vsel vm1, v36, v35;
	v31 =	vcombine.low v46, v31  }
0x184: {  	v51 =	vimm.s32 $0xEFEEEDEC;
	v49 =	vcombine.low v48, v47  }
0x185: {  	v56 =	vimm.s32 $0xDBDAD9D8;
	v53 =	vimm.s32 $0xCFCECDCC;
	v31 =	vand.u32 $0xFF, v31  }
0x186: {  	v54 =	vimm.s32 $0xFBFAF9F8;
	v28 =	vadd.f32 v29, v28;
	v29 =	vand.u32 $0xFF, v49  }
0x187: {  	v52 =	vimm.s32 $0xCBCAC9C8;
	v50 =	vimm.s32 $0xEBEAE9E8;
	v39 =	vimm.s32 $0xDFDEDDDC  }
0x188: {  	v55 =	vimm.s32 $0xFFFEFDFC;
	v39 =	vunpack.c.0.s8.s32 v39;
	v35 =	vunpack.c.0.s8.s32 v53  }
0x189: {  	v32 =	vunpack.c.0.s8.s32 v50;
	v33 =	vunpack.c.0.s8.s32 v51;
	v34 =	vunpack.c.0.s8.s32 v52;
	[tilespmem:$0x1890] =	vst v28  }
0x18a: {  	v37 =	vunpack.c.0.s8.s32 v55;
	v38 =	vunpack.c.0.s8.s32 v56;
	v36 =	vunpack.c.0.s8.s32 v54;
	v31 =	vld.idx.msk [tilespmem:v31+s26+$0x0], $0xffff  }
0x18b: {  	v32 =	vsel vm1, v33, v32;
	v57 =	vsel vm1, v35, v34;
	v29 =	vld.idx.msk [tilespmem:v29+s26+$0x0], $0xffff  }
0x18c: {  	v59 =	vsel vm1, v39, v38;
	v58 =	vsel vm1, v37, v36;
	v32 =	vcombine.low v57, v32  }
0x18d: {  	v33 =	vcombine.low v59, v58  }
0x18e: {  	v32 =	vand.u32 $0xFF, v32  }
0x18f: {  	v33 =	vand.u32 $0xFF, v33  }
0x190: {  	v29 =	vadd.f32 v29, v31;
	_ =	sdelay $0x1  }
0x191: {  	[tilespmem:$0x18A0] =	vst v29  }
0x192: {  	v60 =	vld.idx.msk [tilespmem:v32+s26+$0x0], $0xffff  }
0x193: {  	v61 =	vld.idx.msk [tilespmem:v33+s26+$0x0], $0xffff;
	_ =	sdelay $0x4  }
0x194: {  	v31 =	vadd.f32 v61, v60;
	_ =	sdelay $0x1  }
0x195: {  	[tilespmem:$0x18B0] =	vst v31  }
0x196: {  	v62 =	vld [tilespmem:s9+$0x1B00];
	_ =	sdelay $0x4  }
0x197: {  	v63 =	vbroadcast v62, $0x0;
	v36 =	vbroadcast v62, $0x1;
	_ =	sdelay $0x1  }
0x198: {  	v37 =	vbroadcast v62, $0x2;
	v38 =	vbroadcast v62, $0x3;
	v33 =	vsel vm0, v63, v36  }
0x199: {  	v4 =	vmul.f32 v33, v4  }
0x19a: {  	v40 =	vbroadcast v62, $0x4;
	v41 =	vbroadcast v62, $0x5;
	v39 =	vsel vm0, v37, v38  }
0x19b: {  	v21 =	vmul.f32 v39, v21;
	v4 =	vadd.f32 $0.0e+00, v4  }
0x19c: {  	v43 =	vbroadcast v62, $0x6;
	v44 =	vbroadcast v62, $0x7;
	v42 =	vsel vm0, v40, v41  }
0x19d: {  	v45 =	vmul.f32 v42, v22;
	v4 =	vadd.f32 v4, v21  }
0x19e: {  	v47 =	vbroadcast v62, $0x8;
	v48 =	vbroadcast v62, $0x9;
	v46 =	vsel vm0, v43, v44  }
0x19f: {  	v49 =	vmul.f32 v46, v23;
	v4 =	vadd.f32 v4, v45  }
0x1a0: {  	v51 =	vbroadcast v62, $0xA;
	v52 =	vbroadcast v62, $0xB;
	v50 =	vsel vm0, v47, v48  }
0x1a1: {  	v53 =	vld [tilespmem:s9+$0x1B08];
	v54 =	vmul.f32 v50, v24;
	v4 =	vadd.f32 v4, v49  }
0x1a2: {  	v56 =	vbroadcast v62, $0xC;
	v57 =	vbroadcast v62, $0xD;
	v55 =	vsel vm0, v51, v52  }
0x1a3: {  	v58 =	vmul.f32 v55, v25;
	v4 =	vadd.f32 v4, v54  }
0x1a4: {  	v60 =	vbroadcast v62, $0xE;
	v61 =	vbroadcast v62, $0xF;
	v59 =	vsel vm0, v56, v57  }
0x1a5: {  	v62 =	vmul.f32 v59, v26;
	v4 =	vadd.f32 v4, v58  }
0x1a6: {  	v32 =	vbroadcast v53, $0x8;
	v63 =	vsel vm0, v60, v61;
	v33 =	vbroadcast v53, $0x9  }
0x1a7: {  	v35 =	vmul.f32 v63, v27;
	v4 =	vadd.f32 v4, v62  }
0x1a8: {  	v37 =	vbroadcast v53, $0xA;
	v38 =	vbroadcast v53, $0xB;
	v36 =	vsel vm0, v32, v33  }
0x1a9: {  	v39 =	vmul.f32 v36, v30;
	v4 =	vadd.f32 v4, v35  }
0x1aa: {  	v41 =	vbroadcast v53, $0xC;
	v42 =	vbroadcast v53, $0xD;
	v40 =	vsel vm0, v37, v38  }
0x1ab: {  	v43 =	vmul.f32 v40, v28;
	v4 =	vadd.f32 v4, v39  }
0x1ac: {  	v46 =	vbroadcast v53, $0xF;
	v44 =	vsel vm0, v41, v42;
	v45 =	vbroadcast v53, $0xE  }
0x1ad: {  	v47 =	vmul.f32 v44, v29;
	v4 =	vadd.f32 v4, v43  }
0x1ae: {  	v48 =	vsel vm0, v45, v46  }
0x1af: {  	v49 =	vmul.f32 v48, v31;
	v4 =	vadd.f32 v4, v47;
	_ =	sdelay $0x1  }
0x1b0: {  	v4 =	vadd.f32 v4, v49;
	_ =	sdelay $0x1  }
0x1b1: {  	[tilespmem:$0x2A80] =	vst v4  }
0x1b2: {  	v4 =	vld [tilespmem:s8+$0x1B00];
	_ =	sdelay $0x2  }
0x1b3: {  	v50 =	vld [tilespmem:$0x1800];
	_ =	sdelay $0x1  }
0x1b4: {  	v53 =	vld [tilespmem:$0x1810];
	v51 =	vbroadcast v4, $0x0;
	v52 =	vbroadcast v4, $0x1;
	_ =	sdelay $0x1  }
0x1b5: {  	v56 =	vld [tilespmem:$0x1820];
	v54 =	vbroadcast v4, $0x2;
	v55 =	vbroadcast v4, $0x3;
	v22 =	vsel vm0, v51, v52  }
0x1b6: {  	v21 =	vmul.f32 v50, v22  }
0x1b7: {  	v60 =	vld [tilespmem:$0x1830];
	v58 =	vbroadcast v4, $0x4;
	v59 =	vbroadcast v4, $0x5;
	v57 =	vsel vm0, v54, v55  }
0x1b8: {  	v22 =	vmul.f32 v53, v57;
	v21 =	vadd.f32 $0.0e+00, v21  }
0x1b9: {  	v63 =	vld [tilespmem:$0x1840];
	v61 =	vbroadcast v4, $0x6;
	v62 =	vbroadcast v4, $0x7;
	v23 =	vsel vm0, v58, v59  }
0x1ba: {  	v29 =	vmul.f32 v56, v23;
	v21 =	vadd.f32 v22, v21  }
0x1bb: {  	v33 =	vld [tilespmem:$0x1850];
	v31 =	vbroadcast v4, $0x8;
	v32 =	vbroadcast v4, $0x9;
	v30 =	vsel vm0, v61, v62  }
0x1bc: {  	v34 =	vmul.f32 v60, v30;
	v21 =	vadd.f32 v29, v21  }
0x1bd: {  	v38 =	vld [tilespmem:$0x1860];
	v36 =	vbroadcast v4, $0xA;
	v37 =	vbroadcast v4, $0xB;
	v35 =	vsel vm0, v31, v32  }
0x1be: {  	v39 =	vld [tilespmem:s8+$0x1B08];
	v40 =	vmul.f32 v63, v35;
	v21 =	vadd.f32 v34, v21  }
0x1bf: {  	v44 =	vld [tilespmem:$0x1870];
	v42 =	vbroadcast v4, $0xC;
	v43 =	vbroadcast v4, $0xD;
	v41 =	vsel vm0, v36, v37  }
0x1c0: {  	v45 =	vmul.f32 v33, v41;
	v21 =	vadd.f32 v40, v21  }
0x1c1: {  	v49 =	vld [tilespmem:$0x1880];
	v47 =	vbroadcast v4, $0xE;
	v48 =	vbroadcast v4, $0xF;
	v46 =	vsel vm0, v42, v43  }
0x1c2: {  	v50 =	vmul.f32 v38, v46;
	v21 =	vadd.f32 v45, v21  }
0x1c3: {  	v51 =	vsel vm0, v47, v48;
	v52 =	vbroadcast v39, $0x8;
	v54 =	vld [tilespmem:$0x1890];
	v53 =	vbroadcast v39, $0x9  }
0x1c4: {  	v56 =	vmul.f32 v44, v51;
	v21 =	vadd.f32 v50, v21  }
0x1c5: {  	v58 =	vbroadcast v39, $0xA;
	v59 =	vbroadcast v39, $0xB;
	v60 =	vld [tilespmem:$0x18A0];
	v57 =	vsel vm0, v52, v53  }
0x1c6: {  	v4 =	vlaneseq.u32;
	v62 =	vmul.f32 v49, v57;
	v21 =	vadd.f32 v56, v21  }
0x1c7: {  	v32 =	vbroadcast v39, $0xC;
	v33 =	vbroadcast v39, $0xD;
	v63 =	vsel vm0, v58, v59;
	v34 =	vld [tilespmem:$0x18B0]  }
0x1c8: {  	v61 =	vor.u32 $0x8, v4;
	v35 =	vmul.f32 v54, v63;
	v21 =	vadd.f32 v62, v21  }
0x1c9: {  	v37 =	vbroadcast v39, $0xE;
	v38 =	vbroadcast v39, $0xF;
	v36 =	vsel vm0, v32, v33  }
0x1ca: {  	v55 =	vand.u32 $0x7, v4;
	v39 =	vmul.f32 v60, v36;
	v21 =	vadd.f32 v35, v21  }
0x1cb: {  	s28 =	simm.s32 $0x1A00;
	v24 =	vsel vm0, v37, v38  }
0x1cc: {  	s29 =	simm.s32 $0x1800;
	v1 =	vld.idx.msk [tilespmem:v1+s28+$0x0], $0xffff;
	v42 =	vmul.f32 v34, v24;
	v21 =	vadd.f32 v39, v21  }
0x1cd: {  	s8 =	simm.s32 $0x2A80;
	v3 =	vld.idx.msk [tilespmem:v3+s29+$0x0], $0xffff  }
0x1ce: {  	s11 =	simm.s32 $0x2880;
	v41 =	vld.idx.msk [tilespmem:v61+s8+$0x0], $0xffff;
	v21 =	vadd.f32 v42, v21  }
0x1cf: {  	v43 =	vld.idx.msk [tilespmem:v55+s11+$0x0], $0xffff  }
0x1d0: {  	v40 =	vld.idx.msk [tilespmem:v55+s8+$0x0], $0xffff;
	[tilespmem:$0x2A80] =	vst v21  }
0x1d1: {  	v21 =	vld.idx.msk [tilespmem:v55+s8+$0x0], $0xffff  }
0x1d2: {  	v0 =	vld.idx.msk [tilespmem:v0+s28+$0x0], $0xffff  }
0x1d3: {  	v44 =	vld.idx.msk [tilespmem:v61+s8+$0x0], $0xffff  }
0x1d4: {  	v2 =	vld.idx.msk [tilespmem:v2+s29+$0x0], $0xffff;
	_ =	sdelay $0x1  }
0x1d5: {  	v1 =	vmul.f32 v1, v1  }
0x1d6: {  	v0 =	vmul.f32 v0, v0  }
0x1d7: {  	v1 =	vmul.f32 v3, v1;
	v45 =	vld.idx.msk [tilespmem:v55+s11+$0x0], $0xffff  }
0x1d8: {  	v23 =	vadd.f32 v41, v40;
	v3 =	vadd.f32 v44, v21;
	v0 =	vmul.f32 v2, v0;
	_ =	sdelay $0x1  }
0x1d9: {  	v1 =	vadd.f32 v1, v23;
	v0 =	vadd.f32 v0, v3;
	_ =	sdelay $0x1  }
0x1da: {  	v1 =	vadd.f32 v1, v43;
	v0 =	vadd.f32 v0, v45;
	_ =	sdelay $0x1  }
0x1db: {  	v1 =	vmax.f32 v1, $0.0e+00;
	v0 =	vmax.f32 v0, $0.0e+00  }
0x1dc: {  	v0 =	vsel vm0, v1, v0  }
0x1dd: {  	s30 =	simm.s32 $0x2A00;
	[tilespmem:$0x2A00] =	vst v0  }
0x1de: {  	[spmem:s6] =	stream.linear.scatter [tilespmem:s30], [sflag:$0x5], $0x10, $0x38;
	[tilespmem:$0x2B28] =	vst v63  }
0x1df: {  	_ =	swait.ge [sflag:s7], $0x10  }
0x1e0: {  	[sflag:s7] =	ssyncset.done $0x0  }
0x1e1: {  	[sflag:s7] =	ssyncadd.s32 $0xFFFFFFF0  }
0x1e2: {  	s31 =	simm.s32 $0x1E00;
	[bflag:$0x0] =	sbarrier.arrive $0xFFFF  }
0x1e3: {  	[tilespmem:s31], [sflag:$0x5] =	stream.linear.gather [spmem:s5], $0x100, $0x38;
	[tilespmem:$0x2B28] =	vst v63  }
0x1e4: {  	_ =	swait.ge [sflag:s7], $0x100  }
0x1e5: {  	[sflag:s7] =	ssyncset.done $0x0  }
0x1e6: {  	[sflag:s7] =	ssyncadd.s32 $0xFFFFFF00  }
0x1e7: {  	v23 =	vld.idx.msk [tilespmem:v5+s31+$0x0], $0xffff  }
0x1e8: {  	v22 =	vld.idx.msk [tilespmem:v6+s31+$0x0], $0xffff  }
0x1e9: {  	v46 =	vcombine.low v14, v16;
	v21 =	vld.idx.msk [tilespmem:v7+s31+$0x0], $0xffff  }
0x1ea: {  	v47 =	vcombine.low v13, v15;
	v14 =	vld.idx.msk [tilespmem:v8+s31+$0x0], $0xffff  }
0x1eb: {  	v48 =	vcombine.low v18, v20;
	v8 =	vld.idx.msk [tilespmem:v9+s31+$0x0], $0xffff  }
0x1ec: {  	v49 =	vcombine.low v17, v19;
	v7 =	vld.idx.msk [tilespmem:v10+s31+$0x0], $0xffff  }
0x1ed: {  	v6 =	vld.idx.msk [tilespmem:v11+s31+$0x0], $0xffff  }
0x1ee: {  	v5 =	vld.idx.msk [tilespmem:v12+s31+$0x0], $0xffff  }
0x1ef: {  	v3 =	vld.idx.msk [tilespmem:v46+s31+$0x0], $0xffff  }
0x1f0: {  	v2 =	vld.idx.msk [tilespmem:v47+s31+$0x0], $0xffff  }
0x1f1: {  	v1 =	vld.idx.msk [tilespmem:v48+s31+$0x0], $0xffff  }
0x1f2: {  	v0 =	vld.idx.msk [tilespmem:v49+s31+$0x0], $0xffff  }
0x1f3: {  	v50 =	vld [tilespmem:$0x1F00]  }
0x1f4: {  	v51 =	vld [tilespmem:$0x1F10]  }
0x1f5: {  	v59 =	vld [tilespmem:$0x1F20]  }
0x1f6: {  	v60 =	vld [tilespmem:$0x1F30]  }
0x1f7: {  	v61 =	vld [tilespmem:$0x1F40]  }
0x1f8: {  	v62 =	vld [tilespmem:$0x1F50]  }
0x1f9: {  	v16 =	vld [tilespmem:$0x1F60]  }
0x1fa: {  	v17 =	vld [tilespmem:$0x1F70]  }
0x1fb: {  	v18 =	vld [tilespmem:$0x2300]  }
0x1fc: {  	v19 =	vld [tilespmem:$0x2310]  }
0x1fd: {  	v20 =	vld [tilespmem:$0x2320]  }
0x1fe: {  	v24 =	vld [tilespmem:$0x2330]  }
0x1ff: {  	v63 =	vld [tilespmem:$0x1F80]  }
0x200: {  	v52 =	vld [tilespmem:$0x1F90]  }
0x201: {  	v53 =	vld [tilespmem:$0x1FA0]  }
0x202: {  	v54 =	vld [tilespmem:$0x1FB0]  }
0x203: {  	v55 =	vld [tilespmem:$0x1FC0]  }
0x204: {  	v56 =	vld [tilespmem:$0x1FD0]  }
0x205: {  	v31 =	vld [tilespmem:$0x1FE0]  }
0x206: {  	v32 =	vld [tilespmem:$0x1FF0]  }
0x207: {  	v33 =	vld [tilespmem:$0x2380]  }
0x208: {  	v34 =	vld [tilespmem:$0x2390]  }
0x209: {  	v35 =	vld [tilespmem:$0x23A0]  }
0x20a: {  	v36 =	vld [tilespmem:$0x23B0]  }
0x20b: {  	v57 =	vld [tilespmem:$0x2000]  }
0x20c: {  	v58 =	vld [tilespmem:$0x2010]  }
0x20d: {  	v39 =	vld [tilespmem:$0x2020]  }
0x20e: {  	v40 =	vld [tilespmem:$0x2030]  }
0x20f: {  	v41 =	vld [tilespmem:$0x2040]  }
0x210: {  	v42 =	vld [tilespmem:$0x2050]  }
0x211: {  	v43 =	vld [tilespmem:$0x2060]  }
0x212: {  	v44 =	vld [tilespmem:$0x2070]  }
0x213: {  	v45 =	vld [tilespmem:$0x2400]  }
0x214: {  	v46 =	vld [tilespmem:$0x2410]  }
0x215: {  	v47 =	vld [tilespmem:$0x2420]  }
0x216: {  	v11 =	vld [tilespmem:$0x2430]  }
0x217: {  	v48 =	vld [tilespmem:$0x2080]  }
0x218: {  	v12 =	vld [tilespmem:$0x2090];
	v9 =	vmul.f32 v50, v23;
	v10 =	vmul.f32 v51, v22  }
0x219: {  	v49 =	vld [tilespmem:$0x20A0];
	v59 =	vmul.f32 v59, v21;
	v60 =	vmul.f32 v60, v14  }
0x21a: {  	v13 =	vld [tilespmem:$0x20B0];
	v61 =	vmul.f32 v61, v8;
	v25 =	vmul.f32 v63, v23  }
0x21b: {  	v15 =	vld [tilespmem:$0x20D0];
	v26 =	vmul.f32 v52, v22;
	v62 =	vmul.f32 v62, v7  }
0x21c: {  	v27 =	vld [tilespmem:$0x20E0];
	v63 =	vmul.f32 v53, v21;
	v51 =	vmul.f32 v16, v6  }
0x21d: {  	v28 =	vld [tilespmem:$0x2480];
	v52 =	vmul.f32 v54, v14;
	v53 =	vmul.f32 v17, v5  }
0x21e: {  	v29 =	vld [tilespmem:$0x24A0];
	v54 =	vmul.f32 v55, v8;
	v55 =	vmul.f32 v18, v3  }
0x21f: {  	v30 =	vld [tilespmem:$0x2100];
	v56 =	vmul.f32 v56, v7;
	v57 =	vmul.f32 v57, v23  }
0x220: {  	v38 =	vld [tilespmem:$0x2110];
	v58 =	vmul.f32 v58, v22;
	v19 =	vmul.f32 v19, v2  }
0x221: {  	v37 =	vld [tilespmem:$0x2150];
	v32 =	vmul.f32 v32, v5;
	v12 =	vmul.f32 v12, v22  }
0x222: {  	v18 =	vld [tilespmem:$0x24B0];
	v20 =	vmul.f32 v20, v1;
	v33 =	vmul.f32 v33, v3;
	v9 =	vadd.f32 v10, v9  }
0x223: {  	v50 =	vld [tilespmem:$0x20C0];
	v13 =	vmul.f32 v13, v14;
	v24 =	vmul.f32 v24, v0;
	v25 =	vadd.f32 v26, v25  }
0x224: {  	v34 =	vmul.f32 v34, v2;
	v11 =	vmul.f32 v11, v0;
	v26 =	vld [tilespmem:$0x2500];
	v9 =	vadd.f32 v59, v9  }
0x225: {  	v16 =	vld [tilespmem:$0x20F0];
	v10 =	vadd.f32 v58, v57;
	v58 =	vmul.f32 v44, v5;
	v25 =	vadd.f32 v63, v25  }
0x226: {  	v17 =	vld [tilespmem:$0x2490];
	v59 =	vmul.f32 v31, v6;
	v63 =	vmul.f32 v49, v21;
	v9 =	vadd.f32 v60, v9  }
0x227: {  	v44 =	vld [tilespmem:$0x2290];
	v49 =	vmul.f32 v41, v8;
	v18 =	vmul.f32 v18, v0;
	v25 =	vadd.f32 v52, v25  }
0x228: {  	v31 =	vld [tilespmem:$0x2120];
	v60 =	vmul.f32 v39, v21;
	v52 =	vmul.f32 v42, v7;
	v9 =	vadd.f32 v61, v9  }
0x229: {  	v41 =	vld [tilespmem:$0x2280];
	v26 =	vmul.f32 v26, v3;
	v25 =	vadd.f32 v54, v25;
	v61 =	vmul.f32 v48, v23  }
0x22a: {  	v39 =	vld [tilespmem:$0x2130];
	v10 =	vadd.f32 v60, v10;
	v60 =	vmul.f32 v27, v6;
	v9 =	vadd.f32 v62, v9  }
0x22b: {  	v48 =	vld [tilespmem:$0x2140];
	v25 =	vadd.f32 v56, v25;
	v62 =	vmul.f32 v40, v14;
	v12 =	vadd.f32 v12, v61  }
0x22c: {  	v27 =	vld [tilespmem:$0x21A0];
	v56 =	vmul.f32 v15, v7;
	v61 =	vmul.f32 v35, v1;
	v9 =	vadd.f32 v51, v9  }
0x22d: {  	v40 =	vld [tilespmem:$0x2170];
	v25 =	vadd.f32 v59, v25;
	v10 =	vadd.f32 v62, v10;
	v62 =	vmul.f32 v45, v3  }
0x22e: {  	v15 =	vld [tilespmem:$0x2180];
	v12 =	vadd.f32 v63, v12;
	v63 =	vmul.f32 v46, v2;
	v45 =	vmul.f32 v16, v5  }
0x22f: {  	v59 =	vld [tilespmem:$0x2190];
	v46 =	vmul.f32 v30, v23;
	v9 =	vadd.f32 v53, v9;
	v25 =	vadd.f32 v32, v25  }
0x230: {  	v35 =	vld [tilespmem:$0x21B0];
	v51 =	vadd.f32 v49, v10;
	v12 =	vadd.f32 v13, v12;
	v53 =	vmul.f32 v50, v8  }
0x231: {  	v16 =	vld [tilespmem:$0x21C0];
	v49 =	vmul.f32 v38, v22;
	v50 =	vmul.f32 v28, v3;
	v9 =	vadd.f32 v55, v9  }
0x232: {  	v32 =	vld [tilespmem:$0x2160];
	v25 =	vadd.f32 v33, v25;
	v54 =	vadd.f32 v52, v51;
	v55 =	vmul.f32 v43, v6  }
0x233: {  	v12 =	vadd.f32 v53, v12;
	v51 =	vmul.f32 v31, v21;
	v31 =	vld [tilespmem:$0x21F0];
	v52 =	vmul.f32 v36, v0  }
0x234: {  	v53 =	vmul.f32 v17, v2;
	v17 =	vld [tilespmem:$0x2580];
	v59 =	vmul.f32 v59, v22;
	v9 =	vadd.f32 v19, v9  }
0x235: {  	v33 =	vld [tilespmem:$0x2520];
	v57 =	vadd.f32 v55, v54;
	v25 =	vadd.f32 v34, v25;
	v54 =	vmul.f32 v47, v1  }
0x236: {  	v38 =	vld [tilespmem:$0x21D0];
	v12 =	vadd.f32 v56, v12;
	v55 =	vmul.f32 v39, v14;
	v56 =	vmul.f32 v29, v1  }
0x237: {  	v28 =	vld [tilespmem:$0x21E0];
	v47 =	vmul.f32 v40, v5;
	v43 =	vmul.f32 v32, v6;
	v20 =	vadd.f32 v20, v9  }
0x238: {  	v19 =	vld [tilespmem:$0x2510];
	v12 =	vadd.f32 v60, v12;
	v25 =	vadd.f32 v61, v25;
	v61 =	vmul.f32 v37, v7  }
0x239: {  	v39 =	vld [tilespmem:$0x2590];
	v30 =	vmul.f32 v31, v5;
	v36 =	vmul.f32 v17, v3;
	v10 =	vadd.f32 v24, v20  }
0x23a: {  	v60 =	vld [tilespmem:$0x2200];
	v40 =	vmul.f32 v33, v1;
	v20 =	vadd.f32 v58, v57;
	v12 =	vadd.f32 v45, v12  }
0x23b: {  	v9 =	vld [tilespmem:$0x2530];
	v24 =	vadd.f32 v49, v46;
	v57 =	vmul.f32 v48, v8;
	v58 =	vmul.f32 v15, v23  }
0x23c: {  	v31 =	vld [tilespmem:$0x2270];
	v25 =	vadd.f32 v52, v25;
	v45 =	vmul.f32 v35, v14;
	v49 =	vmul.f32 v16, v8  }
0x23d: {  	v19 =	vmul.f32 v19, v2;
	v20 =	vadd.f32 v62, v20;
	v12 =	vadd.f32 v50, v12;
	v62 =	vld [tilespmem:$0x2210]  }
0x23e: {  	v24 =	vadd.f32 v51, v24;
	v13 =	vadd.f32 v59, v58;
	v51 =	vld [tilespmem:$0x2230];
	v58 =	vmul.f32 v28, v6  }
0x23f: {  	v46 =	vld [tilespmem:$0x2220];
	v50 =	vmul.f32 v60, v23;
	v20 =	vadd.f32 v63, v20;
	v12 =	vadd.f32 v53, v12  }
0x240: {  	v48 =	vld [tilespmem:$0x22A0];
	v23 =	vmul.f32 v41, v23;
	v9 =	vmul.f32 v9, v0;
	v24 =	vadd.f32 v55, v24  }
0x241: {  	v32 =	vld [tilespmem:$0x22F0];
	v63 =	vmul.f32 v27, v21;
	v20 =	vadd.f32 v54, v20;
	v12 =	vadd.f32 v56, v12  }
0x242: {  	v53 =	vld [tilespmem:$0x22B0];
	v24 =	vadd.f32 v57, v24;
	v54 =	vmul.f32 v38, v7;
	v52 =	vmul.f32 v62, v22  }
0x243: {  	v55 =	vld [tilespmem:$0x2240];
	v13 =	vadd.f32 v63, v13;
	v22 =	vmul.f32 v44, v22;
	v59 =	vmul.f32 v51, v14  }
0x244: {  	v56 =	vld [tilespmem:$0x22C0];
	v12 =	vadd.f32 v18, v12;
	v18 =	vmul.f32 v46, v21;
	v16 =	vadd.f32 v52, v50  }
0x245: {  	v57 =	vld [tilespmem:$0x2250];
	v44 =	vmul.f32 v31, v5;
	v21 =	vmul.f32 v48, v21;
	v22 =	vadd.f32 v22, v23  }
0x246: {  	v60 =	vld [tilespmem:$0x22D0];
	v5 =	vmul.f32 v32, v5;
	v13 =	vadd.f32 v45, v13;
	v16 =	vadd.f32 v18, v16  }
0x247: {  	v42 =	vadd.f32 v61, v24;
	v61 =	vld [tilespmem:$0x2260];
	v14 =	vmul.f32 v53, v14;
	v21 =	vadd.f32 v21, v22  }
0x248: {  	v63 =	vld [tilespmem:$0x22E0];
	v62 =	vmul.f32 v55, v8;
	v13 =	vadd.f32 v49, v13;
	v16 =	vadd.f32 v59, v16  }
0x249: {  	v29 =	vld [tilespmem:$0x25A0];
	v11 =	vadd.f32 v11, v20;
	v8 =	vmul.f32 v56, v8;
	v14 =	vadd.f32 v14, v21  }
0x24a: {  	v35 =	vld [tilespmem:$0x2600];
	v15 =	vmul.f32 v57, v7;
	v13 =	vadd.f32 v54, v13;
	v16 =	vadd.f32 v62, v16  }
0x24b: {  	v41 =	vld [tilespmem:$0x2610];
	v20 =	vadd.f32 v43, v42;
	v7 =	vmul.f32 v60, v7;
	v8 =	vadd.f32 v8, v14  }
0x24c: {  	v38 =	vld [tilespmem:$0x2680];
	v37 =	vmul.f32 v61, v6;
	v13 =	vadd.f32 v58, v13;
	v15 =	vadd.f32 v15, v16  }
0x24d: {  	v34 =	vld [tilespmem:$0x25B0];
	v20 =	vadd.f32 v47, v20;
	v6 =	vmul.f32 v63, v6;
	v7 =	vadd.f32 v7, v8  }
0x24e: {  	v45 =	vld [tilespmem:$0x2690];
	v46 =	vmul.f32 v39, v2;
	v13 =	vadd.f32 v30, v13;
	v43 =	vadd.f32 v37, v15  }
0x24f: {  	v48 =	vmul.f32 v35, v3;
	v47 =	vld [tilespmem:$0x2620];
	v20 =	vadd.f32 v26, v20;
	v6 =	vadd.f32 v6, v7  }
0x250: {  	v51 =	vmul.f32 v41, v2;
	v49 =	vld [tilespmem:$0x26A0];
	v42 =	vadd.f32 v36, v13;
	v13 =	vadd.f32 v44, v43  }
0x251: {  	v50 =	vld [tilespmem:$0x2630];
	v3 =	vmul.f32 v38, v3;
	v19 =	vadd.f32 v19, v20;
	v5 =	vadd.f32 v5, v6  }
0x252: {  	v52 =	vld [tilespmem:$0x26B0];
	v8 =	vadd.f32 v46, v42;
	v6 =	vmul.f32 v29, v1;
	v13 =	vadd.f32 v48, v13  }
0x253: {  	v2 =	vmul.f32 v45, v2;
	v7 =	vadd.f32 v40, v19;
	v3 =	vadd.f32 v3, v5  }
0x254: {  	(xrf2) =	vadd.scan.msk.f32 $0xffff, v10;
	v53 =	vmul.f32 v47, v1;
	v5 =	vadd.f32 v6, v8;
	v6 =	vadd.f32 v51, v13  }
0x255: {  	(xrf2) =	vadd.scan.msk.f32 $0xffff, v25;
	v54 =	vmul.f32 v34, v0;
	v1 =	vmul.f32 v49, v1;
	v2 =	vadd.f32 v2, v3  }
0x256: {  	(xrf2) =	vadd.scan.msk.f32 $0xffff, v11;
	v3 =	vadd.f32 v9, v7;
	v7 =	vmul.f32 v50, v0;
	v6 =	vadd.f32 v53, v6  }
0x257: {  	(xrf2) =	vadd.scan.msk.f32 $0xffff, v12;
	v5 =	vadd.f32 v54, v5;
	v0 =	vmul.f32 v52, v0;
	v1 =	vadd.f32 v1, v2  }
0x258: {  	(xrf2) =	vadd.scan.msk.f32 $0xffff, v3;
	v55 =	vadd.f32 v7, v6  }
0x259: {  	(xrf2) =	vadd.scan.msk.f32 $0xffff, v5;
	v0 =	vadd.f32 v0, v1  }
0x25a: {  	(xrf2) =	vadd.scan.msk.f32 $0xffff, v55  }
0x25b: {  	(xrf2) =	vadd.scan.msk.f32 $0xffff, v0;
	_ =	sdelay $0x2  }
0x25c: {  	v56, _, _ =	vpop (xrf2)  }
0x25d: {  	v57, _, _ =	vpop (xrf2);
	v0 =	vbroadcast v56, $0xF  }
0x25e: {  	vm0 =	vmmov $0x1;
	v58, _, _ =	vpop (xrf2);
	v1 =	vbroadcast v57, $0xF  }
0x25f: {  	vm1 =	vcmask $0x320;
	v2 =	vbroadcast v58, $0xF;
	v3, _, _ =	vpop (xrf2);
	v0 =	vnsel vm0, $0x0, v0  }
0x260: {  	v59 =	vbroadcast v3, $0xF;
	v0 =	vsel vm1, v0, v1;
	vm1 =	vcmask $0x720;
	v5, _, _ =	vpop (xrf2)  }
0x261: {  	v0 =	vsel vm1, v0, v2;
	vm1 =	vcmask $0xB20;
	v3, _, _ =	vpop (xrf2);
	v60 =	vbroadcast v5, $0xF  }
0x262: {  	v0 =	vsel vm1, v0, v59;
	vm1 =	vcmask $0xF20;
	v61 =	vbroadcast v3, $0xF;
	v3 =	vld [tilespmem:$0x2900];
	v5, _, _ =	vpop (xrf2)  }
0x263: {  	v0 =	vsel vm1, v0, v60;
	vm1 =	vcmask $0x1320;
	v62 =	vbroadcast v5, $0xF;
	v5, _, _ =	vpop (xrf2)  }
0x264: {  	v0 =	vsel vm1, v0, v61;
	vm1 =	vcmask $0x1720;
	v63 =	vbroadcast v5, $0xF  }
0x265: {  	v0 =	vsel vm1, v0, v62;
	vm1 =	vcmask $0x1B20  }
0x266: {  	v0 =	vsel vm1, v0, v63  }
0x267: {  	v0 =	vadd.f32 v0, v3;
	_ =	sdelay $0x1  }
0x268: {  	[tilespmem:$0x2A00] =	vst v0  }
0x269: {  	[spmem:s4] =	stream.linear.scatter [tilespmem:s30], [sflag:$0x5], $0x8, $0x38;
	[tilespmem:$0x2B28] =	vst v63  }
.Ltmp3:
0x26a: {  	_ =	swait.ge [sflag:s7], $0x8;
	(pc) =	sbr.rel @p0 .LBB2_8-.Ltmp3, $3  }
0x26b: {  	[sflag:s7] =	ssyncset.done $0x0  }
0x26c: {  	[sflag:s7] =	ssyncadd.s32 $0xFFFFFFF8  }
0x26d: {  	[bflag:$0x0] =	sbarrier.arrive $0xFFFF;
	_ =	sdelay $0x1  }
0x26e: {  	s4 =	simm.s32 $0x2700  }
0x26f: {  	[tilespmem:s4], [sflag:$0x5] =	stream.linear.gather [spmem:s3], $0x80, $0x38;
	[tilespmem:$0x2B28] =	vst v63  }
0x270: {  	_ =	swait.ge [sflag:s7], $0x80  }
0x271: {  	[sflag:s7] =	ssyncset.done $0x0  }
0x272: {  	[sflag:s7] =	ssyncadd.s32 $0xFFFFFF80  }
0x273: {  	v0 =	vld [tilespmem:$0x2700]  }
0x274: {  	v1 =	vld [tilespmem:$0x2710]  }
0x275: {  	v2 =	vld [tilespmem:$0x2720]  }
0x276: {  	v3 =	vld [tilespmem:$0x2730]  }
0x277: {  	v5 =	vld [tilespmem:$0x2740]  }
0x278: {  	v6 =	vld [tilespmem:$0x2750]  }
0x279: {  	v7 =	vld [tilespmem:$0x2760]  }
0x27a: {  	v8 =	vld [tilespmem:$0x2770]  }
0x27b: {  	v9 =	vld [tilespmem:$0x2780]  }
0x27c: {  	v10 =	vld [tilespmem:$0x2790]  }
0x27d: {  	v11 =	vld [tilespmem:$0x27A0]  }
0x27e: {  	v12 =	vld [tilespmem:$0x2800]  }
0x27f: {  	v13 =	vld [tilespmem:$0x2810]  }
0x280: {  	v14 =	vld [tilespmem:$0x27B0]  }
0x281: {  	v15 =	vld [tilespmem:$0x2820]  }
0x282: {  	v16 =	vld [tilespmem:$0x27C0];
	v9 =	vmul.f32 v9, v0;
	v10 =	vmul.f32 v10, v1  }
0x283: {  	v36 =	vld [tilespmem:$0x2830];
	v35 =	vmul.f32 v11, v2  }
0x284: {  	v37 =	vld [tilespmem:$0x27D0];
	v0 =	vmul.f32 v12, v0;
	v1 =	vmul.f32 v13, v1;
	v9 =	vadd.f32 v10, v9  }
0x285: {  	v39 =	vld [tilespmem:$0x2840];
	v38 =	vmul.f32 v14, v3  }
0x286: {  	v41 =	vld [tilespmem:$0x27E0];
	v40 =	vmul.f32 v15, v2;
	v0 =	vadd.f32 v1, v0;
	v9 =	vadd.f32 v35, v9  }
0x287: {  	v43 =	vld [tilespmem:$0x2850];
	v42 =	vmul.f32 v16, v5  }
0x288: {  	v45 =	vld [tilespmem:$0x27F0];
	v44 =	vmul.f32 v36, v3;
	v0 =	vadd.f32 v40, v0;
	v9 =	vadd.f32 v38, v9  }
0x289: {  	v47 =	vld [tilespmem:$0x2860];
	v46 =	vmul.f32 v37, v6  }
0x28a: {  	v49 =	vld [tilespmem:$0x2980];
	v48 =	vmul.f32 v39, v5;
	v0 =	vadd.f32 v44, v0;
	v9 =	vadd.f32 v42, v9  }
0x28b: {  	v50 =	vld [tilespmem:$0x2870];
	v2 =	vmul.f32 v41, v7  }
0x28c: {  	v51 =	vmul.f32 v43, v6;
	v0 =	vadd.f32 v48, v0;
	v9 =	vadd.f32 v46, v9  }
0x28d: {  	v3 =	vmul.f32 v45, v8  }
0x28e: {  	v52 =	vmul.f32 v47, v7;
	v0 =	vadd.f32 v51, v0;
	v2 =	vadd.f32 v2, v9  }
0x28f: {  	v53 =	vnsel vm0, $0x0, v49  }
0x290: {  	v54 =	vmul.f32 v50, v8;
	v0 =	vadd.f32 v52, v0;
	v2 =	vadd.f32 v3, v2  }
0x291: {  	vm14 =	vcmask $0x308;
	(xrf2) =	vadd.scan.msk.f32 $0xffff, v53  }
0x292: {  	v55 =	vsel vm14, $0x0, v49;
	v0 =	vadd.f32 v54, v0;
	(xrf2) =	vadd.scan.msk.f32 $0xffff, v2  }
0x293: {  	(xrf2) =	vadd.scan.msk.f32 $0xffff, v55  }
0x294: {  	(xrf2) =	vadd.scan.msk.f32 $0xffff, v0;
	_ =	sdelay $0x6  }
0x295: {  	v56, _, _ =	vpop (xrf2)  }
0x296: {  	(v2sf) =	vpush v56, $0xF;
	v57, _, _ =	vpop (xrf2)  }
0x297: {  	v58, _, _ =	vpop (xrf2);
	(v2sf) =	vpush v57, $0xF  }
0x298: {  	(v2sf) =	vpush v58, $0xF;
	v59, _, _ =	vpop (xrf2)  }
0x299: {  	(v2sf) =	vpush v59, $0xF;
	_ =	sdelay $0xb  }
0x29a: {  	s26 =	spop (v2sf)  }
0x29b: {  	s28 =	spop (v2sf)  }
0x29c: {  	s5 =	spop (v2sf)  }
0x29d: {  	s3 =	sadd.f32 s26, s28;
	s29 =	spop (v2sf)  }
0x29e: {  	s4 =	sadd.f32 s29, s5;
	_ =	sdelay $0x1  }
0x29f: {  	s5 =	ssub.f32 s3, s4;
	_ =	sdelay $0x1  }
0x2a0: {  	s5 =	sand.u32 $0x7FFFFFFF, s5  }
0x2a1: {  	s5 =	ssub.f32 $0.0e+00, s5;
	_ =	sdelay $0x1  }
0x2a2: {  	v60 =	vmov s5  }
0x2a3: {  	v0 =	vmul.f32 $1.442695020e+00, v60;
	_ =	sdelay $0x1  }
0x2a4: {  	v0 =	vbroadcast v0, $0x0;
	_ =	sdelay $0x1  }
0x2a5: {  	(erf) = vpow2.f32 v0;
	_ =	sdelay $0x8  }
0x2a6: {  	v0 =	vpop (erf)  }
0x2a7: {  	v61 =	vadd.f32 $2.000000000e+00, v0;
	_ =	sdelay $0x1  }
0x2a8: {  	(erf) = vrcp.f32 v61;
	_ =	sdelay $0x8  }
0x2a9: {  	v1 =	vpop (erf)  }
0x2aa: {  	v0 =	vmul.f32 v1, v0;
	_ =	sdelay $0x1  }
0x2ab: {  	v1 =	vmul.f32 v0, v0;
	_ =	sdelay $0x1  }
0x2ac: {  	v62 =	vmul.f32 $9.090909360e-02, v1;
	_ =	sdelay $0x1  }
0x2ad: {  	v2 =	vadd.f32 $1.111111120e-01, v62;
	_ =	sdelay $0x1  }
0x2ae: {  	v2 =	vmul.f32 v2, v1;
	_ =	sdelay $0x1  }
0x2af: {  	v2 =	vadd.f32 $1.428571490e-01, v2;
	_ =	sdelay $0x1  }
0x2b0: {  	v2 =	vmul.f32 v2, v1;
	_ =	sdelay $0x1  }
0x2b1: {  	v2 =	vadd.f32 $2.000000030e-01, v2;
	_ =	sdelay $0x1  }
0x2b2: {  	v2 =	vmul.f32 v2, v1;
	_ =	sdelay $0x1  }
0x2b3: {  	v2 =	vadd.f32 $3.333333430e-01, v2;
	_ =	sdelay $0x1  }
0x2b4: {  	v1 =	vmul.f32 v2, v1;
	_ =	sdelay $0x1  }
0x2b5: {  	v0 =	vadd.f32 v0, v0;
	v1 =	vadd.f32 $1.000000000e+00, v1;
	_ =	sdelay $0x1  }
0x2b6: {  	v0 =	vmul.f32 v1, v0  }
0x2b7: {  	s30 =	smax.f32 s3, s4  }
0x2b8: {  	vm15 =	veq.s32 v4, $0x0;
	v63 =	vmov s4;
	v0 =	vadd.f32 s30, v0  }
0x2b9: {  	v1 =	vsel vm15, s3, v63  }
0x2ba: {  	v0 =	vsub.f32 v1, v0;
	_ =	sdelay $0x1  }
0x2bb: {  	s31 =	simm.s32 $0x0;
	[tilespmem:$0x2A80] =	vst v0  }
0x2bc: {  	[hbm4b:s2+s31] =	stream.linear.scatter [tilespmem:s8], [sflag:$0x5], $0x2, $0x38;
	[tilespmem:$0x2B28] =	vst v63  }
0x2bd: {  	_ =	swait.ge [sflag:s7], $0x2  }
0x2be: {  	[sflag:s7] =	ssyncset.done $0x0  }
0x2bf: {  	[sflag:s7] =	ssyncadd.s32 $0xFFFFFFFE  }
.LBB2_8:
0x2c0: {  	_ =	sfence.sel $0x180000  }
0x2c1: {  	[bflag:$0x0] =	sbarrier.arrive $0xFFFF  }
0x2c2: {  	p0 =	sne.s32 s1, $0x0;
	_ =	strace $0x90000047  }
0x2c3: {  	s0 =	sadd.s32 @!p0 $0x100000, s0;
	[bflag:$0x2] =	sbarrier.arrive $0xFFFF  }
0x2c4: {  	[sflag:s0] =	ssyncadd.tile.s32 @!p0 $0x1;
	_ =	shalt  }
.Lfunc_end2:
_tile_overlayer_lowered:
.L_overlay_start_2:
0x2c5: {  	(tag) =	ssettag $0x2  }
0x2c6: {  	s0 =	rddreg [dreg:$0x0];
	s2 =	stileid.u32  }
0x2c7: {  	s1 =	rddreg [dreg:$0x1];
	p0 =	sne.s32 s2, $0x0  }
0x2c8: {  	s3 =	rddreg [dreg:$0x2];
	[bflag:$0x3] =	sbarrier.arrive $0xFFFF;
	s2 =	simm.s32 @!p0 $0x1C05  }
0x2c9: {  	[timem:s3], [sflag:s2] =	dma.local @!p0 [hbm:s0], s1  }
0x2ca: {  	s0 =	simm.s32 @!p0 $0x5  }
0x2cb: {  	_ =	swait.ge @!p0 [sflag:s0], s1  }
0x2cc: {  	s1 =	ssub.s32 @!p0 $0x0, s1;
	[sflag:s0] =	ssyncset.done @!p0 $0x0  }
0x2cd: {  	[sflag:s0] =	ssyncadd.s32 @!p0 s1  }
0x2ce: {  	[bflag:$0x3] =	sbarrier.arrive $0xFFFF  }
0x2cf: {  	_ =	shalt  }

</sc_bundles>
